<compile_context>
chip_gen: v7x
topology: tpu7x:2x2x1
jax: 0.10.2.dev20260603
libtpu: 0.0.44.dev20260713+nightly
codegen_flags: <defaults>
</compile_context>

<pallas_src>
import functools

import jax
import jax.numpy as jnp
from jax import lax
from jax.experimental import pallas as pl
from jax.experimental.pallas import tpu as pltpu
from jax.experimental.pallas import tpu_sc as plsc

NBUF = 2
UNROLL = 16


@functools.cache
def _make_kernel(V, D, NB, H):
    info = plsc.get_sparse_core_info()
    NC, NS = info.num_cores, info.num_subcores
    NW = NC * NS
    assert NB % NW == 0 and H % NBUF == 0
    Cb = NB // NW
    mesh = plsc.VectorSubcoreMesh(core_axis_name="c", subcore_axis_name="s")

    assert D % 8 == 0 and NB % 128 == 0 and Cb % 128 == 0

    @functools.partial(
        pl.kernel,
        out_type=jax.ShapeDtypeStruct((H, D // 8, NB // 128, 8, 128),
                                      jnp.float32),
        mesh=mesh,
        scratch_types=[
            pltpu.VMEM((NBUF, Cb), jnp.int32),
            pltpu.VMEM((NBUF, Cb, D), jnp.float32),
            pltpu.VMEM((NBUF, D, Cb + 1), jnp.float32),
            [pltpu.SemaphoreType.DMA] * NBUF,
            [pltpu.SemaphoreType.DMA] * NBUF,
            [pltpu.SemaphoreType.DMA] * NBUF,
        ],
        compiler_params=pltpu.CompilerParams(
            use_tc_tiling_on_sc=False, needs_layout_passes=False
        ),
    )
    def k(xt_hbm, table_hbm, out_hbm, idx_v, rows_v, trows_v,
          sem_i, sem_g, sem_s):
        wid = lax.axis_index("s") * NC + lax.axis_index("c")
        b0 = wid * Cb
        lane = jnp.arange(D, dtype=jnp.int32)

        for b in range(NBUF):
            pltpu.async_copy(
                xt_hbm.at[pl.ds(b * NB + b0, Cb)], idx_v.at[b], sem_i[b]
            )
        pltpu.make_async_copy(
            xt_hbm.at[pl.ds(0, Cb)], idx_v.at[0], sem_i[0]
        ).wait()
        pltpu.async_copy(table_hbm.at[idx_v.at[0]], rows_v.at[0], sem_g[0])

        def outer(j, carry):
            for b in range(NBUF):
                h = j * NBUF + b
                nb = (b + 1) % NBUF
                @pl.when(h + 1 < H)
                def _():
                    pltpu.make_async_copy(
                        xt_hbm.at[pl.ds(0, Cb)], idx_v.at[nb], sem_i[nb]
                    ).wait()
                    pltpu.async_copy(
                        table_hbm.at[idx_v.at[nb]], rows_v.at[nb], sem_g[nb]
                    )
                pltpu.make_async_copy(
                    table_hbm.at[idx_v.at[b]], rows_v.at[b], sem_g[b]
                ).wait()
                @pl.when(j > 0)
                def _():
                    pltpu.make_async_copy(
                        table_hbm.at[pl.ds(0, Cb)], rows_v.at[b], sem_s[b]
                    ).wait()

                def transp(j0, c):
                    for u in range(UNROLL):
                        jj = j0 * UNROLL + u
                        row = rows_v.at[b][jj]
                        plsc.store_scatter(
                            trows_v.at[b], [lane, jnp.full((D,), jj,
                                                           jnp.int32)], row
                        )
                    return c

                lax.fori_loop(0, Cb // UNROLL, transp, 0)

                for s in range(D // 8):
                    for t in range(Cb // 128):
                        pltpu.async_copy(
                            trows_v.at[b].at[pl.ds(8 * s, 8),
                                             pl.ds(128 * t, 128)],
                            out_hbm.at[h].at[s].at[b0 // 128 + t],
                            sem_s[b],
                        )
                @pl.when(h + NBUF < H)
                def _():
                    pltpu.async_copy(
                        xt_hbm.at[pl.ds((h + NBUF) * NB + b0, Cb)],
                        idx_v.at[b],
                        sem_i[b],
                    )
            return carry

        lax.fori_loop(0, H // NBUF, outer, 0)

        for b in range(NBUF):
            pltpu.make_async_copy(
                table_hbm.at[pl.ds(0, Cb)], rows_v.at[b], sem_s[b]
            ).wait()

    return k


def kernel(x, table):
    NB, H = x.shape
    V, D = table.shape
    xt = jnp.transpose(x, (1, 0)).astype(jnp.int32).reshape(H * NB)
    tbl_t = jax.lax.optimization_barrier(jnp.transpose(table, (1, 0)))
    tbl_lin = jnp.transpose(tbl_t, (1, 0))
    out5 = _make_kernel(V, D, NB, H)(xt, tbl_lin)
    return jnp.transpose(out5, (2, 4, 0, 1, 3)).reshape(NB, H, D)

# --- scband reference (transcript-rebuilt; emitter-appended) ---
"""Pipeline reference for scband-rnn-53730040873487 (READ-ONLY COPY).

The authoritative reference and input builder live on the scoring server;
editing this copy changes nothing except your own understanding.
"""

import jax, jax.numpy as jnp
import numpy as np

VOCAB = 1000000
EMB_DIM = 16
BATCH = 16384
HIST = 200

def setup_inputs(seed: int = 0) -> dict:
    key = jax.random.key(seed)
    k_idx, k_tab = jax.random.split(key)
    x = jax.random.randint(k_idx, (BATCH, HIST), 0, VOCAB, dtype=jnp.int64)
    table = jax.random.normal(k_tab, (VOCAB, EMB_DIM), dtype=jnp.float32)
    return {"x": x, "table": table}

def reference(x, table):
    # Faithful translation of the module's forward: an embedding lookup
    # embed_out = self.embeddings(inputs)
    embed_out = jnp.take(table, x, axis=0)
    return embed_out

if __name__ == "__main__":
    import jax
    _d = setup_inputs()
    print(jax.jit(kernel)(*tuple(_d.values())))

</pallas_src>

<mosaic_0001>
#map = affine_map<(d0, d1) -> (0)>
#map1 = affine_map<(d0, d1) -> (0, 0)>
#map2 = affine_map<(d0, d1) -> (0, 0, 0, 0, 0)>
module attributes {stable_mosaic.version = 14 : i64} {
  func.func @k(%arg0: i32, %arg1: i32, %arg2: memref<3276800xi32, #tpu.memory_space<hbm>>, %arg3: memref<1000000x16xf32, #tpu.memory_space<hbm>>, %arg4: memref<200x2x128x8x128xf32, #tpu.memory_space<hbm>>, %arg5: memref<2x512xi32, #tpu.memory_space<vmem>>, %arg6: memref<2x512x16xf32, #tpu.memory_space<vmem>>, %arg7: memref<2x16x513xf32, #tpu.memory_space<vmem>>, %arg8: memref<!tpu.dma_semaphore, #tpu.memory_space<semaphore_mem>>, %arg9: memref<!tpu.dma_semaphore, #tpu.memory_space<semaphore_mem>>, %arg10: memref<!tpu.dma_semaphore, #tpu.memory_space<semaphore_mem>>, %arg11: memref<!tpu.dma_semaphore, #tpu.memory_space<semaphore_mem>>, %arg12: memref<!tpu.dma_semaphore, #tpu.memory_space<semaphore_mem>>, %arg13: memref<!tpu.dma_semaphore, #tpu.memory_space<semaphore_mem>>) attributes {dimension_semantics = [#tpu.dimension_semantics<core_parallel>, #tpu.dimension_semantics<subcore_parallel>], iteration_bounds = array<i64: 2, 16>, scalar_prefetch = 0 : i64, scratch_operands = 9 : i64, tpu.core_type = #tpu.core_type<sc_vector_subcore>, window_params = [{transform_indices = #map}, {transform_indices = #map1}, {transform_indices = #map2}]} {
    %mul3A = arith.constant 2 : i32
    %mul3A_0 = arith.muli %arg1, %mul3A : i32
    %add3A = arith.addi %mul3A_0, %arg0 : i32
    %mul3A_1 = arith.constant 512 : i32
    %mul3A_2 = arith.muli %add3A, %mul3A_1 : i32
    %iota3A = tpu.iota {dimensions = array<i32: 0>} : vector<16xi32>
    %add3A_3 = arith.constant 0 : i32
    %add3A_4 = arith.addi %add3A_3, %mul3A_2 : i32
    %dma_start3A = arith.constant 0 : i32
    %dma_start3A_5 = arith.constant 0 : i32
    %dma_start3A_6 = tpu.memref_slice %arg5[%dma_start3A, %dma_start3A_5] : memref<2x512xi32, #tpu.memory_space<vmem>> -> memref<1x512xi32, #tpu.memory_space<vmem>>
    %dma_start3A_7 = tpu.memref_squeeze %dma_start3A_6 : memref<1x512xi32, #tpu.memory_space<vmem>> -> memref<512xi32, #tpu.memory_space<vmem>>
    %dma_start3A_8 = tpu.memref_slice %arg2[%add3A_4] : memref<3276800xi32, #tpu.memory_space<hbm>> -> memref<512xi32, #tpu.memory_space<hbm>>
    %dma_start3A_9 = arith.constant 0 : i32
    %dma_start3A_10 = tpu.memref_slice %arg5[%dma_start3A, %dma_start3A_9] : memref<2x512xi32, #tpu.memory_space<vmem>> -> memref<1x512xi32, #tpu.memory_space<vmem>>
    %dma_start3A_11 = tpu.memref_squeeze %dma_start3A_10 : memref<1x512xi32, #tpu.memory_space<vmem>> -> memref<512xi32, #tpu.memory_space<vmem>>
    %dma_start3A_12 = tpu.memref_slice %arg2[%add3A_4] : memref<3276800xi32, #tpu.memory_space<hbm>> -> memref<512xi32, #tpu.memory_space<hbm>>
    tpu.enqueue_dma source(%dma_start3A_12 : memref<512xi32, #tpu.memory_space<hbm>>) target(%dma_start3A_11 : memref<512xi32, #tpu.memory_space<vmem>>) target_semaphore(%arg8 : memref<!tpu.dma_semaphore, #tpu.memory_space<semaphore_mem>>)
    %add3A_13 = arith.constant 16384 : i32
    %add3A_14 = arith.addi %add3A_13, %mul3A_2 : i32
    %dma_start3A_15 = arith.constant 1 : i32
    %dma_start3A_16 = arith.constant 0 : i32
    %dma_start3A_17 = tpu.memref_slice %arg5[%dma_start3A_15, %dma_start3A_16] : memref<2x512xi32, #tpu.memory_space<vmem>> -> memref<1x512xi32, #tpu.memory_space<vmem>>
    %dma_start3A_18 = tpu.memref_squeeze %dma_start3A_17 : memref<1x512xi32, #tpu.memory_space<vmem>> -> memref<512xi32, #tpu.memory_space<vmem>>
    %dma_start3A_19 = tpu.memref_slice %arg2[%add3A_14] : memref<3276800xi32, #tpu.memory_space<hbm>> -> memref<512xi32, #tpu.memory_space<hbm>>
    %dma_start3A_20 = arith.constant 0 : i32
    %dma_start3A_21 = tpu.memref_slice %arg5[%dma_start3A_15, %dma_start3A_20] : memref<2x512xi32, #tpu.memory_space<vmem>> -> memref<1x512xi32, #tpu.memory_space<vmem>>
    %dma_start3A_22 = tpu.memref_squeeze %dma_start3A_21 : memref<1x512xi32, #tpu.memory_space<vmem>> -> memref<512xi32, #tpu.memory_space<vmem>>
    %dma_start3A_23 = tpu.memref_slice %arg2[%add3A_14] : memref<3276800xi32, #tpu.memory_space<hbm>> -> memref<512xi32, #tpu.memory_space<hbm>>
    tpu.enqueue_dma source(%dma_start3A_23 : memref<512xi32, #tpu.memory_space<hbm>>) target(%dma_start3A_22 : memref<512xi32, #tpu.memory_space<vmem>>) target_semaphore(%arg9 : memref<!tpu.dma_semaphore, #tpu.memory_space<semaphore_mem>>)
    %dma_wait3A = arith.constant 0 : i32
    %dma_wait3A_24 = arith.constant 0 : i32
    %dma_wait3A_25 = tpu.memref_slice %arg5[%dma_wait3A, %dma_wait3A_24] : memref<2x512xi32, #tpu.memory_space<vmem>> -> memref<1x512xi32, #tpu.memory_space<vmem>>
    %dma_wait3A_26 = tpu.memref_squeeze %dma_wait3A_25 : memref<1x512xi32, #tpu.memory_space<vmem>> -> memref<512xi32, #tpu.memory_space<vmem>>
    %dma_wait3A_27 = arith.constant 0 : i32
    %dma_wait3A_28 = tpu.memref_slice %arg2[%dma_wait3A_27] : memref<3276800xi32, #tpu.memory_space<hbm>> -> memref<512xi32, #tpu.memory_space<hbm>>
    %dma_wait3A_29 = arith.constant 0 : i32
    %dma_wait3A_30 = tpu.memref_slice %arg5[%dma_wait3A, %dma_wait3A_29] : memref<2x512xi32, #tpu.memory_space<vmem>> -> memref<1x512xi32, #tpu.memory_space<vmem>>
    %dma_wait3A_31 = tpu.memref_squeeze %dma_wait3A_30 : memref<1x512xi32, #tpu.memory_space<vmem>> -> memref<512xi32, #tpu.memory_space<vmem>>
    %dma_wait3A_32 = arith.constant 0 : i32
    %dma_wait3A_33 = tpu.memref_slice %arg2[%dma_wait3A_32] : memref<3276800xi32, #tpu.memory_space<hbm>> -> memref<512xi32, #tpu.memory_space<hbm>>
    tpu.wait_dma2 semaphore(%arg8 : memref<!tpu.dma_semaphore, #tpu.memory_space<semaphore_mem>>) src(%dma_wait3A_33 : memref<512xi32, #tpu.memory_space<hbm>>) dst(%dma_wait3A_31 : memref<512xi32, #tpu.memory_space<vmem>>)
    %dma_start3A_34 = arith.constant 0 : i32
    %dma_start3A_35 = arith.constant 0 : i32
    %dma_start3A_36 = arith.constant 0 : i32
    %dma_start3A_37 = arith.constant 0 : i32
    %dma_start3A_38 = tpu.memref_slice %arg6[%dma_start3A_35, %dma_start3A_36, %dma_start3A_37] : memref<2x512x16xf32, #tpu.memory_space<vmem>> -> memref<1x512x16xf32, #tpu.memory_space<vmem>>
    %dma_start3A_39 = tpu.memref_squeeze %dma_start3A_38 : memref<1x512x16xf32, #tpu.memory_space<vmem>> -> memref<512x16xf32, #tpu.memory_space<vmem>>
    %dma_start3A_40 = arith.constant 0 : i32
    %dma_start3A_41 = tpu.memref_slice %arg5[%dma_start3A_34, %dma_start3A_40] : memref<2x512xi32, #tpu.memory_space<vmem>> -> memref<1x512xi32, #tpu.memory_space<vmem>>
    %dma_start3A_42 = tpu.memref_squeeze %dma_start3A_41 : memref<1x512xi32, #tpu.memory_space<vmem>> -> memref<512xi32, #tpu.memory_space<vmem>>
    %dma_start3A_43 = arith.constant 0 : i32
    %dma_start3A_44 = arith.constant 0 : i32
    %dma_start3A_45 = tpu.memref_slice %arg3[%dma_start3A_43, %dma_start3A_44] : memref<1000000x16xf32, #tpu.memory_space<hbm>> -> memref<1000000x16xf32, #tpu.memory_space<hbm>>
    tpu.enqueue_indirect_dma source(%dma_start3A_45 : memref<1000000x16xf32, #tpu.memory_space<hbm>>) target(%dma_start3A_39 : memref<512x16xf32, #tpu.memory_space<vmem>>) offsets(%dma_start3A_42 : memref<512xi32, #tpu.memory_space<vmem>>) semaphore(%arg10 : memref<!tpu.dma_semaphore, #tpu.memory_space<semaphore_mem>>)
    %scan3A = arith.constant 0 : i32
    %scan3A_46 = arith.constant 0 : i32
    %scan3A_47 = arith.constant 100 : i32
    %scan3A_48 = arith.addi %scan3A_46, %scan3A_47 : i32
    %scan3A_49 = arith.constant 1 : i32
    scf.for %scan3A_81 = %scan3A_46 to %scan3A_48 step %scan3A_49  : i32 {
      %mul3A_82 = arith.constant 2 : i32
      %mul3A_83 = arith.muli %scan3A_81, %mul3A_82 : i32
      %add3A_84 = arith.constant 0 : i32
      %add3A_85 = arith.addi %mul3A_83, %add3A_84 : i32
      %add3A_86 = arith.constant 1 : i32
      %add3A_87 = arith.addi %add3A_85, %add3A_86 : i32
      %lt3A = arith.constant 200 : i32
      %lt3A_88 = arith.cmpi slt, %add3A_87, %lt3A : i32
      %convert_element_type3A = arith.extui %lt3A_88 : i1 to i32
      %cond3A = arith.constant 0 : i32
      %cond3A_89 = arith.cmpi ne, %convert_element_type3A, %cond3A : i32
      scf.if %cond3A_89 {
        %dma_wait3A_1304 = arith.constant 1 : i32
        %dma_wait3A_1305 = arith.constant 0 : i32
        %dma_wait3A_1306 = tpu.memref_slice %arg5[%dma_wait3A_1304, %dma_wait3A_1305] : memref<2x512xi32, #tpu.memory_space<vmem>> -> memref<1x512xi32, #tpu.memory_space<vmem>>
        %dma_wait3A_1307 = tpu.memref_squeeze %dma_wait3A_1306 : memref<1x512xi32, #tpu.memory_space<vmem>> -> memref<512xi32, #tpu.memory_space<vmem>>
        %dma_wait3A_1308 = arith.constant 0 : i32
        %dma_wait3A_1309 = tpu.memref_slice %arg2[%dma_wait3A_1308] : memref<3276800xi32, #tpu.memory_space<hbm>> -> memref<512xi32, #tpu.memory_space<hbm>>
        %dma_wait3A_1310 = arith.constant 0 : i32
        %dma_wait3A_1311 = tpu.memref_slice %arg5[%dma_wait3A_1304, %dma_wait3A_1310] : memref<2x512xi32, #tpu.memory_space<vmem>> -> memref<1x512xi32, #tpu.memory_space<vmem>>
        %dma_wait3A_1312 = tpu.memref_squeeze %dma_wait3A_1311 : memref<1x512xi32, #tpu.memory_space<vmem>> -> memref<512xi32, #tpu.memory_space<vmem>>
        %dma_wait3A_1313 = arith.constant 0 : i32
        %dma_wait3A_1314 = tpu.memref_slice %arg2[%dma_wait3A_1313] : memref<3276800xi32, #tpu.memory_space<hbm>> -> memref<512xi32, #tpu.memory_space<hbm>>
        tpu.wait_dma2 semaphore(%arg9 : memref<!tpu.dma_semaphore, #tpu.memory_space<semaphore_mem>>) src(%dma_wait3A_1314 : memref<512xi32, #tpu.memory_space<hbm>>) dst(%dma_wait3A_1312 : memref<512xi32, #tpu.memory_space<vmem>>)
        %dma_start3A_1315 = arith.constant 1 : i32
        %dma_start3A_1316 = arith.constant 1 : i32
        %dma_start3A_1317 = arith.constant 0 : i32
        %dma_start3A_1318 = arith.constant 0 : i32
        %dma_start3A_1319 = tpu.memref_slice %arg6[%dma_start3A_1316, %dma_start3A_1317, %dma_start3A_1318] : memref<2x512x16xf32, #tpu.memory_space<vmem>> -> memref<1x512x16xf32, #tpu.memory_space<vmem>>
        %dma_start3A_1320 = tpu.memref_squeeze %dma_start3A_1319 : memref<1x512x16xf32, #tpu.memory_space<vmem>> -> memref<512x16xf32, #tpu.memory_space<vmem>>
        %dma_start3A_1321 = arith.constant 0 : i32
        %dma_start3A_1322 = tpu.memref_slice %arg5[%dma_start3A_1315, %dma_start3A_1321] : memref<2x512xi32, #tpu.memory_space<vmem>> -> memref<1x512xi32, #tpu.memory_space<vmem>>
        %dma_start3A_1323 = tpu.memref_squeeze %dma_start3A_1322 : memref<1x512xi32, #tpu.memory_space<vmem>> -> memref<512xi32, #tpu.memory_space<vmem>>
        %dma_start3A_1324 = arith.constant 0 : i32
        %dma_start3A_1325 = arith.constant 0 : i32
        %dma_start3A_1326 = tpu.memref_slice %arg3[%dma_start3A_1324, %dma_start3A_1325] : memref<1000000x16xf32, #tpu.memory_space<hbm>> -> memref<1000000x16xf32, #tpu.memory_space<hbm>>
        tpu.enqueue_indirect_dma source(%dma_start3A_1326 : memref<1000000x16xf32, #tpu.memory_space<hbm>>) target(%dma_start3A_1320 : memref<512x16xf32, #tpu.memory_space<vmem>>) offsets(%dma_start3A_1323 : memref<512xi32, #tpu.memory_space<vmem>>) semaphore(%arg11 : memref<!tpu.dma_semaphore, #tpu.memory_space<semaphore_mem>>)
      } else {
      }
      %dma_wait3A_90 = arith.constant 0 : i32
      %dma_wait3A_91 = arith.constant 0 : i32
      %dma_wait3A_92 = arith.constant 0 : i32
      %dma_wait3A_93 = arith.constant 0 : i32
      %dma_wait3A_94 = tpu.memref_slice %arg6[%dma_wait3A_91, %dma_wait3A_92, %dma_wait3A_93] : memref<2x512x16xf32, #tpu.memory_space<vmem>> -> memref<1x512x16xf32, #tpu.memory_space<vmem>>
      %dma_wait3A_95 = tpu.memref_squeeze %dma_wait3A_94 : memref<1x512x16xf32, #tpu.memory_space<vmem>> -> memref<512x16xf32, #tpu.memory_space<vmem>>
      %dma_wait3A_96 = arith.constant 0 : i32
      %dma_wait3A_97 = tpu.memref_slice %arg5[%dma_wait3A_90, %dma_wait3A_96] : memref<2x512xi32, #tpu.memory_space<vmem>> -> memref<1x512xi32, #tpu.memory_space<vmem>>
      %dma_wait3A_98 = tpu.memref_squeeze %dma_wait3A_97 : memref<1x512xi32, #tpu.memory_space<vmem>> -> memref<512xi32, #tpu.memory_space<vmem>>
      %dma_wait3A_99 = arith.constant 0 : i32
      %dma_wait3A_100 = arith.constant 0 : i32
      %dma_wait3A_101 = tpu.memref_slice %arg3[%dma_wait3A_99, %dma_wait3A_100] : memref<1000000x16xf32, #tpu.memory_space<hbm>> -> memref<1000000x16xf32, #tpu.memory_space<hbm>>
      tpu.wait_indirect_dma semaphore(%arg10 : memref<!tpu.dma_semaphore, #tpu.memory_space<semaphore_mem>>) src(%dma_wait3A_101 : memref<1000000x16xf32, #tpu.memory_space<hbm>>) dst(%dma_wait3A_95 : memref<512x16xf32, #tpu.memory_space<vmem>>)
      %gt3A = arith.constant 0 : i32
      %gt3A_102 = arith.cmpi sgt, %scan3A_81, %gt3A : i32
      %convert_element_type3A_103 = arith.extui %gt3A_102 : i1 to i32
      %cond3A_104 = arith.constant 0 : i32
      %cond3A_105 = arith.cmpi ne, %convert_element_type3A_103, %cond3A_104 : i32
      scf.if %cond3A_105 {
        %dma_wait3A_1304 = arith.constant 0 : i32
        %dma_wait3A_1305 = arith.constant 0 : i32
        %dma_wait3A_1306 = arith.constant 0 : i32
        %dma_wait3A_1307 = tpu.memref_slice %arg6[%dma_wait3A_1304, %dma_wait3A_1305, %dma_wait3A_1306] : memref<2x512x16xf32, #tpu.memory_space<vmem>> -> memref<1x512x16xf32, #tpu.memory_space<vmem>>
        %dma_wait3A_1308 = tpu.memref_squeeze %dma_wait3A_1307 : memref<1x512x16xf32, #tpu.memory_space<vmem>> -> memref<512x16xf32, #tpu.memory_space<vmem>>
        %dma_wait3A_1309 = arith.constant 0 : i32
        %dma_wait3A_1310 = arith.constant 0 : i32
        %dma_wait3A_1311 = tpu.memref_slice %arg3[%dma_wait3A_1309, %dma_wait3A_1310] : memref<1000000x16xf32, #tpu.memory_space<hbm>> -> memref<512x16xf32, #tpu.memory_space<hbm>>
        %dma_wait3A_1312 = arith.constant 0 : i32
        %dma_wait3A_1313 = arith.constant 0 : i32
        %dma_wait3A_1314 = tpu.memref_slice %arg6[%dma_wait3A_1304, %dma_wait3A_1312, %dma_wait3A_1313] : memref<2x512x16xf32, #tpu.memory_space<vmem>> -> memref<1x512x16xf32, #tpu.memory_space<vmem>>
        %dma_wait3A_1315 = tpu.memref_squeeze %dma_wait3A_1314 : memref<1x512x16xf32, #tpu.memory_space<vmem>> -> memref<512x16xf32, #tpu.memory_space<vmem>>
        %dma_wait3A_1316 = arith.constant 0 : i32
        %dma_wait3A_1317 = arith.constant 0 : i32
        %dma_wait3A_1318 = tpu.memref_slice %arg3[%dma_wait3A_1316, %dma_wait3A_1317] : memref<1000000x16xf32, #tpu.memory_space<hbm>> -> memref<512x16xf32, #tpu.memory_space<hbm>>
        tpu.wait_dma2 semaphore(%arg12 : memref<!tpu.dma_semaphore, #tpu.memory_space<semaphore_mem>>) src(%dma_wait3A_1318 : memref<512x16xf32, #tpu.memory_space<hbm>>) dst(%dma_wait3A_1315 : memref<512x16xf32, #tpu.memory_space<vmem>>)
      } else {
      }
      %scan3A_106 = arith.constant 0 : i32
      %scan3A_107 = arith.constant 0 : i32
      %scan3A_108 = arith.constant 32 : i32
      %scan3A_109 = arith.addi %scan3A_107, %scan3A_108 : i32
      %scan3A_110 = arith.constant 1 : i32
      scf.for %scan3A_1304 = %scan3A_107 to %scan3A_109 step %scan3A_110  : i32 {
        %mul3A_1305 = arith.constant 16 : i32
        %mul3A_1306 = arith.muli %scan3A_1304, %mul3A_1305 : i32
        %add3A_1307 = arith.constant 0 : i32
        %add3A_1308 = arith.addi %mul3A_1306, %add3A_1307 : i32
        %get3A = arith.constant 0 : i32
        %get3A_1309 = arith.constant 0 : i32
        %get3A_1310 = arith.constant 0 : i32
        %get3A_1311 = tpu.memref_slice %arg6[%get3A, %get3A_1309, %get3A_1310] : memref<2x512x16xf32, #tpu.memory_space<vmem>> -> memref<1x512x16xf32, #tpu.memory_space<vmem>>
        %get3A_1312 = tpu.memref_squeeze %get3A_1311 : memref<1x512x16xf32, #tpu.memory_space<vmem>> -> memref<512x16xf32, #tpu.memory_space<vmem>>
        %get3A_1313 = arith.index_cast %add3A_1308 : i32 to index
        %get3A_1314 = arith.constant 0 : index
        %get3A_1315 = tpu.vector_load %get3A_1312[%get3A_1313, %get3A_1314] {strides = array<i32>} : memref<512x16xf32, #tpu.memory_space<vmem>>, vector<16xf32>,
        %broadcast_in_dim3A = vector.broadcast %add3A_1308 : i32 to vector<16xi32>
        %scatter3A = arith.constant 0 : i32
        %scatter3A_1316 = arith.constant 0 : i32
        %scatter3A_1317 = arith.constant 0 : i32
        %scatter3A_1318 = tpu.memref_slice %arg7[%scatter3A, %scatter3A_1316, %scatter3A_1317] : memref<2x16x513xf32, #tpu.memory_space<vmem>> -> memref<1x16x513xf32, #tpu.memory_space<vmem>>
        %scatter3A_1319 = tpu.memref_squeeze %scatter3A_1318 : memref<1x16x513xf32, #tpu.memory_space<vmem>> -> memref<16x513xf32, #tpu.memory_space<vmem>>
        tpu.vector_store_idx %scatter3A_1319[%iota3A, %broadcast_in_dim3A], %get3A_1315 : memref<16x513xf32, #tpu.memory_space<vmem>>[vector<16xi32>, vector<16xi32>], vector<16xf32>,
        %mul3A_1320 = arith.constant 16 : i32
        %mul3A_1321 = arith.muli %scan3A_1304, %mul3A_1320 : i32
        %add3A_1322 = arith.constant 1 : i32
        %add3A_1323 = arith.addi %mul3A_1321, %add3A_1322 : i32
        %get3A_1324 = arith.constant 0 : i32
        %get3A_1325 = arith.constant 0 : i32
        %get3A_1326 = arith.constant 0 : i32
        %get3A_1327 = tpu.memref_slice %arg6[%get3A_1324, %get3A_1325, %get3A_1326] : memref<2x512x16xf32, #tpu.memory_space<vmem>> -> memref<1x512x16xf32, #tpu.memory_space<vmem>>
        %get3A_1328 = tpu.memref_squeeze %get3A_1327 : memref<1x512x16xf32, #tpu.memory_space<vmem>> -> memref<512x16xf32, #tpu.memory_space<vmem>>
        %get3A_1329 = arith.index_cast %add3A_1323 : i32 to index
        %get3A_1330 = arith.constant 0 : index
        %get3A_1331 = tpu.vector_load %get3A_1328[%get3A_1329, %get3A_1330] {strides = array<i32>} : memref<512x16xf32, #tpu.memory_space<vmem>>, vector<16xf32>,
        %broadcast_in_dim3A_1332 = vector.broadcast %add3A_1323 : i32 to vector<16xi32>
        %scatter3A_1333 = arith.constant 0 : i32
        %scatter3A_1334 = arith.constant 0 : i32
        %scatter3A_1335 = arith.constant 0 : i32
        %scatter3A_1336 = tpu.memref_slice %arg7[%scatter3A_1333, %scatter3A_1334, %scatter3A_1335] : memref<2x16x513xf32, #tpu.memory_space<vmem>> -> memref<1x16x513xf32, #tpu.memory_space<vmem>>
        %scatter3A_1337 = tpu.memref_squeeze %scatter3A_1336 : memref<1x16x513xf32, #tpu.memory_space<vmem>> -> memref<16x513xf32, #tpu.memory_space<vmem>>
        tpu.vector_store_idx %scatter3A_1337[%iota3A, %broadcast_in_dim3A_1332], %get3A_1331 : memref<16x513xf32, #tpu.memory_space<vmem>>[vector<16xi32>, vector<16xi32>], vector<16xf32>,
        %mul3A_1338 = arith.constant 16 : i32
        %mul3A_1339 = arith.muli %scan3A_1304, %mul3A_1338 : i32
        %add3A_1340 = arith.constant 2 : i32
        %add3A_1341 = arith.addi %mul3A_1339, %add3A_1340 : i32
        %get3A_1342 = arith.constant 0 : i32
        %get3A_1343 = arith.constant 0 : i32
        %get3A_1344 = arith.constant 0 : i32
        %get3A_1345 = tpu.memref_slice %arg6[%get3A_1342, %get3A_1343, %get3A_1344] : memref<2x512x16xf32, #tpu.memory_space<vmem>> -> memref<1x512x16xf32, #tpu.memory_space<vmem>>
        %get3A_1346 = tpu.memref_squeeze %get3A_1345 : memref<1x512x16xf32, #tpu.memory_space<vmem>> -> memref<512x16xf32, #tpu.memory_space<vmem>>
        %get3A_1347 = arith.index_cast %add3A_1341 : i32 to index
        %get3A_1348 = arith.constant 0 : index
        %get3A_1349 = tpu.vector_load %get3A_1346[%get3A_1347, %get3A_1348] {strides = array<i32>} : memref<512x16xf32, #tpu.memory_space<vmem>>, vector<16xf32>,
        %broadcast_in_dim3A_1350 = vector.broadcast %add3A_1341 : i32 to vector<16xi32>
        %scatter3A_1351 = arith.constant 0 : i32
        %scatter3A_1352 = arith.constant 0 : i32
        %scatter3A_1353 = arith.constant 0 : i32
        %scatter3A_1354 = tpu.memref_slice %arg7[%scatter3A_1351, %scatter3A_1352, %scatter3A_1353] : memref<2x16x513xf32, #tpu.memory_space<vmem>> -> memref<1x16x513xf32, #tpu.memory_space<vmem>>
        %scatter3A_1355 = tpu.memref_squeeze %scatter3A_1354 : memref<1x16x513xf32, #tpu.memory_space<vmem>> -> memref<16x513xf32, #tpu.memory_space<vmem>>
        tpu.vector_store_idx %scatter3A_1355[%iota3A, %broadcast_in_dim3A_1350], %get3A_1349 : memref<16x513xf32, #tpu.memory_space<vmem>>[vector<16xi32>, vector<16xi32>], vector<16xf32>,
        %mul3A_1356 = arith.constant 16 : i32
        %mul3A_1357 = arith.muli %scan3A_1304, %mul3A_1356 : i32
        %add3A_1358 = arith.constant 3 : i32
        %add3A_1359 = arith.addi %mul3A_1357, %add3A_1358 : i32
        %get3A_1360 = arith.constant 0 : i32
        %get3A_1361 = arith.constant 0 : i32
        %get3A_1362 = arith.constant 0 : i32
        %get3A_1363 = tpu.memref_slice %arg6[%get3A_1360, %get3A_1361, %get3A_1362] : memref<2x512x16xf32, #tpu.memory_space<vmem>> -> memref<1x512x16xf32, #tpu.memory_space<vmem>>
        %get3A_1364 = tpu.memref_squeeze %get3A_1363 : memref<1x512x16xf32, #tpu.memory_space<vmem>> -> memref<512x16xf32, #tpu.memory_space<vmem>>
        %get3A_1365 = arith.index_cast %add3A_1359 : i32 to index
        %get3A_1366 = arith.constant 0 : index
        %get3A_1367 = tpu.vector_load %get3A_1364[%get3A_1365, %get3A_1366] {strides = array<i32>} : memref<512x16xf32, #tpu.memory_space<vmem>>, vector<16xf32>,
        %broadcast_in_dim3A_1368 = vector.broadcast %add3A_1359 : i32 to vector<16xi32>
        %scatter3A_1369 = arith.constant 0 : i32
        %scatter3A_1370 = arith.constant 0 : i32
        %scatter3A_1371 = arith.constant 0 : i32
        %scatter3A_1372 = tpu.memref_slice %arg7[%scatter3A_1369, %scatter3A_1370, %scatter3A_1371] : memref<2x16x513xf32, #tpu.memory_space<vmem>> -> memref<1x16x513xf32, #tpu.memory_space<vmem>>
        %scatter3A_1373 = tpu.memref_squeeze %scatter3A_1372 : memref<1x16x513xf32, #tpu.memory_space<vmem>> -> memref<16x513xf32, #tpu.memory_space<vmem>>
        tpu.vector_store_idx %scatter3A_1373[%iota3A, %broadcast_in_dim3A_1368], %get3A_1367 : memref<16x513xf32, #tpu.memory_space<vmem>>[vector<16xi32>, vector<16xi32>], vector<16xf32>,
        %mul3A_1374 = arith.constant 16 : i32
        %mul3A_1375 = arith.muli %scan3A_1304, %mul3A_1374 : i32
        %add3A_1376 = arith.constant 4 : i32
        %add3A_1377 = arith.addi %mul3A_1375, %add3A_1376 : i32
        %get3A_1378 = arith.constant 0 : i32
        %get3A_1379 = arith.constant 0 : i32
        %get3A_1380 = arith.constant 0 : i32
        %get3A_1381 = tpu.memref_slice %arg6[%get3A_1378, %get3A_1379, %get3A_1380] : memref<2x512x16xf32, #tpu.memory_space<vmem>> -> memref<1x512x16xf32, #tpu.memory_space<vmem>>
        %get3A_1382 = tpu.memref_squeeze %get3A_1381 : memref<1x512x16xf32, #tpu.memory_space<vmem>> -> memref<512x16xf32, #tpu.memory_space<vmem>>
        %get3A_1383 = arith.index_cast %add3A_1377 : i32 to index
        %get3A_1384 = arith.constant 0 : index
        %get3A_1385 = tpu.vector_load %get3A_1382[%get3A_1383, %get3A_1384] {strides = array<i32>} : memref<512x16xf32, #tpu.memory_space<vmem>>, vector<16xf32>,
        %broadcast_in_dim3A_1386 = vector.broadcast %add3A_1377 : i32 to vector<16xi32>
        %scatter3A_1387 = arith.constant 0 : i32
        %scatter3A_1388 = arith.constant 0 : i32
        %scatter3A_1389 = arith.constant 0 : i32
        %scatter3A_1390 = tpu.memref_slice %arg7[%scatter3A_1387, %scatter3A_1388, %scatter3A_1389] : memref<2x16x513xf32, #tpu.memory_space<vmem>> -> memref<1x16x513xf32, #tpu.memory_space<vmem>>
        %scatter3A_1391 = tpu.memref_squeeze %scatter3A_1390 : memref<1x16x513xf32, #tpu.memory_space<vmem>> -> memref<16x513xf32, #tpu.memory_space<vmem>>
        tpu.vector_store_idx %scatter3A_1391[%iota3A, %broadcast_in_dim3A_1386], %get3A_1385 : memref<16x513xf32, #tpu.memory_space<vmem>>[vector<16xi32>, vector<16xi32>], vector<16xf32>,
        %mul3A_1392 = arith.constant 16 : i32
        %mul3A_1393 = arith.muli %scan3A_1304, %mul3A_1392 : i32
        %add3A_1394 = arith.constant 5 : i32
        %add3A_1395 = arith.addi %mul3A_1393, %add3A_1394 : i32
        %get3A_1396 = arith.constant 0 : i32
        %get3A_1397 = arith.constant 0 : i32
        %get3A_1398 = arith.constant 0 : i32
        %get3A_1399 = tpu.memref_slice %arg6[%get3A_1396, %get3A_1397, %get3A_1398] : memref<2x512x16xf32, #tpu.memory_space<vmem>> -> memref<1x512x16xf32, #tpu.memory_space<vmem>>
        %get3A_1400 = tpu.memref_squeeze %get3A_1399 : memref<1x512x16xf32, #tpu.memory_space<vmem>> -> memref<512x16xf32, #tpu.memory_space<vmem>>
        %get3A_1401 = arith.index_cast %add3A_1395 : i32 to index
        %get3A_1402 = arith.constant 0 : index
        %get3A_1403 = tpu.vector_load %get3A_1400[%get3A_1401, %get3A_1402] {strides = array<i32>} : memref<512x16xf32, #tpu.memory_space<vmem>>, vector<16xf32>,
        %broadcast_in_dim3A_1404 = vector.broadcast %add3A_1395 : i32 to vector<16xi32>
        %scatter3A_1405 = arith.constant 0 : i32
        %scatter3A_1406 = arith.constant 0 : i32
        %scatter3A_1407 = arith.constant 0 : i32
        %scatter3A_1408 = tpu.memref_slice %arg7[%scatter3A_1405, %scatter3A_1406, %scatter3A_1407] : memref<2x16x513xf32, #tpu.memory_space<vmem>> -> memref<1x16x513xf32, #tpu.memory_space<vmem>>
        %scatter3A_1409 = tpu.memref_squeeze %scatter3A_1408 : memref<1x16x513xf32, #tpu.memory_space<vmem>> -> memref<16x513xf32, #tpu.memory_space<vmem>>
        tpu.vector_store_idx %scatter3A_1409[%iota3A, %broadcast_in_dim3A_1404], %get3A_1403 : memref<16x513xf32, #tpu.memory_space<vmem>>[vector<16xi32>, vector<16xi32>], vector<16xf32>,
        %mul3A_1410 = arith.constant 16 : i32
        %mul3A_1411 = arith.muli %scan3A_1304, %mul3A_1410 : i32
        %add3A_1412 = arith.constant 6 : i32
        %add3A_1413 = arith.addi %mul3A_1411, %add3A_1412 : i32
        %get3A_1414 = arith.constant 0 : i32
        %get3A_1415 = arith.constant 0 : i32
        %get3A_1416 = arith.constant 0 : i32
        %get3A_1417 = tpu.memref_slice %arg6[%get3A_1414, %get3A_1415, %get3A_1416] : memref<2x512x16xf32, #tpu.memory_space<vmem>> -> memref<1x512x16xf32, #tpu.memory_space<vmem>>
        %get3A_1418 = tpu.memref_squeeze %get3A_1417 : memref<1x512x16xf32, #tpu.memory_space<vmem>> -> memref<512x16xf32, #tpu.memory_space<vmem>>
        %get3A_1419 = arith.index_cast %add3A_1413 : i32 to index
        %get3A_1420 = arith.constant 0 : index
        %get3A_1421 = tpu.vector_load %get3A_1418[%get3A_1419, %get3A_1420] {strides = array<i32>} : memref<512x16xf32, #tpu.memory_space<vmem>>, vector<16xf32>,
        %broadcast_in_dim3A_1422 = vector.broadcast %add3A_1413 : i32 to vector<16xi32>
        %scatter3A_1423 = arith.constant 0 : i32
        %scatter3A_1424 = arith.constant 0 : i32
        %scatter3A_1425 = arith.constant 0 : i32
        %scatter3A_1426 = tpu.memref_slice %arg7[%scatter3A_1423, %scatter3A_1424, %scatter3A_1425] : memref<2x16x513xf32, #tpu.memory_space<vmem>> -> memref<1x16x513xf32, #tpu.memory_space<vmem>>
        %scatter3A_1427 = tpu.memref_squeeze %scatter3A_1426 : memref<1x16x513xf32, #tpu.memory_space<vmem>> -> memref<16x513xf32, #tpu.memory_space<vmem>>
        tpu.vector_store_idx %scatter3A_1427[%iota3A, %broadcast_in_dim3A_1422], %get3A_1421 : memref<16x513xf32, #tpu.memory_space<vmem>>[vector<16xi32>, vector<16xi32>], vector<16xf32>,
        %mul3A_1428 = arith.constant 16 : i32
        %mul3A_1429 = arith.muli %scan3A_1304, %mul3A_1428 : i32
        %add3A_1430 = arith.constant 7 : i32
        %add3A_1431 = arith.addi %mul3A_1429, %add3A_1430 : i32
        %get3A_1432 = arith.constant 0 : i32
        %get3A_1433 = arith.constant 0 : i32
        %get3A_1434 = arith.constant 0 : i32
        %get3A_1435 = tpu.memref_slice %arg6[%get3A_1432, %get3A_1433, %get3A_1434] : memref<2x512x16xf32, #tpu.memory_space<vmem>> -> memref<1x512x16xf32, #tpu.memory_space<vmem>>
        %get3A_1436 = tpu.memref_squeeze %get3A_1435 : memref<1x512x16xf32, #tpu.memory_space<vmem>> -> memref<512x16xf32, #tpu.memory_space<vmem>>
        %get3A_1437 = arith.index_cast %add3A_1431 : i32 to index
        %get3A_1438 = arith.constant 0 : index
        %get3A_1439 = tpu.vector_load %get3A_1436[%get3A_1437, %get3A_1438] {strides = array<i32>} : memref<512x16xf32, #tpu.memory_space<vmem>>, vector<16xf32>,
        %broadcast_in_dim3A_1440 = vector.broadcast %add3A_1431 : i32 to vector<16xi32>
        %scatter3A_1441 = arith.constant 0 : i32
        %scatter3A_1442 = arith.constant 0 : i32
        %scatter3A_1443 = arith.constant 0 : i32
        %scatter3A_1444 = tpu.memref_slice %arg7[%scatter3A_1441, %scatter3A_1442, %scatter3A_1443] : memref<2x16x513xf32, #tpu.memory_space<vmem>> -> memref<1x16x513xf32, #tpu.memory_space<vmem>>
        %scatter3A_1445 = tpu.memref_squeeze %scatter3A_1444 : memref<1x16x513xf32, #tpu.memory_space<vmem>> -> memref<16x513xf32, #tpu.memory_space<vmem>>
        tpu.vector_store_idx %scatter3A_1445[%iota3A, %broadcast_in_dim3A_1440], %get3A_1439 : memref<16x513xf32, #tpu.memory_space<vmem>>[vector<16xi32>, vector<16xi32>], vector<16xf32>,
        %mul3A_1446 = arith.constant 16 : i32
        %mul3A_1447 = arith.muli %scan3A_1304, %mul3A_1446 : i32
        %add3A_1448 = arith.constant 8 : i32
        %add3A_1449 = arith.addi %mul3A_1447, %add3A_1448 : i32
        %get3A_1450 = arith.constant 0 : i32
        %get3A_1451 = arith.constant 0 : i32
        %get3A_1452 = arith.constant 0 : i32
        %get3A_1453 = tpu.memref_slice %arg6[%get3A_1450, %get3A_1451, %get3A_1452] : memref<2x512x16xf32, #tpu.memory_space<vmem>> -> memref<1x512x16xf32, #tpu.memory_space<vmem>>
        %get3A_1454 = tpu.memref_squeeze %get3A_1453 : memref<1x512x16xf32, #tpu.memory_space<vmem>> -> memref<512x16xf32, #tpu.memory_space<vmem>>
        %get3A_1455 = arith.index_cast %add3A_1449 : i32 to index
        %get3A_1456 = arith.constant 0 : index
        %get3A_1457 = tpu.vector_load %get3A_1454[%get3A_1455, %get3A_1456] {strides = array<i32>} : memref<512x16xf32, #tpu.memory_space<vmem>>, vector<16xf32>,
        %broadcast_in_dim3A_1458 = vector.broadcast %add3A_1449 : i32 to vector<16xi32>
        %scatter3A_1459 = arith.constant 0 : i32
        %scatter3A_1460 = arith.constant 0 : i32
        %scatter3A_1461 = arith.constant 0 : i32
        %scatter3A_1462 = tpu.memref_slice %arg7[%scatter3A_1459, %scatter3A_1460, %scatter3A_1461] : memref<2x16x513xf32, #tpu.memory_space<vmem>> -> memref<1x16x513xf32, #tpu.memory_space<vmem>>
        %scatter3A_1463 = tpu.memref_squeeze %scatter3A_1462 : memref<1x16x513xf32, #tpu.memory_space<vmem>> -> memref<16x513xf32, #tpu.memory_space<vmem>>
        tpu.vector_store_idx %scatter3A_1463[%iota3A, %broadcast_in_dim3A_1458], %get3A_1457 : memref<16x513xf32, #tpu.memory_space<vmem>>[vector<16xi32>, vector<16xi32>], vector<16xf32>,
        %mul3A_1464 = arith.constant 16 : i32
        %mul3A_1465 = arith.muli %scan3A_1304, %mul3A_1464 : i32
        %add3A_1466 = arith.constant 9 : i32
        %add3A_1467 = arith.addi %mul3A_1465, %add3A_1466 : i32
        %get3A_1468 = arith.constant 0 : i32
        %get3A_1469 = arith.constant 0 : i32
        %get3A_1470 = arith.constant 0 : i32
        %get3A_1471 = tpu.memref_slice %arg6[%get3A_1468, %get3A_1469, %get3A_1470] : memref<2x512x16xf32, #tpu.memory_space<vmem>> -> memref<1x512x16xf32, #tpu.memory_space<vmem>>
        %get3A_1472 = tpu.memref_squeeze %get3A_1471 : memref<1x512x16xf32, #tpu.memory_space<vmem>> -> memref<512x16xf32, #tpu.memory_space<vmem>>
        %get3A_1473 = arith.index_cast %add3A_1467 : i32 to index
        %get3A_1474 = arith.constant 0 : index
        %get3A_1475 = tpu.vector_load %get3A_1472[%get3A_1473, %get3A_1474] {strides = array<i32>} : memref<512x16xf32, #tpu.memory_space<vmem>>, vector<16xf32>,
        %broadcast_in_dim3A_1476 = vector.broadcast %add3A_1467 : i32 to vector<16xi32>
        %scatter3A_1477 = arith.constant 0 : i32
        %scatter3A_1478 = arith.constant 0 : i32
        %scatter3A_1479 = arith.constant 0 : i32
        %scatter3A_1480 = tpu.memref_slice %arg7[%scatter3A_1477, %scatter3A_1478, %scatter3A_1479] : memref<2x16x513xf32, #tpu.memory_space<vmem>> -> memref<1x16x513xf32, #tpu.memory_space<vmem>>
        %scatter3A_1481 = tpu.memref_squeeze %scatter3A_1480 : memref<1x16x513xf32, #tpu.memory_space<vmem>> -> memref<16x513xf32, #tpu.memory_space<vmem>>
        tpu.vector_store_idx %scatter3A_1481[%iota3A, %broadcast_in_dim3A_1476], %get3A_1475 : memref<16x513xf32, #tpu.memory_space<vmem>>[vector<16xi32>, vector<16xi32>], vector<16xf32>,
        %mul3A_1482 = arith.constant 16 : i32
        %mul3A_1483 = arith.muli %scan3A_1304, %mul3A_1482 : i32
        %add3A_1484 = arith.constant 10 : i32
        %add3A_1485 = arith.addi %mul3A_1483, %add3A_1484 : i32
        %get3A_1486 = arith.constant 0 : i32
        %get3A_1487 = arith.constant 0 : i32
        %get3A_1488 = arith.constant 0 : i32
        %get3A_1489 = tpu.memref_slice %arg6[%get3A_1486, %get3A_1487, %get3A_1488] : memref<2x512x16xf32, #tpu.memory_space<vmem>> -> memref<1x512x16xf32, #tpu.memory_space<vmem>>
        %get3A_1490 = tpu.memref_squeeze %get3A_1489 : memref<1x512x16xf32, #tpu.memory_space<vmem>> -> memref<512x16xf32, #tpu.memory_space<vmem>>
        %get3A_1491 = arith.index_cast %add3A_1485 : i32 to index
        %get3A_1492 = arith.constant 0 : index
        %get3A_1493 = tpu.vector_load %get3A_1490[%get3A_1491, %get3A_1492] {strides = array<i32>} : memref<512x16xf32, #tpu.memory_space<vmem>>, vector<16xf32>,
        %broadcast_in_dim3A_1494 = vector.broadcast %add3A_1485 : i32 to vector<16xi32>
        %scatter3A_1495 = arith.constant 0 : i32
        %scatter3A_1496 = arith.constant 0 : i32
        %scatter3A_1497 = arith.constant 0 : i32
        %scatter3A_1498 = tpu.memref_slice %arg7[%scatter3A_1495, %scatter3A_1496, %scatter3A_1497] : memref<2x16x513xf32, #tpu.memory_space<vmem>> -> memref<1x16x513xf32, #tpu.memory_space<vmem>>
        %scatter3A_1499 = tpu.memref_squeeze %scatter3A_1498 : memref<1x16x513xf32, #tpu.memory_space<vmem>> -> memref<16x513xf32, #tpu.memory_space<vmem>>
        tpu.vector_store_idx %scatter3A_1499[%iota3A, %broadcast_in_dim3A_1494], %get3A_1493 : memref<16x513xf32, #tpu.memory_space<vmem>>[vector<16xi32>, vector<16xi32>], vector<16xf32>,
        %mul3A_1500 = arith.constant 16 : i32
        %mul3A_1501 = arith.muli %scan3A_1304, %mul3A_1500 : i32
        %add3A_1502 = arith.constant 11 : i32
        %add3A_1503 = arith.addi %mul3A_1501, %add3A_1502 : i32
        %get3A_1504 = arith.constant 0 : i32
        %get3A_1505 = arith.constant 0 : i32
        %get3A_1506 = arith.constant 0 : i32
        %get3A_1507 = tpu.memref_slice %arg6[%get3A_1504, %get3A_1505, %get3A_1506] : memref<2x512x16xf32, #tpu.memory_space<vmem>> -> memref<1x512x16xf32, #tpu.memory_space<vmem>>
        %get3A_1508 = tpu.memref_squeeze %get3A_1507 : memref<1x512x16xf32, #tpu.memory_space<vmem>> -> memref<512x16xf32, #tpu.memory_space<vmem>>
        %get3A_1509 = arith.index_cast %add3A_1503 : i32 to index
        %get3A_1510 = arith.constant 0 : index
        %get3A_1511 = tpu.vector_load %get3A_1508[%get3A_1509, %get3A_1510] {strides = array<i32>} : memref<512x16xf32, #tpu.memory_space<vmem>>, vector<16xf32>,
        %broadcast_in_dim3A_1512 = vector.broadcast %add3A_1503 : i32 to vector<16xi32>
        %scatter3A_1513 = arith.constant 0 : i32
        %scatter3A_1514 = arith.constant 0 : i32
        %scatter3A_1515 = arith.constant 0 : i32
        %scatter3A_1516 = tpu.memref_slice %arg7[%scatter3A_1513, %scatter3A_1514, %scatter3A_1515] : memref<2x16x513xf32, #tpu.memory_space<vmem>> -> memref<1x16x513xf32, #tpu.memory_space<vmem>>
        %scatter3A_1517 = tpu.memref_squeeze %scatter3A_1516 : memref<1x16x513xf32, #tpu.memory_space<vmem>> -> memref<16x513xf32, #tpu.memory_space<vmem>>
        tpu.vector_store_idx %scatter3A_1517[%iota3A, %broadcast_in_dim3A_1512], %get3A_1511 : memref<16x513xf32, #tpu.memory_space<vmem>>[vector<16xi32>, vector<16xi32>], vector<16xf32>,
        %mul3A_1518 = arith.constant 16 : i32
        %mul3A_1519 = arith.muli %scan3A_1304, %mul3A_1518 : i32
        %add3A_1520 = arith.constant 12 : i32
        %add3A_1521 = arith.addi %mul3A_1519, %add3A_1520 : i32
        %get3A_1522 = arith.constant 0 : i32
        %get3A_1523 = arith.constant 0 : i32
        %get3A_1524 = arith.constant 0 : i32
        %get3A_1525 = tpu.memref_slice %arg6[%get3A_1522, %get3A_1523, %get3A_1524] : memref<2x512x16xf32, #tpu.memory_space<vmem>> -> memref<1x512x16xf32, #tpu.memory_space<vmem>>
        %get3A_1526 = tpu.memref_squeeze %get3A_1525 : memref<1x512x16xf32, #tpu.memory_space<vmem>> -> memref<512x16xf32, #tpu.memory_space<vmem>>
        %get3A_1527 = arith.index_cast %add3A_1521 : i32 to index
        %get3A_1528 = arith.constant 0 : index
        %get3A_1529 = tpu.vector_load %get3A_1526[%get3A_1527, %get3A_1528] {strides = array<i32>} : memref<512x16xf32, #tpu.memory_space<vmem>>, vector<16xf32>,
        %broadcast_in_dim3A_1530 = vector.broadcast %add3A_1521 : i32 to vector<16xi32>
        %scatter3A_1531 = arith.constant 0 : i32
        %scatter3A_1532 = arith.constant 0 : i32
        %scatter3A_1533 = arith.constant 0 : i32
        %scatter3A_1534 = tpu.memref_slice %arg7[%scatter3A_1531, %scatter3A_1532, %scatter3A_1533] : memref<2x16x513xf32, #tpu.memory_space<vmem>> -> memref<1x16x513xf32, #tpu.memory_space<vmem>>
        %scatter3A_1535 = tpu.memref_squeeze %scatter3A_1534 : memref<1x16x513xf32, #tpu.memory_space<vmem>> -> memref<16x513xf32, #tpu.memory_space<vmem>>
        tpu.vector_store_idx %scatter3A_1535[%iota3A, %broadcast_in_dim3A_1530], %get3A_1529 : memref<16x513xf32, #tpu.memory_space<vmem>>[vector<16xi32>, vector<16xi32>], vector<16xf32>,
        %mul3A_1536 = arith.constant 16 : i32
        %mul3A_1537 = arith.muli %scan3A_1304, %mul3A_1536 : i32
        %add3A_1538 = arith.constant 13 : i32
        %add3A_1539 = arith.addi %mul3A_1537, %add3A_1538 : i32
        %get3A_1540 = arith.constant 0 : i32
        %get3A_1541 = arith.constant 0 : i32
        %get3A_1542 = arith.constant 0 : i32
        %get3A_1543 = tpu.memref_slice %arg6[%get3A_1540, %get3A_1541, %get3A_1542] : memref<2x512x16xf32, #tpu.memory_space<vmem>> -> memref<1x512x16xf32, #tpu.memory_space<vmem>>
        %get3A_1544 = tpu.memref_squeeze %get3A_1543 : memref<1x512x16xf32, #tpu.memory_space<vmem>> -> memref<512x16xf32, #tpu.memory_space<vmem>>
        %get3A_1545 = arith.index_cast %add3A_1539 : i32 to index
        %get3A_1546 = arith.constant 0 : index
        %get3A_1547 = tpu.vector_load %get3A_1544[%get3A_1545, %get3A_1546] {strides = array<i32>} : memref<512x16xf32, #tpu.memory_space<vmem>>, vector<16xf32>,
        %broadcast_in_dim3A_1548 = vector.broadcast %add3A_1539 : i32 to vector<16xi32>
        %scatter3A_1549 = arith.constant 0 : i32
        %scatter3A_1550 = arith.constant 0 : i32
        %scatter3A_1551 = arith.constant 0 : i32
        %scatter3A_1552 = tpu.memref_slice %arg7[%scatter3A_1549, %scatter3A_1550, %scatter3A_1551] : memref<2x16x513xf32, #tpu.memory_space<vmem>> -> memref<1x16x513xf32, #tpu.memory_space<vmem>>
        %scatter3A_1553 = tpu.memref_squeeze %scatter3A_1552 : memref<1x16x513xf32, #tpu.memory_space<vmem>> -> memref<16x513xf32, #tpu.memory_space<vmem>>
        tpu.vector_store_idx %scatter3A_1553[%iota3A, %broadcast_in_dim3A_1548], %get3A_1547 : memref<16x513xf32, #tpu.memory_space<vmem>>[vector<16xi32>, vector<16xi32>], vector<16xf32>,
        %mul3A_1554 = arith.constant 16 : i32
        %mul3A_1555 = arith.muli %scan3A_1304, %mul3A_1554 : i32
        %add3A_1556 = arith.constant 14 : i32
        %add3A_1557 = arith.addi %mul3A_1555, %add3A_1556 : i32
        %get3A_1558 = arith.constant 0 : i32
        %get3A_1559 = arith.constant 0 : i32
        %get3A_1560 = arith.constant 0 : i32
        %get3A_1561 = tpu.memref_slice %arg6[%get3A_1558, %get3A_1559, %get3A_1560] : memref<2x512x16xf32, #tpu.memory_space<vmem>> -> memref<1x512x16xf32, #tpu.memory_space<vmem>>
        %get3A_1562 = tpu.memref_squeeze %get3A_1561 : memref<1x512x16xf32, #tpu.memory_space<vmem>> -> memref<512x16xf32, #tpu.memory_space<vmem>>
        %get3A_1563 = arith.index_cast %add3A_1557 : i32 to index
        %get3A_1564 = arith.constant 0 : index
        %get3A_1565 = tpu.vector_load %get3A_1562[%get3A_1563, %get3A_1564] {strides = array<i32>} : memref<512x16xf32, #tpu.memory_space<vmem>>, vector<16xf32>,
        %broadcast_in_dim3A_1566 = vector.broadcast %add3A_1557 : i32 to vector<16xi32>
        %scatter3A_1567 = arith.constant 0 : i32
        %scatter3A_1568 = arith.constant 0 : i32
        %scatter3A_1569 = arith.constant 0 : i32
        %scatter3A_1570 = tpu.memref_slice %arg7[%scatter3A_1567, %scatter3A_1568, %scatter3A_1569] : memref<2x16x513xf32, #tpu.memory_space<vmem>> -> memref<1x16x513xf32, #tpu.memory_space<vmem>>
        %scatter3A_1571 = tpu.memref_squeeze %scatter3A_1570 : memref<1x16x513xf32, #tpu.memory_space<vmem>> -> memref<16x513xf32, #tpu.memory_space<vmem>>
        tpu.vector_store_idx %scatter3A_1571[%iota3A, %broadcast_in_dim3A_1566], %get3A_1565 : memref<16x513xf32, #tpu.memory_space<vmem>>[vector<16xi32>, vector<16xi32>], vector<16xf32>,
        %mul3A_1572 = arith.constant 16 : i32
        %mul3A_1573 = arith.muli %scan3A_1304, %mul3A_1572 : i32
        %add3A_1574 = arith.constant 15 : i32
        %add3A_1575 = arith.addi %mul3A_1573, %add3A_1574 : i32
        %get3A_1576 = arith.constant 0 : i32
        %get3A_1577 = arith.constant 0 : i32
        %get3A_1578 = arith.constant 0 : i32
        %get3A_1579 = tpu.memref_slice %arg6[%get3A_1576, %get3A_1577, %get3A_1578] : memref<2x512x16xf32, #tpu.memory_space<vmem>> -> memref<1x512x16xf32, #tpu.memory_space<vmem>>
        %get3A_1580 = tpu.memref_squeeze %get3A_1579 : memref<1x512x16xf32, #tpu.memory_space<vmem>> -> memref<512x16xf32, #tpu.memory_space<vmem>>
        %get3A_1581 = arith.index_cast %add3A_1575 : i32 to index
        %get3A_1582 = arith.constant 0 : index
        %get3A_1583 = tpu.vector_load %get3A_1580[%get3A_1581, %get3A_1582] {strides = array<i32>} : memref<512x16xf32, #tpu.memory_space<vmem>>, vector<16xf32>,
        %broadcast_in_dim3A_1584 = vector.broadcast %add3A_1575 : i32 to vector<16xi32>
        %scatter3A_1585 = arith.constant 0 : i32
        %scatter3A_1586 = arith.constant 0 : i32
        %scatter3A_1587 = arith.constant 0 : i32
        %scatter3A_1588 = tpu.memref_slice %arg7[%scatter3A_1585, %scatter3A_1586, %scatter3A_1587] : memref<2x16x513xf32, #tpu.memory_space<vmem>> -> memref<1x16x513xf32, #tpu.memory_space<vmem>>
        %scatter3A_1589 = tpu.memref_squeeze %scatter3A_1588 : memref<1x16x513xf32, #tpu.memory_space<vmem>> -> memref<16x513xf32, #tpu.memory_space<vmem>>
        tpu.vector_store_idx %scatter3A_1589[%iota3A, %broadcast_in_dim3A_1584], %get3A_1583 : memref<16x513xf32, #tpu.memory_space<vmem>>[vector<16xi32>, vector<16xi32>], vector<16xf32>,
      }
      %scan3A_111 = arith.constant 32 : i32
      %jit3A = arith.constant 128 : i32
      %div3A = arith.divsi %mul3A_2, %jit3A : i32
      %sign3A = arith.constant 0 : i32
      %sign3A_112 = arith.cmpi sgt, %mul3A_2, %sign3A : i32
      %sign3A_113 = arith.extui %sign3A_112 : i1 to i32
      %sign3A_114 = arith.constant 0 : i32
      %sign3A_115 = arith.cmpi slt, %mul3A_2, %sign3A_114 : i32
      %sign3A_116 = arith.extui %sign3A_115 : i1 to i32
      %sign3A_117 = arith.subi %sign3A_113, %sign3A_116 : i32
      %sign3A_118 = arith.constant 0 : i32
      %sign3A_119 = arith.cmpi sgt, %jit3A, %sign3A_118 : i32
      %sign3A_120 = arith.extui %sign3A_119 : i1 to i32
      %sign3A_121 = arith.constant 0 : i32
      %sign3A_122 = arith.cmpi slt, %jit3A, %sign3A_121 : i32
      %sign3A_123 = arith.extui %sign3A_122 : i1 to i32
      %sign3A_124 = arith.subi %sign3A_120, %sign3A_123 : i32
      %ne3A = arith.cmpi ne, %sign3A_117, %sign3A_124 : i32
      %rem3A = arith.remsi %mul3A_2, %jit3A : i32
      %ne3A_125 = arith.constant 0 : i32
      %ne3A_126 = arith.cmpi ne, %rem3A, %ne3A_125 : i32
      %and3A = arith.andi %ne3A, %ne3A_126 : i1
      %sub3A = arith.constant 1 : i32
      %sub3A_127 = arith.subi %div3A, %sub3A : i32
      %select_n3A = arith.select %and3A, %sub3A_127, %div3A : i32
      %add3A_128 = arith.constant 0 : i32
      %add3A_129 = arith.addi %select_n3A, %add3A_128 : i32
      %dma_start3A_130 = arith.constant 0 : i32
      %dma_start3A_131 = arith.constant 0 : i32
      %dma_start3A_132 = arith.constant 0 : i32
      %dma_start3A_133 = arith.constant 0 : i32
      %dma_start3A_134 = tpu.memref_slice %arg7[%dma_start3A_130, %dma_start3A_132, %dma_start3A_133] : memref<2x16x513xf32, #tpu.memory_space<vmem>> -> memref<1x16x513xf32, #tpu.memory_space<vmem>>
      %dma_start3A_135 = tpu.memref_squeeze %dma_start3A_134 : memref<1x16x513xf32, #tpu.memory_space<vmem>> -> memref<16x513xf32, #tpu.memory_space<vmem>>
      %dma_start3A_136 = arith.constant 0 : i32
      %dma_start3A_137 = arith.constant 0 : i32
      %dma_start3A_138 = tpu.memref_slice %dma_start3A_135[%dma_start3A_136, %dma_start3A_137] : memref<16x513xf32, #tpu.memory_space<vmem>> -> memref<8x128xf32, #tpu.memory_space<vmem>>
      %dma_start3A_139 = arith.constant 0 : i32
      %dma_start3A_140 = arith.constant 0 : i32
      %dma_start3A_141 = arith.constant 0 : i32
      %dma_start3A_142 = arith.constant 0 : i32
      %dma_start3A_143 = tpu.memref_slice %arg4[%add3A_85, %dma_start3A_139, %dma_start3A_140, %dma_start3A_141, %dma_start3A_142] : memref<200x2x128x8x128xf32, #tpu.memory_space<hbm>> -> memref<1x2x128x8x128xf32, #tpu.memory_space<hbm>>
      %dma_start3A_144 = tpu.memref_squeeze %dma_start3A_143 : memref<1x2x128x8x128xf32, #tpu.memory_space<hbm>> -> memref<2x128x8x128xf32, #tpu.memory_space<hbm>>
      %dma_start3A_145 = arith.constant 0 : i32
      %dma_start3A_146 = arith.constant 0 : i32
      %dma_start3A_147 = arith.constant 0 : i32
      %dma_start3A_148 = tpu.memref_slice %dma_start3A_144[%dma_start3A_131, %dma_start3A_145, %dma_start3A_146, %dma_start3A_147] : memref<2x128x8x128xf32, #tpu.memory_space<hbm>> -> memref<1x128x8x128xf32, #tpu.memory_space<hbm>>
      %dma_start3A_149 = tpu.memref_squeeze %dma_start3A_148 : memref<1x128x8x128xf32, #tpu.memory_space<hbm>> -> memref<128x8x128xf32, #tpu.memory_space<hbm>>
      %dma_start3A_150 = arith.constant 0 : i32
      %dma_start3A_151 = arith.constant 0 : i32
      %dma_start3A_152 = tpu.memref_slice %dma_start3A_149[%add3A_129, %dma_start3A_150, %dma_start3A_151] : memref<128x8x128xf32, #tpu.memory_space<hbm>> -> memref<1x8x128xf32, #tpu.memory_space<hbm>>
      %dma_start3A_153 = tpu.memref_squeeze %dma_start3A_152 : memref<1x8x128xf32, #tpu.memory_space<hbm>> -> memref<8x128xf32, #tpu.memory_space<hbm>>
      %dma_start3A_154 = arith.constant 0 : i32
      %dma_start3A_155 = arith.constant 0 : i32
      %dma_start3A_156 = arith.constant 0 : i32
      %dma_start3A_157 = arith.constant 0 : i32
      %dma_start3A_158 = tpu.memref_slice %arg4[%add3A_85, %dma_start3A_154, %dma_start3A_155, %dma_start3A_156, %dma_start3A_157] : memref<200x2x128x8x128xf32, #tpu.memory_space<hbm>> -> memref<1x2x128x8x128xf32, #tpu.memory_space<hbm>>
      %dma_start3A_159 = tpu.memref_squeeze %dma_start3A_158 : memref<1x2x128x8x128xf32, #tpu.memory_space<hbm>> -> memref<2x128x8x128xf32, #tpu.memory_space<hbm>>
      %dma_start3A_160 = arith.constant 0 : i32
      %dma_start3A_161 = arith.constant 0 : i32
      %dma_start3A_162 = arith.constant 0 : i32
      %dma_start3A_163 = tpu.memref_slice %dma_start3A_159[%dma_start3A_131, %dma_start3A_160, %dma_start3A_161, %dma_start3A_162] : memref<2x128x8x128xf32, #tpu.memory_space<hbm>> -> memref<1x128x8x128xf32, #tpu.memory_space<hbm>>
      %dma_start3A_164 = tpu.memref_squeeze %dma_start3A_163 : memref<1x128x8x128xf32, #tpu.memory_space<hbm>> -> memref<128x8x128xf32, #tpu.memory_space<hbm>>
      %dma_start3A_165 = arith.constant 0 : i32
      %dma_start3A_166 = arith.constant 0 : i32
      %dma_start3A_167 = tpu.memref_slice %dma_start3A_164[%add3A_129, %dma_start3A_165, %dma_start3A_166] : memref<128x8x128xf32, #tpu.memory_space<hbm>> -> memref<1x8x128xf32, #tpu.memory_space<hbm>>
      %dma_start3A_168 = tpu.memref_squeeze %dma_start3A_167 : memref<1x8x128xf32, #tpu.memory_space<hbm>> -> memref<8x128xf32, #tpu.memory_space<hbm>>
      %dma_start3A_169 = arith.constant 0 : i32
      %dma_start3A_170 = arith.constant 0 : i32
      %dma_start3A_171 = tpu.memref_slice %arg7[%dma_start3A_130, %dma_start3A_169, %dma_start3A_170] : memref<2x16x513xf32, #tpu.memory_space<vmem>> -> memref<1x16x513xf32, #tpu.memory_space<vmem>>
      %dma_start3A_172 = tpu.memref_squeeze %dma_start3A_171 : memref<1x16x513xf32, #tpu.memory_space<vmem>> -> memref<16x513xf32, #tpu.memory_space<vmem>>
      %dma_start3A_173 = arith.constant 0 : i32
      %dma_start3A_174 = arith.constant 0 : i32
      %dma_start3A_175 = tpu.memref_slice %dma_start3A_172[%dma_start3A_173, %dma_start3A_174] : memref<16x513xf32, #tpu.memory_space<vmem>> -> memref<8x128xf32, #tpu.memory_space<vmem>>
      tpu.enqueue_dma source(%dma_start3A_175 : memref<8x128xf32, #tpu.memory_space<vmem>>) target(%dma_start3A_168 : memref<8x128xf32, #tpu.memory_space<hbm>>) target_semaphore(%arg12 : memref<!tpu.dma_semaphore, #tpu.memory_space<semaphore_mem>>)
      %jit3A_176 = arith.constant 128 : i32
      %div3A_177 = arith.divsi %mul3A_2, %jit3A_176 : i32
      %sign3A_178 = arith.constant 0 : i32
      %sign3A_179 = arith.cmpi sgt, %mul3A_2, %sign3A_178 : i32
      %sign3A_180 = arith.extui %sign3A_179 : i1 to i32
      %sign3A_181 = arith.constant 0 : i32
      %sign3A_182 = arith.cmpi slt, %mul3A_2, %sign3A_181 : i32
      %sign3A_183 = arith.extui %sign3A_182 : i1 to i32
      %sign3A_184 = arith.subi %sign3A_180, %sign3A_183 : i32
      %sign3A_185 = arith.constant 0 : i32
      %sign3A_186 = arith.cmpi sgt, %jit3A_176, %sign3A_185 : i32
      %sign3A_187 = arith.extui %sign3A_186 : i1 to i32
      %sign3A_188 = arith.constant 0 : i32
      %sign3A_189 = arith.cmpi slt, %jit3A_176, %sign3A_188 : i32
      %sign3A_190 = arith.extui %sign3A_189 : i1 to i32
      %sign3A_191 = arith.subi %sign3A_187, %sign3A_190 : i32
      %ne3A_192 = arith.cmpi ne, %sign3A_184, %sign3A_191 : i32
      %rem3A_193 = arith.remsi %mul3A_2, %jit3A_176 : i32
      %ne3A_194 = arith.constant 0 : i32
      %ne3A_195 = arith.cmpi ne, %rem3A_193, %ne3A_194 : i32
      %and3A_196 = arith.andi %ne3A_192, %ne3A_195 : i1
      %sub3A_197 = arith.constant 1 : i32
      %sub3A_198 = arith.subi %div3A_177, %sub3A_197 : i32
      %select_n3A_199 = arith.select %and3A_196, %sub3A_198, %div3A_177 : i32
      %add3A_200 = arith.constant 1 : i32
      %add3A_201 = arith.addi %select_n3A_199, %add3A_200 : i32
      %dma_start3A_202 = arith.constant 0 : i32
      %dma_start3A_203 = arith.constant 0 : i32
      %dma_start3A_204 = arith.constant 0 : i32
      %dma_start3A_205 = arith.constant 0 : i32
      %dma_start3A_206 = tpu.memref_slice %arg7[%dma_start3A_202, %dma_start3A_204, %dma_start3A_205] : memref<2x16x513xf32, #tpu.memory_space<vmem>> -> memref<1x16x513xf32, #tpu.memory_space<vmem>>
      %dma_start3A_207 = tpu.memref_squeeze %dma_start3A_206 : memref<1x16x513xf32, #tpu.memory_space<vmem>> -> memref<16x513xf32, #tpu.memory_space<vmem>>
      %dma_start3A_208 = arith.constant 0 : i32
      %dma_start3A_209 = arith.constant 128 : i32
      %dma_start3A_210 = tpu.memref_slice %dma_start3A_207[%dma_start3A_208, %dma_start3A_209] : memref<16x513xf32, #tpu.memory_space<vmem>> -> memref<8x128xf32, #tpu.memory_space<vmem>>
      %dma_start3A_211 = arith.constant 0 : i32
      %dma_start3A_212 = arith.constant 0 : i32
      %dma_start3A_213 = arith.constant 0 : i32
      %dma_start3A_214 = arith.constant 0 : i32
      %dma_start3A_215 = tpu.memref_slice %arg4[%add3A_85, %dma_start3A_211, %dma_start3A_212, %dma_start3A_213, %dma_start3A_214] : memref<200x2x128x8x128xf32, #tpu.memory_space<hbm>> -> memref<1x2x128x8x128xf32, #tpu.memory_space<hbm>>
      %dma_start3A_216 = tpu.memref_squeeze %dma_start3A_215 : memref<1x2x128x8x128xf32, #tpu.memory_space<hbm>> -> memref<2x128x8x128xf32, #tpu.memory_space<hbm>>
      %dma_start3A_217 = arith.constant 0 : i32
      %dma_start3A_218 = arith.constant 0 : i32
      %dma_start3A_219 = arith.constant 0 : i32
      %dma_start3A_220 = tpu.memref_slice %dma_start3A_216[%dma_start3A_203, %dma_start3A_217, %dma_start3A_218, %dma_start3A_219] : memref<2x128x8x128xf32, #tpu.memory_space<hbm>> -> memref<1x128x8x128xf32, #tpu.memory_space<hbm>>
      %dma_start3A_221 = tpu.memref_squeeze %dma_start3A_220 : memref<1x128x8x128xf32, #tpu.memory_space<hbm>> -> memref<128x8x128xf32, #tpu.memory_space<hbm>>
      %dma_start3A_222 = arith.constant 0 : i32
      %dma_start3A_223 = arith.constant 0 : i32
      %dma_start3A_224 = tpu.memref_slice %dma_start3A_221[%add3A_201, %dma_start3A_222, %dma_start3A_223] : memref<128x8x128xf32, #tpu.memory_space<hbm>> -> memref<1x8x128xf32, #tpu.memory_space<hbm>>
      %dma_start3A_225 = tpu.memref_squeeze %dma_start3A_224 : memref<1x8x128xf32, #tpu.memory_space<hbm>> -> memref<8x128xf32, #tpu.memory_space<hbm>>
      %dma_start3A_226 = arith.constant 0 : i32
      %dma_start3A_227 = arith.constant 0 : i32
      %dma_start3A_228 = arith.constant 0 : i32
      %dma_start3A_229 = arith.constant 0 : i32
      %dma_start3A_230 = tpu.memref_slice %arg4[%add3A_85, %dma_start3A_226, %dma_start3A_227, %dma_start3A_228, %dma_start3A_229] : memref<200x2x128x8x128xf32, #tpu.memory_space<hbm>> -> memref<1x2x128x8x128xf32, #tpu.memory_space<hbm>>
      %dma_start3A_231 = tpu.memref_squeeze %dma_start3A_230 : memref<1x2x128x8x128xf32, #tpu.memory_space<hbm>> -> memref<2x128x8x128xf32, #tpu.memory_space<hbm>>
      %dma_start3A_232 = arith.constant 0 : i32
      %dma_start3A_233 = arith.constant 0 : i32
      %dma_start3A_234 = arith.constant 0 : i32
      %dma_start3A_235 = tpu.memref_slice %dma_start3A_231[%dma_start3A_203, %dma_start3A_232, %dma_start3A_233, %dma_start3A_234] : memref<2x128x8x128xf32, #tpu.memory_space<hbm>> -> memref<1x128x8x128xf32, #tpu.memory_space<hbm>>
      %dma_start3A_236 = tpu.memref_squeeze %dma_start3A_235 : memref<1x128x8x128xf32, #tpu.memory_space<hbm>> -> memref<128x8x128xf32, #tpu.memory_space<hbm>>
      %dma_start3A_237 = arith.constant 0 : i32
      %dma_start3A_238 = arith.constant 0 : i32
      %dma_start3A_239 = tpu.memref_slice %dma_start3A_236[%add3A_201, %dma_start3A_237, %dma_start3A_238] : memref<128x8x128xf32, #tpu.memory_space<hbm>> -> memref<1x8x128xf32, #tpu.memory_space<hbm>>
      %dma_start3A_240 = tpu.memref_squeeze %dma_start3A_239 : memref<1x8x128xf32, #tpu.memory_space<hbm>> -> memref<8x128xf32, #tpu.memory_space<hbm>>
      %dma_start3A_241 = arith.constant 0 : i32
      %dma_start3A_242 = arith.constant 0 : i32
      %dma_start3A_243 = tpu.memref_slice %arg7[%dma_start3A_202, %dma_start3A_241, %dma_start3A_242] : memref<2x16x513xf32, #tpu.memory_space<vmem>> -> memref<1x16x513xf32, #tpu.memory_space<vmem>>
      %dma_start3A_244 = tpu.memref_squeeze %dma_start3A_243 : memref<1x16x513xf32, #tpu.memory_space<vmem>> -> memref<16x513xf32, #tpu.memory_space<vmem>>
      %dma_start3A_245 = arith.constant 0 : i32
      %dma_start3A_246 = arith.constant 128 : i32
      %dma_start3A_247 = tpu.memref_slice %dma_start3A_244[%dma_start3A_245, %dma_start3A_246] : memref<16x513xf32, #tpu.memory_space<vmem>> -> memref<8x128xf32, #tpu.memory_space<vmem>>
      tpu.enqueue_dma source(%dma_start3A_247 : memref<8x128xf32, #tpu.memory_space<vmem>>) target(%dma_start3A_240 : memref<8x128xf32, #tpu.memory_space<hbm>>) target_semaphore(%arg12 : memref<!tpu.dma_semaphore, #tpu.memory_space<semaphore_mem>>)
      %jit3A_248 = arith.constant 128 : i32
      %div3A_249 = arith.divsi %mul3A_2, %jit3A_248 : i32
      %sign3A_250 = arith.constant 0 : i32
      %sign3A_251 = arith.cmpi sgt, %mul3A_2, %sign3A_250 : i32
      %sign3A_252 = arith.extui %sign3A_251 : i1 to i32
      %sign3A_253 = arith.constant 0 : i32
      %sign3A_254 = arith.cmpi slt, %mul3A_2, %sign3A_253 : i32
      %sign3A_255 = arith.extui %sign3A_254 : i1 to i32
      %sign3A_256 = arith.subi %sign3A_252, %sign3A_255 : i32
      %sign3A_257 = arith.constant 0 : i32
      %sign3A_258 = arith.cmpi sgt, %jit3A_248, %sign3A_257 : i32
      %sign3A_259 = arith.extui %sign3A_258 : i1 to i32
      %sign3A_260 = arith.constant 0 : i32
      %sign3A_261 = arith.cmpi slt, %jit3A_248, %sign3A_260 : i32
      %sign3A_262 = arith.extui %sign3A_261 : i1 to i32
      %sign3A_263 = arith.subi %sign3A_259, %sign3A_262 : i32
      %ne3A_264 = arith.cmpi ne, %sign3A_256, %sign3A_263 : i32
      %rem3A_265 = arith.remsi %mul3A_2, %jit3A_248 : i32
      %ne3A_266 = arith.constant 0 : i32
      %ne3A_267 = arith.cmpi ne, %rem3A_265, %ne3A_266 : i32
      %and3A_268 = arith.andi %ne3A_264, %ne3A_267 : i1
      %sub3A_269 = arith.constant 1 : i32
      %sub3A_270 = arith.subi %div3A_249, %sub3A_269 : i32
      %select_n3A_271 = arith.select %and3A_268, %sub3A_270, %div3A_249 : i32
      %add3A_272 = arith.constant 2 : i32
      %add3A_273 = arith.addi %select_n3A_271, %add3A_272 : i32
      %dma_start3A_274 = arith.constant 0 : i32
      %dma_start3A_275 = arith.constant 0 : i32
      %dma_start3A_276 = arith.constant 0 : i32
      %dma_start3A_277 = arith.constant 0 : i32
      %dma_start3A_278 = tpu.memref_slice %arg7[%dma_start3A_274, %dma_start3A_276, %dma_start3A_277] : memref<2x16x513xf32, #tpu.memory_space<vmem>> -> memref<1x16x513xf32, #tpu.memory_space<vmem>>
      %dma_start3A_279 = tpu.memref_squeeze %dma_start3A_278 : memref<1x16x513xf32, #tpu.memory_space<vmem>> -> memref<16x513xf32, #tpu.memory_space<vmem>>
      %dma_start3A_280 = arith.constant 0 : i32
      %dma_start3A_281 = arith.constant 256 : i32
      %dma_start3A_282 = tpu.memref_slice %dma_start3A_279[%dma_start3A_280, %dma_start3A_281] : memref<16x513xf32, #tpu.memory_space<vmem>> -> memref<8x128xf32, #tpu.memory_space<vmem>>
      %dma_start3A_283 = arith.constant 0 : i32
      %dma_start3A_284 = arith.constant 0 : i32
      %dma_start3A_285 = arith.constant 0 : i32
      %dma_start3A_286 = arith.constant 0 : i32
      %dma_start3A_287 = tpu.memref_slice %arg4[%add3A_85, %dma_start3A_283, %dma_start3A_284, %dma_start3A_285, %dma_start3A_286] : memref<200x2x128x8x128xf32, #tpu.memory_space<hbm>> -> memref<1x2x128x8x128xf32, #tpu.memory_space<hbm>>
      %dma_start3A_288 = tpu.memref_squeeze %dma_start3A_287 : memref<1x2x128x8x128xf32, #tpu.memory_space<hbm>> -> memref<2x128x8x128xf32, #tpu.memory_space<hbm>>
      %dma_start3A_289 = arith.constant 0 : i32
      %dma_start3A_290 = arith.constant 0 : i32
      %dma_start3A_291 = arith.constant 0 : i32
      %dma_start3A_292 = tpu.memref_slice %dma_start3A_288[%dma_start3A_275, %dma_start3A_289, %dma_start3A_290, %dma_start3A_291] : memref<2x128x8x128xf32, #tpu.memory_space<hbm>> -> memref<1x128x8x128xf32, #tpu.memory_space<hbm>>
      %dma_start3A_293 = tpu.memref_squeeze %dma_start3A_292 : memref<1x128x8x128xf32, #tpu.memory_space<hbm>> -> memref<128x8x128xf32, #tpu.memory_space<hbm>>
      %dma_start3A_294 = arith.constant 0 : i32
      %dma_start3A_295 = arith.constant 0 : i32
      %dma_start3A_296 = tpu.memref_slice %dma_start3A_293[%add3A_273, %dma_start3A_294, %dma_start3A_295] : memref<128x8x128xf32, #tpu.memory_space<hbm>> -> memref<1x8x128xf32, #tpu.memory_space<hbm>>
      %dma_start3A_297 = tpu.memref_squeeze %dma_start3A_296 : memref<1x8x128xf32, #tpu.memory_space<hbm>> -> memref<8x128xf32, #tpu.memory_space<hbm>>
      %dma_start3A_298 = arith.constant 0 : i32
      %dma_start3A_299 = arith.constant 0 : i32
      %dma_start3A_300 = arith.constant 0 : i32
      %dma_start3A_301 = arith.constant 0 : i32
      %dma_start3A_302 = tpu.memref_slice %arg4[%add3A_85, %dma_start3A_298, %dma_start3A_299, %dma_start3A_300, %dma_start3A_301] : memref<200x2x128x8x128xf32, #tpu.memory_space<hbm>> -> memref<1x2x128x8x128xf32, #tpu.memory_space<hbm>>
      %dma_start3A_303 = tpu.memref_squeeze %dma_start3A_302 : memref<1x2x128x8x128xf32, #tpu.memory_space<hbm>> -> memref<2x128x8x128xf32, #tpu.memory_space<hbm>>
      %dma_start3A_304 = arith.constant 0 : i32
      %dma_start3A_305 = arith.constant 0 : i32
      %dma_start3A_306 = arith.constant 0 : i32
      %dma_start3A_307 = tpu.memref_slice %dma_start3A_303[%dma_start3A_275, %dma_start3A_304, %dma_start3A_305, %dma_start3A_306] : memref<2x128x8x128xf32, #tpu.memory_space<hbm>> -> memref<1x128x8x128xf32, #tpu.memory_space<hbm>>
      %dma_start3A_308 = tpu.memref_squeeze %dma_start3A_307 : memref<1x128x8x128xf32, #tpu.memory_space<hbm>> -> memref<128x8x128xf32, #tpu.memory_space<hbm>>
      %dma_start3A_309 = arith.constant 0 : i32
      %dma_start3A_310 = arith.constant 0 : i32
      %dma_start3A_311 = tpu.memref_slice %dma_start3A_308[%add3A_273, %dma_start3A_309, %dma_start3A_310] : memref<128x8x128xf32, #tpu.memory_space<hbm>> -> memref<1x8x128xf32, #tpu.memory_space<hbm>>
      %dma_start3A_312 = tpu.memref_squeeze %dma_start3A_311 : memref<1x8x128xf32, #tpu.memory_space<hbm>> -> memref<8x128xf32, #tpu.memory_space<hbm>>
      %dma_start3A_313 = arith.constant 0 : i32
      %dma_start3A_314 = arith.constant 0 : i32
      %dma_start3A_315 = tpu.memref_slice %arg7[%dma_start3A_274, %dma_start3A_313, %dma_start3A_314] : memref<2x16x513xf32, #tpu.memory_space<vmem>> -> memref<1x16x513xf32, #tpu.memory_space<vmem>>
      %dma_start3A_316 = tpu.memref_squeeze %dma_start3A_315 : memref<1x16x513xf32, #tpu.memory_space<vmem>> -> memref<16x513xf32, #tpu.memory_space<vmem>>
      %dma_start3A_317 = arith.constant 0 : i32
      %dma_start3A_318 = arith.constant 256 : i32
      %dma_start3A_319 = tpu.memref_slice %dma_start3A_316[%dma_start3A_317, %dma_start3A_318] : memref<16x513xf32, #tpu.memory_space<vmem>> -> memref<8x128xf32, #tpu.memory_space<vmem>>
      tpu.enqueue_dma source(%dma_start3A_319 : memref<8x128xf32, #tpu.memory_space<vmem>>) target(%dma_start3A_312 : memref<8x128xf32, #tpu.memory_space<hbm>>) target_semaphore(%arg12 : memref<!tpu.dma_semaphore, #tpu.memory_space<semaphore_mem>>)
      %jit3A_320 = arith.constant 128 : i32
      %div3A_321 = arith.divsi %mul3A_2, %jit3A_320 : i32
      %sign3A_322 = arith.constant 0 : i32
      %sign3A_323 = arith.cmpi sgt, %mul3A_2, %sign3A_322 : i32
      %sign3A_324 = arith.extui %sign3A_323 : i1 to i32
      %sign3A_325 = arith.constant 0 : i32
      %sign3A_326 = arith.cmpi slt, %mul3A_2, %sign3A_325 : i32
      %sign3A_327 = arith.extui %sign3A_326 : i1 to i32
      %sign3A_328 = arith.subi %sign3A_324, %sign3A_327 : i32
      %sign3A_329 = arith.constant 0 : i32
      %sign3A_330 = arith.cmpi sgt, %jit3A_320, %sign3A_329 : i32
      %sign3A_331 = arith.extui %sign3A_330 : i1 to i32
      %sign3A_332 = arith.constant 0 : i32
      %sign3A_333 = arith.cmpi slt, %jit3A_320, %sign3A_332 : i32
      %sign3A_334 = arith.extui %sign3A_333 : i1 to i32
      %sign3A_335 = arith.subi %sign3A_331, %sign3A_334 : i32
      %ne3A_336 = arith.cmpi ne, %sign3A_328, %sign3A_335 : i32
      %rem3A_337 = arith.remsi %mul3A_2, %jit3A_320 : i32
      %ne3A_338 = arith.constant 0 : i32
      %ne3A_339 = arith.cmpi ne, %rem3A_337, %ne3A_338 : i32
      %and3A_340 = arith.andi %ne3A_336, %ne3A_339 : i1
      %sub3A_341 = arith.constant 1 : i32
      %sub3A_342 = arith.subi %div3A_321, %sub3A_341 : i32
      %select_n3A_343 = arith.select %and3A_340, %sub3A_342, %div3A_321 : i32
      %add3A_344 = arith.constant 3 : i32
      %add3A_345 = arith.addi %select_n3A_343, %add3A_344 : i32
      %dma_start3A_346 = arith.constant 0 : i32
      %dma_start3A_347 = arith.constant 0 : i32
      %dma_start3A_348 = arith.constant 0 : i32
      %dma_start3A_349 = arith.constant 0 : i32
      %dma_start3A_350 = tpu.memref_slice %arg7[%dma_start3A_346, %dma_start3A_348, %dma_start3A_349] : memref<2x16x513xf32, #tpu.memory_space<vmem>> -> memref<1x16x513xf32, #tpu.memory_space<vmem>>
      %dma_start3A_351 = tpu.memref_squeeze %dma_start3A_350 : memref<1x16x513xf32, #tpu.memory_space<vmem>> -> memref<16x513xf32, #tpu.memory_space<vmem>>
      %dma_start3A_352 = arith.constant 0 : i32
      %dma_start3A_353 = arith.constant 384 : i32
      %dma_start3A_354 = tpu.memref_slice %dma_start3A_351[%dma_start3A_352, %dma_start3A_353] : memref<16x513xf32, #tpu.memory_space<vmem>> -> memref<8x128xf32, #tpu.memory_space<vmem>>
      %dma_start3A_355 = arith.constant 0 : i32
      %dma_start3A_356 = arith.constant 0 : i32
      %dma_start3A_357 = arith.constant 0 : i32
      %dma_start3A_358 = arith.constant 0 : i32
      %dma_start3A_359 = tpu.memref_slice %arg4[%add3A_85, %dma_start3A_355, %dma_start3A_356, %dma_start3A_357, %dma_start3A_358] : memref<200x2x128x8x128xf32, #tpu.memory_space<hbm>> -> memref<1x2x128x8x128xf32, #tpu.memory_space<hbm>>
      %dma_start3A_360 = tpu.memref_squeeze %dma_start3A_359 : memref<1x2x128x8x128xf32, #tpu.memory_space<hbm>> -> memref<2x128x8x128xf32, #tpu.memory_space<hbm>>
      %dma_start3A_361 = arith.constant 0 : i32
      %dma_start3A_362 = arith.constant 0 : i32
      %dma_start3A_363 = arith.constant 0 : i32
      %dma_start3A_364 = tpu.memref_slice %dma_start3A_360[%dma_start3A_347, %dma_start3A_361, %dma_start3A_362, %dma_start3A_363] : memref<2x128x8x128xf32, #tpu.memory_space<hbm>> -> memref<1x128x8x128xf32, #tpu.memory_space<hbm>>
      %dma_start3A_365 = tpu.memref_squeeze %dma_start3A_364 : memref<1x128x8x128xf32, #tpu.memory_space<hbm>> -> memref<128x8x128xf32, #tpu.memory_space<hbm>>
      %dma_start3A_366 = arith.constant 0 : i32
      %dma_start3A_367 = arith.constant 0 : i32
      %dma_start3A_368 = tpu.memref_slice %dma_start3A_365[%add3A_345, %dma_start3A_366, %dma_start3A_367] : memref<128x8x128xf32, #tpu.memory_space<hbm>> -> memref<1x8x128xf32, #tpu.memory_space<hbm>>
      %dma_start3A_369 = tpu.memref_squeeze %dma_start3A_368 : memref<1x8x128xf32, #tpu.memory_space<hbm>> -> memref<8x128xf32, #tpu.memory_space<hbm>>
      %dma_start3A_370 = arith.constant 0 : i32
      %dma_start3A_371 = arith.constant 0 : i32
      %dma_start3A_372 = arith.constant 0 : i32
      %dma_start3A_373 = arith.constant 0 : i32
      %dma_start3A_374 = tpu.memref_slice %arg4[%add3A_85, %dma_start3A_370, %dma_start3A_371, %dma_start3A_372, %dma_start3A_373] : memref<200x2x128x8x128xf32, #tpu.memory_space<hbm>> -> memref<1x2x128x8x128xf32, #tpu.memory_space<hbm>>
      %dma_start3A_375 = tpu.memref_squeeze %dma_start3A_374 : memref<1x2x128x8x128xf32, #tpu.memory_space<hbm>> -> memref<2x128x8x128xf32, #tpu.memory_space<hbm>>
      %dma_start3A_376 = arith.constant 0 : i32
      %dma_start3A_377 = arith.constant 0 : i32
      %dma_start3A_378 = arith.constant 0 : i32
      %dma_start3A_379 = tpu.memref_slice %dma_start3A_375[%dma_start3A_347, %dma_start3A_376, %dma_start3A_377, %dma_start3A_378] : memref<2x128x8x128xf32, #tpu.memory_space<hbm>> -> memref<1x128x8x128xf32, #tpu.memory_space<hbm>>
      %dma_start3A_380 = tpu.memref_squeeze %dma_start3A_379 : memref<1x128x8x128xf32, #tpu.memory_space<hbm>> -> memref<128x8x128xf32, #tpu.memory_space<hbm>>
      %dma_start3A_381 = arith.constant 0 : i32
      %dma_start3A_382 = arith.constant 0 : i32
      %dma_start3A_383 = tpu.memref_slice %dma_start3A_380[%add3A_345, %dma_start3A_381, %dma_start3A_382] : memref<128x8x128xf32, #tpu.memory_space<hbm>> -> memref<1x8x128xf32, #tpu.memory_space<hbm>>
      %dma_start3A_384 = tpu.memref_squeeze %dma_start3A_383 : memref<1x8x128xf32, #tpu.memory_space<hbm>> -> memref<8x128xf32, #tpu.memory_space<hbm>>
      %dma_start3A_385 = arith.constant 0 : i32
      %dma_start3A_386 = arith.constant 0 : i32
      %dma_start3A_387 = tpu.memref_slice %arg7[%dma_start3A_346, %dma_start3A_385, %dma_start3A_386] : memref<2x16x513xf32, #tpu.memory_space<vmem>> -> memref<1x16x513xf32, #tpu.memory_space<vmem>>
      %dma_start3A_388 = tpu.memref_squeeze %dma_start3A_387 : memref<1x16x513xf32, #tpu.memory_space<vmem>> -> memref<16x513xf32, #tpu.memory_space<vmem>>
      %dma_start3A_389 = arith.constant 0 : i32
      %dma_start3A_390 = arith.constant 384 : i32
      %dma_start3A_391 = tpu.memref_slice %dma_start3A_388[%dma_start3A_389, %dma_start3A_390] : memref<16x513xf32, #tpu.memory_space<vmem>> -> memref<8x128xf32, #tpu.memory_space<vmem>>
      tpu.enqueue_dma source(%dma_start3A_391 : memref<8x128xf32, #tpu.memory_space<vmem>>) target(%dma_start3A_384 : memref<8x128xf32, #tpu.memory_space<hbm>>) target_semaphore(%arg12 : memref<!tpu.dma_semaphore, #tpu.memory_space<semaphore_mem>>)
      %jit3A_392 = arith.constant 128 : i32
      %div3A_393 = arith.divsi %mul3A_2, %jit3A_392 : i32
      %sign3A_394 = arith.constant 0 : i32
      %sign3A_395 = arith.cmpi sgt, %mul3A_2, %sign3A_394 : i32
      %sign3A_396 = arith.extui %sign3A_395 : i1 to i32
      %sign3A_397 = arith.constant 0 : i32
      %sign3A_398 = arith.cmpi slt, %mul3A_2, %sign3A_397 : i32
      %sign3A_399 = arith.extui %sign3A_398 : i1 to i32
      %sign3A_400 = arith.subi %sign3A_396, %sign3A_399 : i32
      %sign3A_401 = arith.constant 0 : i32
      %sign3A_402 = arith.cmpi sgt, %jit3A_392, %sign3A_401 : i32
      %sign3A_403 = arith.extui %sign3A_402 : i1 to i32
      %sign3A_404 = arith.constant 0 : i32
      %sign3A_405 = arith.cmpi slt, %jit3A_392, %sign3A_404 : i32
      %sign3A_406 = arith.extui %sign3A_405 : i1 to i32
      %sign3A_407 = arith.subi %sign3A_403, %sign3A_406 : i32
      %ne3A_408 = arith.cmpi ne, %sign3A_400, %sign3A_407 : i32
      %rem3A_409 = arith.remsi %mul3A_2, %jit3A_392 : i32
      %ne3A_410 = arith.constant 0 : i32
      %ne3A_411 = arith.cmpi ne, %rem3A_409, %ne3A_410 : i32
      %and3A_412 = arith.andi %ne3A_408, %ne3A_411 : i1
      %sub3A_413 = arith.constant 1 : i32
      %sub3A_414 = arith.subi %div3A_393, %sub3A_413 : i32
      %select_n3A_415 = arith.select %and3A_412, %sub3A_414, %div3A_393 : i32
      %add3A_416 = arith.constant 0 : i32
      %add3A_417 = arith.addi %select_n3A_415, %add3A_416 : i32
      %dma_start3A_418 = arith.constant 0 : i32
      %dma_start3A_419 = arith.constant 1 : i32
      %dma_start3A_420 = arith.constant 0 : i32
      %dma_start3A_421 = arith.constant 0 : i32
      %dma_start3A_422 = tpu.memref_slice %arg7[%dma_start3A_418, %dma_start3A_420, %dma_start3A_421] : memref<2x16x513xf32, #tpu.memory_space<vmem>> -> memref<1x16x513xf32, #tpu.memory_space<vmem>>
      %dma_start3A_423 = tpu.memref_squeeze %dma_start3A_422 : memref<1x16x513xf32, #tpu.memory_space<vmem>> -> memref<16x513xf32, #tpu.memory_space<vmem>>
      %dma_start3A_424 = arith.constant 8 : i32
      %dma_start3A_425 = arith.constant 0 : i32
      %dma_start3A_426 = tpu.memref_slice %dma_start3A_423[%dma_start3A_424, %dma_start3A_425] : memref<16x513xf32, #tpu.memory_space<vmem>> -> memref<8x128xf32, #tpu.memory_space<vmem>>
      %dma_start3A_427 = arith.constant 0 : i32
      %dma_start3A_428 = arith.constant 0 : i32
      %dma_start3A_429 = arith.constant 0 : i32
      %dma_start3A_430 = arith.constant 0 : i32
      %dma_start3A_431 = tpu.memref_slice %arg4[%add3A_85, %dma_start3A_427, %dma_start3A_428, %dma_start3A_429, %dma_start3A_430] : memref<200x2x128x8x128xf32, #tpu.memory_space<hbm>> -> memref<1x2x128x8x128xf32, #tpu.memory_space<hbm>>
      %dma_start3A_432 = tpu.memref_squeeze %dma_start3A_431 : memref<1x2x128x8x128xf32, #tpu.memory_space<hbm>> -> memref<2x128x8x128xf32, #tpu.memory_space<hbm>>
      %dma_start3A_433 = arith.constant 0 : i32
      %dma_start3A_434 = arith.constant 0 : i32
      %dma_start3A_435 = arith.constant 0 : i32
      %dma_start3A_436 = tpu.memref_slice %dma_start3A_432[%dma_start3A_419, %dma_start3A_433, %dma_start3A_434, %dma_start3A_435] : memref<2x128x8x128xf32, #tpu.memory_space<hbm>> -> memref<1x128x8x128xf32, #tpu.memory_space<hbm>>
      %dma_start3A_437 = tpu.memref_squeeze %dma_start3A_436 : memref<1x128x8x128xf32, #tpu.memory_space<hbm>> -> memref<128x8x128xf32, #tpu.memory_space<hbm>>
      %dma_start3A_438 = arith.constant 0 : i32
      %dma_start3A_439 = arith.constant 0 : i32
      %dma_start3A_440 = tpu.memref_slice %dma_start3A_437[%add3A_417, %dma_start3A_438, %dma_start3A_439] : memref<128x8x128xf32, #tpu.memory_space<hbm>> -> memref<1x8x128xf32, #tpu.memory_space<hbm>>
      %dma_start3A_441 = tpu.memref_squeeze %dma_start3A_440 : memref<1x8x128xf32, #tpu.memory_space<hbm>> -> memref<8x128xf32, #tpu.memory_space<hbm>>
      %dma_start3A_442 = arith.constant 0 : i32
      %dma_start3A_443 = arith.constant 0 : i32
      %dma_start3A_444 = arith.constant 0 : i32
      %dma_start3A_445 = arith.constant 0 : i32
      %dma_start3A_446 = tpu.memref_slice %arg4[%add3A_85, %dma_start3A_442, %dma_start3A_443, %dma_start3A_444, %dma_start3A_445] : memref<200x2x128x8x128xf32, #tpu.memory_space<hbm>> -> memref<1x2x128x8x128xf32, #tpu.memory_space<hbm>>
      %dma_start3A_447 = tpu.memref_squeeze %dma_start3A_446 : memref<1x2x128x8x128xf32, #tpu.memory_space<hbm>> -> memref<2x128x8x128xf32, #tpu.memory_space<hbm>>
      %dma_start3A_448 = arith.constant 0 : i32
      %dma_start3A_449 = arith.constant 0 : i32
      %dma_start3A_450 = arith.constant 0 : i32
      %dma_start3A_451 = tpu.memref_slice %dma_start3A_447[%dma_start3A_419, %dma_start3A_448, %dma_start3A_449, %dma_start3A_450] : memref<2x128x8x128xf32, #tpu.memory_space<hbm>> -> memref<1x128x8x128xf32, #tpu.memory_space<hbm>>
      %dma_start3A_452 = tpu.memref_squeeze %dma_start3A_451 : memref<1x128x8x128xf32, #tpu.memory_space<hbm>> -> memref<128x8x128xf32, #tpu.memory_space<hbm>>
      %dma_start3A_453 = arith.constant 0 : i32
      %dma_start3A_454 = arith.constant 0 : i32
      %dma_start3A_455 = tpu.memref_slice %dma_start3A_452[%add3A_417, %dma_start3A_453, %dma_start3A_454] : memref<128x8x128xf32, #tpu.memory_space<hbm>> -> memref<1x8x128xf32, #tpu.memory_space<hbm>>
      %dma_start3A_456 = tpu.memref_squeeze %dma_start3A_455 : memref<1x8x128xf32, #tpu.memory_space<hbm>> -> memref<8x128xf32, #tpu.memory_space<hbm>>
      %dma_start3A_457 = arith.constant 0 : i32
      %dma_start3A_458 = arith.constant 0 : i32
      %dma_start3A_459 = tpu.memref_slice %arg7[%dma_start3A_418, %dma_start3A_457, %dma_start3A_458] : memref<2x16x513xf32, #tpu.memory_space<vmem>> -> memref<1x16x513xf32, #tpu.memory_space<vmem>>
      %dma_start3A_460 = tpu.memref_squeeze %dma_start3A_459 : memref<1x16x513xf32, #tpu.memory_space<vmem>> -> memref<16x513xf32, #tpu.memory_space<vmem>>
      %dma_start3A_461 = arith.constant 8 : i32
      %dma_start3A_462 = arith.constant 0 : i32
      %dma_start3A_463 = tpu.memref_slice %dma_start3A_460[%dma_start3A_461, %dma_start3A_462] : memref<16x513xf32, #tpu.memory_space<vmem>> -> memref<8x128xf32, #tpu.memory_space<vmem>>
      tpu.enqueue_dma source(%dma_start3A_463 : memref<8x128xf32, #tpu.memory_space<vmem>>) target(%dma_start3A_456 : memref<8x128xf32, #tpu.memory_space<hbm>>) target_semaphore(%arg12 : memref<!tpu.dma_semaphore, #tpu.memory_space<semaphore_mem>>)
      %jit3A_464 = arith.constant 128 : i32
      %div3A_465 = arith.divsi %mul3A_2, %jit3A_464 : i32
      %sign3A_466 = arith.constant 0 : i32
      %sign3A_467 = arith.cmpi sgt, %mul3A_2, %sign3A_466 : i32
      %sign3A_468 = arith.extui %sign3A_467 : i1 to i32
      %sign3A_469 = arith.constant 0 : i32
      %sign3A_470 = arith.cmpi slt, %mul3A_2, %sign3A_469 : i32
      %sign3A_471 = arith.extui %sign3A_470 : i1 to i32
      %sign3A_472 = arith.subi %sign3A_468, %sign3A_471 : i32
      %sign3A_473 = arith.constant 0 : i32
      %sign3A_474 = arith.cmpi sgt, %jit3A_464, %sign3A_473 : i32
      %sign3A_475 = arith.extui %sign3A_474 : i1 to i32
      %sign3A_476 = arith.constant 0 : i32
      %sign3A_477 = arith.cmpi slt, %jit3A_464, %sign3A_476 : i32
      %sign3A_478 = arith.extui %sign3A_477 : i1 to i32
      %sign3A_479 = arith.subi %sign3A_475, %sign3A_478 : i32
      %ne3A_480 = arith.cmpi ne, %sign3A_472, %sign3A_479 : i32
      %rem3A_481 = arith.remsi %mul3A_2, %jit3A_464 : i32
      %ne3A_482 = arith.constant 0 : i32
      %ne3A_483 = arith.cmpi ne, %rem3A_481, %ne3A_482 : i32
      %and3A_484 = arith.andi %ne3A_480, %ne3A_483 : i1
      %sub3A_485 = arith.constant 1 : i32
      %sub3A_486 = arith.subi %div3A_465, %sub3A_485 : i32
      %select_n3A_487 = arith.select %and3A_484, %sub3A_486, %div3A_465 : i32
      %add3A_488 = arith.constant 1 : i32
      %add3A_489 = arith.addi %select_n3A_487, %add3A_488 : i32
      %dma_start3A_490 = arith.constant 0 : i32
      %dma_start3A_491 = arith.constant 1 : i32
      %dma_start3A_492 = arith.constant 0 : i32
      %dma_start3A_493 = arith.constant 0 : i32
      %dma_start3A_494 = tpu.memref_slice %arg7[%dma_start3A_490, %dma_start3A_492, %dma_start3A_493] : memref<2x16x513xf32, #tpu.memory_space<vmem>> -> memref<1x16x513xf32, #tpu.memory_space<vmem>>
      %dma_start3A_495 = tpu.memref_squeeze %dma_start3A_494 : memref<1x16x513xf32, #tpu.memory_space<vmem>> -> memref<16x513xf32, #tpu.memory_space<vmem>>
      %dma_start3A_496 = arith.constant 8 : i32
      %dma_start3A_497 = arith.constant 128 : i32
      %dma_start3A_498 = tpu.memref_slice %dma_start3A_495[%dma_start3A_496, %dma_start3A_497] : memref<16x513xf32, #tpu.memory_space<vmem>> -> memref<8x128xf32, #tpu.memory_space<vmem>>
      %dma_start3A_499 = arith.constant 0 : i32
      %dma_start3A_500 = arith.constant 0 : i32
      %dma_start3A_501 = arith.constant 0 : i32
      %dma_start3A_502 = arith.constant 0 : i32
      %dma_start3A_503 = tpu.memref_slice %arg4[%add3A_85, %dma_start3A_499, %dma_start3A_500, %dma_start3A_501, %dma_start3A_502] : memref<200x2x128x8x128xf32, #tpu.memory_space<hbm>> -> memref<1x2x128x8x128xf32, #tpu.memory_space<hbm>>
      %dma_start3A_504 = tpu.memref_squeeze %dma_start3A_503 : memref<1x2x128x8x128xf32, #tpu.memory_space<hbm>> -> memref<2x128x8x128xf32, #tpu.memory_space<hbm>>
      %dma_start3A_505 = arith.constant 0 : i32
      %dma_start3A_506 = arith.constant 0 : i32
      %dma_start3A_507 = arith.constant 0 : i32
      %dma_start3A_508 = tpu.memref_slice %dma_start3A_504[%dma_start3A_491, %dma_start3A_505, %dma_start3A_506, %dma_start3A_507] : memref<2x128x8x128xf32, #tpu.memory_space<hbm>> -> memref<1x128x8x128xf32, #tpu.memory_space<hbm>>
      %dma_start3A_509 = tpu.memref_squeeze %dma_start3A_508 : memref<1x128x8x128xf32, #tpu.memory_space<hbm>> -> memref<128x8x128xf32, #tpu.memory_space<hbm>>
      %dma_start3A_510 = arith.constant 0 : i32
      %dma_start3A_511 = arith.constant 0 : i32
      %dma_start3A_512 = tpu.memref_slice %dma_start3A_509[%add3A_489, %dma_start3A_510, %dma_start3A_511] : memref<128x8x128xf32, #tpu.memory_space<hbm>> -> memref<1x8x128xf32, #tpu.memory_space<hbm>>
      %dma_start3A_513 = tpu.memref_squeeze %dma_start3A_512 : memref<1x8x128xf32, #tpu.memory_space<hbm>> -> memref<8x128xf32, #tpu.memory_space<hbm>>
      %dma_start3A_514 = arith.constant 0 : i32
      %dma_start3A_515 = arith.constant 0 : i32
      %dma_start3A_516 = arith.constant 0 : i32
      %dma_start3A_517 = arith.constant 0 : i32
      %dma_start3A_518 = tpu.memref_slice %arg4[%add3A_85, %dma_start3A_514, %dma_start3A_515, %dma_start3A_516, %dma_start3A_517] : memref<200x2x128x8x128xf32, #tpu.memory_space<hbm>> -> memref<1x2x128x8x128xf32, #tpu.memory_space<hbm>>
      %dma_start3A_519 = tpu.memref_squeeze %dma_start3A_518 : memref<1x2x128x8x128xf32, #tpu.memory_space<hbm>> -> memref<2x128x8x128xf32, #tpu.memory_space<hbm>>
      %dma_start3A_520 = arith.constant 0 : i32
      %dma_start3A_521 = arith.constant 0 : i32
      %dma_start3A_522 = arith.constant 0 : i32
      %dma_start3A_523 = tpu.memref_slice %dma_start3A_519[%dma_start3A_491, %dma_start3A_520, %dma_start3A_521, %dma_start3A_522] : memref<2x128x8x128xf32, #tpu.memory_space<hbm>> -> memref<1x128x8x128xf32, #tpu.memory_space<hbm>>
      %dma_start3A_524 = tpu.memref_squeeze %dma_start3A_523 : memref<1x128x8x128xf32, #tpu.memory_space<hbm>> -> memref<128x8x128xf32, #tpu.memory_space<hbm>>
      %dma_start3A_525 = arith.constant 0 : i32
      %dma_start3A_526 = arith.constant 0 : i32
      %dma_start3A_527 = tpu.memref_slice %dma_start3A_524[%add3A_489, %dma_start3A_525, %dma_start3A_526] : memref<128x8x128xf32, #tpu.memory_space<hbm>> -> memref<1x8x128xf32, #tpu.memory_space<hbm>>
      %dma_start3A_528 = tpu.memref_squeeze %dma_start3A_527 : memref<1x8x128xf32, #tpu.memory_space<hbm>> -> memref<8x128xf32, #tpu.memory_space<hbm>>
      %dma_start3A_529 = arith.constant 0 : i32
      %dma_start3A_530 = arith.constant 0 : i32
      %dma_start3A_531 = tpu.memref_slice %arg7[%dma_start3A_490, %dma_start3A_529, %dma_start3A_530] : memref<2x16x513xf32, #tpu.memory_space<vmem>> -> memref<1x16x513xf32, #tpu.memory_space<vmem>>
      %dma_start3A_532 = tpu.memref_squeeze %dma_start3A_531 : memref<1x16x513xf32, #tpu.memory_space<vmem>> -> memref<16x513xf32, #tpu.memory_space<vmem>>
      %dma_start3A_533 = arith.constant 8 : i32
      %dma_start3A_534 = arith.constant 128 : i32
      %dma_start3A_535 = tpu.memref_slice %dma_start3A_532[%dma_start3A_533, %dma_start3A_534] : memref<16x513xf32, #tpu.memory_space<vmem>> -> memref<8x128xf32, #tpu.memory_space<vmem>>
      tpu.enqueue_dma source(%dma_start3A_535 : memref<8x128xf32, #tpu.memory_space<vmem>>) target(%dma_start3A_528 : memref<8x128xf32, #tpu.memory_space<hbm>>) target_semaphore(%arg12 : memref<!tpu.dma_semaphore, #tpu.memory_space<semaphore_mem>>)
      %jit3A_536 = arith.constant 128 : i32
      %div3A_537 = arith.divsi %mul3A_2, %jit3A_536 : i32
      %sign3A_538 = arith.constant 0 : i32
      %sign3A_539 = arith.cmpi sgt, %mul3A_2, %sign3A_538 : i32
      %sign3A_540 = arith.extui %sign3A_539 : i1 to i32
      %sign3A_541 = arith.constant 0 : i32
      %sign3A_542 = arith.cmpi slt, %mul3A_2, %sign3A_541 : i32
      %sign3A_543 = arith.extui %sign3A_542 : i1 to i32
      %sign3A_544 = arith.subi %sign3A_540, %sign3A_543 : i32
      %sign3A_545 = arith.constant 0 : i32
      %sign3A_546 = arith.cmpi sgt, %jit3A_536, %sign3A_545 : i32
      %sign3A_547 = arith.extui %sign3A_546 : i1 to i32
      %sign3A_548 = arith.constant 0 : i32
      %sign3A_549 = arith.cmpi slt, %jit3A_536, %sign3A_548 : i32
      %sign3A_550 = arith.extui %sign3A_549 : i1 to i32
      %sign3A_551 = arith.subi %sign3A_547, %sign3A_550 : i32
      %ne3A_552 = arith.cmpi ne, %sign3A_544, %sign3A_551 : i32
      %rem3A_553 = arith.remsi %mul3A_2, %jit3A_536 : i32
      %ne3A_554 = arith.constant 0 : i32
      %ne3A_555 = arith.cmpi ne, %rem3A_553, %ne3A_554 : i32
      %and3A_556 = arith.andi %ne3A_552, %ne3A_555 : i1
      %sub3A_557 = arith.constant 1 : i32
      %sub3A_558 = arith.subi %div3A_537, %sub3A_557 : i32
      %select_n3A_559 = arith.select %and3A_556, %sub3A_558, %div3A_537 : i32
      %add3A_560 = arith.constant 2 : i32
      %add3A_561 = arith.addi %select_n3A_559, %add3A_560 : i32
      %dma_start3A_562 = arith.constant 0 : i32
      %dma_start3A_563 = arith.constant 1 : i32
      %dma_start3A_564 = arith.constant 0 : i32
      %dma_start3A_565 = arith.constant 0 : i32
      %dma_start3A_566 = tpu.memref_slice %arg7[%dma_start3A_562, %dma_start3A_564, %dma_start3A_565] : memref<2x16x513xf32, #tpu.memory_space<vmem>> -> memref<1x16x513xf32, #tpu.memory_space<vmem>>
      %dma_start3A_567 = tpu.memref_squeeze %dma_start3A_566 : memref<1x16x513xf32, #tpu.memory_space<vmem>> -> memref<16x513xf32, #tpu.memory_space<vmem>>
      %dma_start3A_568 = arith.constant 8 : i32
      %dma_start3A_569 = arith.constant 256 : i32
      %dma_start3A_570 = tpu.memref_slice %dma_start3A_567[%dma_start3A_568, %dma_start3A_569] : memref<16x513xf32, #tpu.memory_space<vmem>> -> memref<8x128xf32, #tpu.memory_space<vmem>>
      %dma_start3A_571 = arith.constant 0 : i32
      %dma_start3A_572 = arith.constant 0 : i32
      %dma_start3A_573 = arith.constant 0 : i32
      %dma_start3A_574 = arith.constant 0 : i32
      %dma_start3A_575 = tpu.memref_slice %arg4[%add3A_85, %dma_start3A_571, %dma_start3A_572, %dma_start3A_573, %dma_start3A_574] : memref<200x2x128x8x128xf32, #tpu.memory_space<hbm>> -> memref<1x2x128x8x128xf32, #tpu.memory_space<hbm>>
      %dma_start3A_576 = tpu.memref_squeeze %dma_start3A_575 : memref<1x2x128x8x128xf32, #tpu.memory_space<hbm>> -> memref<2x128x8x128xf32, #tpu.memory_space<hbm>>
      %dma_start3A_577 = arith.constant 0 : i32
      %dma_start3A_578 = arith.constant 0 : i32
      %dma_start3A_579 = arith.constant 0 : i32
      %dma_start3A_580 = tpu.memref_slice %dma_start3A_576[%dma_start3A_563, %dma_start3A_577, %dma_start3A_578, %dma_start3A_579] : memref<2x128x8x128xf32, #tpu.memory_space<hbm>> -> memref<1x128x8x128xf32, #tpu.memory_space<hbm>>
      %dma_start3A_581 = tpu.memref_squeeze %dma_start3A_580 : memref<1x128x8x128xf32, #tpu.memory_space<hbm>> -> memref<128x8x128xf32, #tpu.memory_space<hbm>>
      %dma_start3A_582 = arith.constant 0 : i32
      %dma_start3A_583 = arith.constant 0 : i32
      %dma_start3A_584 = tpu.memref_slice %dma_start3A_581[%add3A_561, %dma_start3A_582, %dma_start3A_583] : memref<128x8x128xf32, #tpu.memory_space<hbm>> -> memref<1x8x128xf32, #tpu.memory_space<hbm>>
      %dma_start3A_585 = tpu.memref_squeeze %dma_start3A_584 : memref<1x8x128xf32, #tpu.memory_space<hbm>> -> memref<8x128xf32, #tpu.memory_space<hbm>>
      %dma_start3A_586 = arith.constant 0 : i32
      %dma_start3A_587 = arith.constant 0 : i32
      %dma_start3A_588 = arith.constant 0 : i32
      %dma_start3A_589 = arith.constant 0 : i32
      %dma_start3A_590 = tpu.memref_slice %arg4[%add3A_85, %dma_start3A_586, %dma_start3A_587, %dma_start3A_588, %dma_start3A_589] : memref<200x2x128x8x128xf32, #tpu.memory_space<hbm>> -> memref<1x2x128x8x128xf32, #tpu.memory_space<hbm>>
      %dma_start3A_591 = tpu.memref_squeeze %dma_start3A_590 : memref<1x2x128x8x128xf32, #tpu.memory_space<hbm>> -> memref<2x128x8x128xf32, #tpu.memory_space<hbm>>
      %dma_start3A_592 = arith.constant 0 : i32
      %dma_start3A_593 = arith.constant 0 : i32
      %dma_start3A_594 = arith.constant 0 : i32
      %dma_start3A_595 = tpu.memref_slice %dma_start3A_591[%dma_start3A_563, %dma_start3A_592, %dma_start3A_593, %dma_start3A_594] : memref<2x128x8x128xf32, #tpu.memory_space<hbm>> -> memref<1x128x8x128xf32, #tpu.memory_space<hbm>>
      %dma_start3A_596 = tpu.memref_squeeze %dma_start3A_595 : memref<1x128x8x128xf32, #tpu.memory_space<hbm>> -> memref<128x8x128xf32, #tpu.memory_space<hbm>>
      %dma_start3A_597 = arith.constant 0 : i32
      %dma_start3A_598 = arith.constant 0 : i32
      %dma_start3A_599 = tpu.memref_slice %dma_start3A_596[%add3A_561, %dma_start3A_597, %dma_start3A_598] : memref<128x8x128xf32, #tpu.memory_space<hbm>> -> memref<1x8x128xf32, #tpu.memory_space<hbm>>
      %dma_start3A_600 = tpu.memref_squeeze %dma_start3A_599 : memref<1x8x128xf32, #tpu.memory_space<hbm>> -> memref<8x128xf32, #tpu.memory_space<hbm>>
      %dma_start3A_601 = arith.constant 0 : i32
      %dma_start3A_602 = arith.constant 0 : i32
      %dma_start3A_603 = tpu.memref_slice %arg7[%dma_start3A_562, %dma_start3A_601, %dma_start3A_602] : memref<2x16x513xf32, #tpu.memory_space<vmem>> -> memref<1x16x513xf32, #tpu.memory_space<vmem>>
      %dma_start3A_604 = tpu.memref_squeeze %dma_start3A_603 : memref<1x16x513xf32, #tpu.memory_space<vmem>> -> memref<16x513xf32, #tpu.memory_space<vmem>>
      %dma_start3A_605 = arith.constant 8 : i32
      %dma_start3A_606 = arith.constant 256 : i32
      %dma_start3A_607 = tpu.memref_slice %dma_start3A_604[%dma_start3A_605, %dma_start3A_606] : memref<16x513xf32, #tpu.memory_space<vmem>> -> memref<8x128xf32, #tpu.memory_space<vmem>>
      tpu.enqueue_dma source(%dma_start3A_607 : memref<8x128xf32, #tpu.memory_space<vmem>>) target(%dma_start3A_600 : memref<8x128xf32, #tpu.memory_space<hbm>>) target_semaphore(%arg12 : memref<!tpu.dma_semaphore, #tpu.memory_space<semaphore_mem>>)
      %jit3A_608 = arith.constant 128 : i32
      %div3A_609 = arith.divsi %mul3A_2, %jit3A_608 : i32
      %sign3A_610 = arith.constant 0 : i32
      %sign3A_611 = arith.cmpi sgt, %mul3A_2, %sign3A_610 : i32
      %sign3A_612 = arith.extui %sign3A_611 : i1 to i32
      %sign3A_613 = arith.constant 0 : i32
      %sign3A_614 = arith.cmpi slt, %mul3A_2, %sign3A_613 : i32
      %sign3A_615 = arith.extui %sign3A_614 : i1 to i32
      %sign3A_616 = arith.subi %sign3A_612, %sign3A_615 : i32
      %sign3A_617 = arith.constant 0 : i32
      %sign3A_618 = arith.cmpi sgt, %jit3A_608, %sign3A_617 : i32
      %sign3A_619 = arith.extui %sign3A_618 : i1 to i32
      %sign3A_620 = arith.constant 0 : i32
      %sign3A_621 = arith.cmpi slt, %jit3A_608, %sign3A_620 : i32
      %sign3A_622 = arith.extui %sign3A_621 : i1 to i32
      %sign3A_623 = arith.subi %sign3A_619, %sign3A_622 : i32
      %ne3A_624 = arith.cmpi ne, %sign3A_616, %sign3A_623 : i32
      %rem3A_625 = arith.remsi %mul3A_2, %jit3A_608 : i32
      %ne3A_626 = arith.constant 0 : i32
      %ne3A_627 = arith.cmpi ne, %rem3A_625, %ne3A_626 : i32
      %and3A_628 = arith.andi %ne3A_624, %ne3A_627 : i1
      %sub3A_629 = arith.constant 1 : i32
      %sub3A_630 = arith.subi %div3A_609, %sub3A_629 : i32
      %select_n3A_631 = arith.select %and3A_628, %sub3A_630, %div3A_609 : i32
      %add3A_632 = arith.constant 3 : i32
      %add3A_633 = arith.addi %select_n3A_631, %add3A_632 : i32
      %dma_start3A_634 = arith.constant 0 : i32
      %dma_start3A_635 = arith.constant 1 : i32
      %dma_start3A_636 = arith.constant 0 : i32
      %dma_start3A_637 = arith.constant 0 : i32
      %dma_start3A_638 = tpu.memref_slice %arg7[%dma_start3A_634, %dma_start3A_636, %dma_start3A_637] : memref<2x16x513xf32, #tpu.memory_space<vmem>> -> memref<1x16x513xf32, #tpu.memory_space<vmem>>
      %dma_start3A_639 = tpu.memref_squeeze %dma_start3A_638 : memref<1x16x513xf32, #tpu.memory_space<vmem>> -> memref<16x513xf32, #tpu.memory_space<vmem>>
      %dma_start3A_640 = arith.constant 8 : i32
      %dma_start3A_641 = arith.constant 384 : i32
      %dma_start3A_642 = tpu.memref_slice %dma_start3A_639[%dma_start3A_640, %dma_start3A_641] : memref<16x513xf32, #tpu.memory_space<vmem>> -> memref<8x128xf32, #tpu.memory_space<vmem>>
      %dma_start3A_643 = arith.constant 0 : i32
      %dma_start3A_644 = arith.constant 0 : i32
      %dma_start3A_645 = arith.constant 0 : i32
      %dma_start3A_646 = arith.constant 0 : i32
      %dma_start3A_647 = tpu.memref_slice %arg4[%add3A_85, %dma_start3A_643, %dma_start3A_644, %dma_start3A_645, %dma_start3A_646] : memref<200x2x128x8x128xf32, #tpu.memory_space<hbm>> -> memref<1x2x128x8x128xf32, #tpu.memory_space<hbm>>
      %dma_start3A_648 = tpu.memref_squeeze %dma_start3A_647 : memref<1x2x128x8x128xf32, #tpu.memory_space<hbm>> -> memref<2x128x8x128xf32, #tpu.memory_space<hbm>>
      %dma_start3A_649 = arith.constant 0 : i32
      %dma_start3A_650 = arith.constant 0 : i32
      %dma_start3A_651 = arith.constant 0 : i32
      %dma_start3A_652 = tpu.memref_slice %dma_start3A_648[%dma_start3A_635, %dma_start3A_649, %dma_start3A_650, %dma_start3A_651] : memref<2x128x8x128xf32, #tpu.memory_space<hbm>> -> memref<1x128x8x128xf32, #tpu.memory_space<hbm>>
      %dma_start3A_653 = tpu.memref_squeeze %dma_start3A_652 : memref<1x128x8x128xf32, #tpu.memory_space<hbm>> -> memref<128x8x128xf32, #tpu.memory_space<hbm>>
      %dma_start3A_654 = arith.constant 0 : i32
      %dma_start3A_655 = arith.constant 0 : i32
      %dma_start3A_656 = tpu.memref_slice %dma_start3A_653[%add3A_633, %dma_start3A_654, %dma_start3A_655] : memref<128x8x128xf32, #tpu.memory_space<hbm>> -> memref<1x8x128xf32, #tpu.memory_space<hbm>>
      %dma_start3A_657 = tpu.memref_squeeze %dma_start3A_656 : memref<1x8x128xf32, #tpu.memory_space<hbm>> -> memref<8x128xf32, #tpu.memory_space<hbm>>
      %dma_start3A_658 = arith.constant 0 : i32
      %dma_start3A_659 = arith.constant 0 : i32
      %dma_start3A_660 = arith.constant 0 : i32
      %dma_start3A_661 = arith.constant 0 : i32
      %dma_start3A_662 = tpu.memref_slice %arg4[%add3A_85, %dma_start3A_658, %dma_start3A_659, %dma_start3A_660, %dma_start3A_661] : memref<200x2x128x8x128xf32, #tpu.memory_space<hbm>> -> memref<1x2x128x8x128xf32, #tpu.memory_space<hbm>>
      %dma_start3A_663 = tpu.memref_squeeze %dma_start3A_662 : memref<1x2x128x8x128xf32, #tpu.memory_space<hbm>> -> memref<2x128x8x128xf32, #tpu.memory_space<hbm>>
      %dma_start3A_664 = arith.constant 0 : i32
      %dma_start3A_665 = arith.constant 0 : i32
      %dma_start3A_666 = arith.constant 0 : i32
      %dma_start3A_667 = tpu.memref_slice %dma_start3A_663[%dma_start3A_635, %dma_start3A_664, %dma_start3A_665, %dma_start3A_666] : memref<2x128x8x128xf32, #tpu.memory_space<hbm>> -> memref<1x128x8x128xf32, #tpu.memory_space<hbm>>
      %dma_start3A_668 = tpu.memref_squeeze %dma_start3A_667 : memref<1x128x8x128xf32, #tpu.memory_space<hbm>> -> memref<128x8x128xf32, #tpu.memory_space<hbm>>
      %dma_start3A_669 = arith.constant 0 : i32
      %dma_start3A_670 = arith.constant 0 : i32
      %dma_start3A_671 = tpu.memref_slice %dma_start3A_668[%add3A_633, %dma_start3A_669, %dma_start3A_670] : memref<128x8x128xf32, #tpu.memory_space<hbm>> -> memref<1x8x128xf32, #tpu.memory_space<hbm>>
      %dma_start3A_672 = tpu.memref_squeeze %dma_start3A_671 : memref<1x8x128xf32, #tpu.memory_space<hbm>> -> memref<8x128xf32, #tpu.memory_space<hbm>>
      %dma_start3A_673 = arith.constant 0 : i32
      %dma_start3A_674 = arith.constant 0 : i32
      %dma_start3A_675 = tpu.memref_slice %arg7[%dma_start3A_634, %dma_start3A_673, %dma_start3A_674] : memref<2x16x513xf32, #tpu.memory_space<vmem>> -> memref<1x16x513xf32, #tpu.memory_space<vmem>>
      %dma_start3A_676 = tpu.memref_squeeze %dma_start3A_675 : memref<1x16x513xf32, #tpu.memory_space<vmem>> -> memref<16x513xf32, #tpu.memory_space<vmem>>
      %dma_start3A_677 = arith.constant 8 : i32
      %dma_start3A_678 = arith.constant 384 : i32
      %dma_start3A_679 = tpu.memref_slice %dma_start3A_676[%dma_start3A_677, %dma_start3A_678] : memref<16x513xf32, #tpu.memory_space<vmem>> -> memref<8x128xf32, #tpu.memory_space<vmem>>
      tpu.enqueue_dma source(%dma_start3A_679 : memref<8x128xf32, #tpu.memory_space<vmem>>) target(%dma_start3A_672 : memref<8x128xf32, #tpu.memory_space<hbm>>) target_semaphore(%arg12 : memref<!tpu.dma_semaphore, #tpu.memory_space<semaphore_mem>>)
      %add3A_680 = arith.constant 2 : i32
      %add3A_681 = arith.addi %add3A_85, %add3A_680 : i32
      %lt3A_682 = arith.constant 200 : i32
      %lt3A_683 = arith.cmpi slt, %add3A_681, %lt3A_682 : i32
      %convert_element_type3A_684 = arith.extui %lt3A_683 : i1 to i32
      %cond3A_685 = arith.constant 0 : i32
      %cond3A_686 = arith.cmpi ne, %convert_element_type3A_684, %cond3A_685 : i32
      scf.if %cond3A_686 {
        %add3A_1304 = arith.constant 2 : i32
        %add3A_1305 = arith.addi %add3A_85, %add3A_1304 : i32
        %mul3A_1306 = arith.constant 16384 : i32
        %mul3A_1307 = arith.muli %add3A_1305, %mul3A_1306 : i32
        %add3A_1308 = arith.addi %mul3A_1307, %mul3A_2 : i32
        %dma_start3A_1309 = arith.constant 0 : i32
        %dma_start3A_1310 = arith.constant 0 : i32
        %dma_start3A_1311 = tpu.memref_slice %arg5[%dma_start3A_1309, %dma_start3A_1310] : memref<2x512xi32, #tpu.memory_space<vmem>> -> memref<1x512xi32, #tpu.memory_space<vmem>>
        %dma_start3A_1312 = tpu.memref_squeeze %dma_start3A_1311 : memref<1x512xi32, #tpu.memory_space<vmem>> -> memref<512xi32, #tpu.memory_space<vmem>>
        %dma_start3A_1313 = tpu.memref_slice %arg2[%add3A_1308] : memref<3276800xi32, #tpu.memory_space<hbm>> -> memref<512xi32, #tpu.memory_space<hbm>>
        %dma_start3A_1314 = arith.constant 0 : i32
        %dma_start3A_1315 = tpu.memref_slice %arg5[%dma_start3A_1309, %dma_start3A_1314] : memref<2x512xi32, #tpu.memory_space<vmem>> -> memref<1x512xi32, #tpu.memory_space<vmem>>
        %dma_start3A_1316 = tpu.memref_squeeze %dma_start3A_1315 : memref<1x512xi32, #tpu.memory_space<vmem>> -> memref<512xi32, #tpu.memory_space<vmem>>
        %dma_start3A_1317 = tpu.memref_slice %arg2[%add3A_1308] : memref<3276800xi32, #tpu.memory_space<hbm>> -> memref<512xi32, #tpu.memory_space<hbm>>
        tpu.enqueue_dma source(%dma_start3A_1317 : memref<512xi32, #tpu.memory_space<hbm>>) target(%dma_start3A_1316 : memref<512xi32, #tpu.memory_space<vmem>>) target_semaphore(%arg8 : memref<!tpu.dma_semaphore, #tpu.memory_space<semaphore_mem>>)
      } else {
      }
      %mul3A_687 = arith.constant 2 : i32
      %mul3A_688 = arith.muli %scan3A_81, %mul3A_687 : i32
      %add3A_689 = arith.constant 1 : i32
      %add3A_690 = arith.addi %mul3A_688, %add3A_689 : i32
      %add3A_691 = arith.constant 1 : i32
      %add3A_692 = arith.addi %add3A_690, %add3A_691 : i32
      %lt3A_693 = arith.constant 200 : i32
      %lt3A_694 = arith.cmpi slt, %add3A_692, %lt3A_693 : i32
      %convert_element_type3A_695 = arith.extui %lt3A_694 : i1 to i32
      %cond3A_696 = arith.constant 0 : i32
      %cond3A_697 = arith.cmpi ne, %convert_element_type3A_695, %cond3A_696 : i32
      scf.if %cond3A_697 {
        %dma_wait3A_1304 = arith.constant 0 : i32
        %dma_wait3A_1305 = arith.constant 0 : i32
        %dma_wait3A_1306 = tpu.memref_slice %arg5[%dma_wait3A_1304, %dma_wait3A_1305] : memref<2x512xi32, #tpu.memory_space<vmem>> -> memref<1x512xi32, #tpu.memory_space<vmem>>
        %dma_wait3A_1307 = tpu.memref_squeeze %dma_wait3A_1306 : memref<1x512xi32, #tpu.memory_space<vmem>> -> memref<512xi32, #tpu.memory_space<vmem>>
        %dma_wait3A_1308 = arith.constant 0 : i32
        %dma_wait3A_1309 = tpu.memref_slice %arg2[%dma_wait3A_1308] : memref<3276800xi32, #tpu.memory_space<hbm>> -> memref<512xi32, #tpu.memory_space<hbm>>
        %dma_wait3A_1310 = arith.constant 0 : i32
        %dma_wait3A_1311 = tpu.memref_slice %arg5[%dma_wait3A_1304, %dma_wait3A_1310] : memref<2x512xi32, #tpu.memory_space<vmem>> -> memref<1x512xi32, #tpu.memory_space<vmem>>
        %dma_wait3A_1312 = tpu.memref_squeeze %dma_wait3A_1311 : memref<1x512xi32, #tpu.memory_space<vmem>> -> memref<512xi32, #tpu.memory_space<vmem>>
        %dma_wait3A_1313 = arith.constant 0 : i32
        %dma_wait3A_1314 = tpu.memref_slice %arg2[%dma_wait3A_1313] : memref<3276800xi32, #tpu.memory_space<hbm>> -> memref<512xi32, #tpu.memory_space<hbm>>
        tpu.wait_dma2 semaphore(%arg8 : memref<!tpu.dma_semaphore, #tpu.memory_space<semaphore_mem>>) src(%dma_wait3A_1314 : memref<512xi32, #tpu.memory_space<hbm>>) dst(%dma_wait3A_1312 : memref<512xi32, #tpu.memory_space<vmem>>)
        %dma_start3A_1315 = arith.constant 0 : i32
        %dma_start3A_1316 = arith.constant 0 : i32
        %dma_start3A_1317 = arith.constant 0 : i32
        %dma_start3A_1318 = arith.constant 0 : i32
        %dma_start3A_1319 = tpu.memref_slice %arg6[%dma_start3A_1316, %dma_start3A_1317, %dma_start3A_1318] : memref<2x512x16xf32, #tpu.memory_space<vmem>> -> memref<1x512x16xf32, #tpu.memory_space<vmem>>
        %dma_start3A_1320 = tpu.memref_squeeze %dma_start3A_1319 : memref<1x512x16xf32, #tpu.memory_space<vmem>> -> memref<512x16xf32, #tpu.memory_space<vmem>>
        %dma_start3A_1321 = arith.constant 0 : i32
        %dma_start3A_1322 = tpu.memref_slice %arg5[%dma_start3A_1315, %dma_start3A_1321] : memref<2x512xi32, #tpu.memory_space<vmem>> -> memref<1x512xi32, #tpu.memory_space<vmem>>
        %dma_start3A_1323 = tpu.memref_squeeze %dma_start3A_1322 : memref<1x512xi32, #tpu.memory_space<vmem>> -> memref<512xi32, #tpu.memory_space<vmem>>
        %dma_start3A_1324 = arith.constant 0 : i32
        %dma_start3A_1325 = arith.constant 0 : i32
        %dma_start3A_1326 = tpu.memref_slice %arg3[%dma_start3A_1324, %dma_start3A_1325] : memref<1000000x16xf32, #tpu.memory_space<hbm>> -> memref<1000000x16xf32, #tpu.memory_space<hbm>>
        tpu.enqueue_indirect_dma source(%dma_start3A_1326 : memref<1000000x16xf32, #tpu.memory_space<hbm>>) target(%dma_start3A_1320 : memref<512x16xf32, #tpu.memory_space<vmem>>) offsets(%dma_start3A_1323 : memref<512xi32, #tpu.memory_space<vmem>>) semaphore(%arg10 : memref<!tpu.dma_semaphore, #tpu.memory_space<semaphore_mem>>)
      } else {
      }
      %dma_wait3A_698 = arith.constant 1 : i32
      %dma_wait3A_699 = arith.constant 1 : i32
      %dma_wait3A_700 = arith.constant 0 : i32
      %dma_wait3A_701 = arith.constant 0 : i32
      %dma_wait3A_702 = tpu.memref_slice %arg6[%dma_wait3A_699, %dma_wait3A_700, %dma_wait3A_701] : memref<2x512x16xf32, #tpu.memory_space<vmem>> -> memref<1x512x16xf32, #tpu.memory_space<vmem>>
      %dma_wait3A_703 = tpu.memref_squeeze %dma_wait3A_702 : memref<1x512x16xf32, #tpu.memory_space<vmem>> -> memref<512x16xf32, #tpu.memory_space<vmem>>
      %dma_wait3A_704 = arith.constant 0 : i32
      %dma_wait3A_705 = tpu.memref_slice %arg5[%dma_wait3A_698, %dma_wait3A_704] : memref<2x512xi32, #tpu.memory_space<vmem>> -> memref<1x512xi32, #tpu.memory_space<vmem>>
      %dma_wait3A_706 = tpu.memref_squeeze %dma_wait3A_705 : memref<1x512xi32, #tpu.memory_space<vmem>> -> memref<512xi32, #tpu.memory_space<vmem>>
      %dma_wait3A_707 = arith.constant 0 : i32
      %dma_wait3A_708 = arith.constant 0 : i32
      %dma_wait3A_709 = tpu.memref_slice %arg3[%dma_wait3A_707, %dma_wait3A_708] : memref<1000000x16xf32, #tpu.memory_space<hbm>> -> memref<1000000x16xf32, #tpu.memory_space<hbm>>
      tpu.wait_indirect_dma semaphore(%arg11 : memref<!tpu.dma_semaphore, #tpu.memory_space<semaphore_mem>>) src(%dma_wait3A_709 : memref<1000000x16xf32, #tpu.memory_space<hbm>>) dst(%dma_wait3A_703 : memref<512x16xf32, #tpu.memory_space<vmem>>)
      %gt3A_710 = arith.constant 0 : i32
      %gt3A_711 = arith.cmpi sgt, %scan3A_81, %gt3A_710 : i32
      %convert_element_type3A_712 = arith.extui %gt3A_711 : i1 to i32
      %cond3A_713 = arith.constant 0 : i32
      %cond3A_714 = arith.cmpi ne, %convert_element_type3A_712, %cond3A_713 : i32
      scf.if %cond3A_714 {
        %dma_wait3A_1304 = arith.constant 1 : i32
        %dma_wait3A_1305 = arith.constant 0 : i32
        %dma_wait3A_1306 = arith.constant 0 : i32
        %dma_wait3A_1307 = tpu.memref_slice %arg6[%dma_wait3A_1304, %dma_wait3A_1305, %dma_wait3A_1306] : memref<2x512x16xf32, #tpu.memory_space<vmem>> -> memref<1x512x16xf32, #tpu.memory_space<vmem>>
        %dma_wait3A_1308 = tpu.memref_squeeze %dma_wait3A_1307 : memref<1x512x16xf32, #tpu.memory_space<vmem>> -> memref<512x16xf32, #tpu.memory_space<vmem>>
        %dma_wait3A_1309 = arith.constant 0 : i32
        %dma_wait3A_1310 = arith.constant 0 : i32
        %dma_wait3A_1311 = tpu.memref_slice %arg3[%dma_wait3A_1309, %dma_wait3A_1310] : memref<1000000x16xf32, #tpu.memory_space<hbm>> -> memref<512x16xf32, #tpu.memory_space<hbm>>
        %dma_wait3A_1312 = arith.constant 0 : i32
        %dma_wait3A_1313 = arith.constant 0 : i32
        %dma_wait3A_1314 = tpu.memref_slice %arg6[%dma_wait3A_1304, %dma_wait3A_1312, %dma_wait3A_1313] : memref<2x512x16xf32, #tpu.memory_space<vmem>> -> memref<1x512x16xf32, #tpu.memory_space<vmem>>
        %dma_wait3A_1315 = tpu.memref_squeeze %dma_wait3A_1314 : memref<1x512x16xf32, #tpu.memory_space<vmem>> -> memref<512x16xf32, #tpu.memory_space<vmem>>
        %dma_wait3A_1316 = arith.constant 0 : i32
        %dma_wait3A_1317 = arith.constant 0 : i32
        %dma_wait3A_1318 = tpu.memref_slice %arg3[%dma_wait3A_1316, %dma_wait3A_1317] : memref<1000000x16xf32, #tpu.memory_space<hbm>> -> memref<512x16xf32, #tpu.memory_space<hbm>>
        tpu.wait_dma2 semaphore(%arg13 : memref<!tpu.dma_semaphore, #tpu.memory_space<semaphore_mem>>) src(%dma_wait3A_1318 : memref<512x16xf32, #tpu.memory_space<hbm>>) dst(%dma_wait3A_1315 : memref<512x16xf32, #tpu.memory_space<vmem>>)
      } else {
      }
      %scan3A_715 = arith.constant 0 : i32
      %scan3A_716 = arith.constant 0 : i32
      %scan3A_717 = arith.constant 32 : i32
      %scan3A_718 = arith.addi %scan3A_716, %scan3A_717 : i32
      %scan3A_719 = arith.constant 1 : i32
      scf.for %scan3A_1304 = %scan3A_716 to %scan3A_718 step %scan3A_719  : i32 {
        %mul3A_1305 = arith.constant 16 : i32
        %mul3A_1306 = arith.muli %scan3A_1304, %mul3A_1305 : i32
        %add3A_1307 = arith.constant 0 : i32
        %add3A_1308 = arith.addi %mul3A_1306, %add3A_1307 : i32
        %get3A = arith.constant 1 : i32
        %get3A_1309 = arith.constant 0 : i32
        %get3A_1310 = arith.constant 0 : i32
        %get3A_1311 = tpu.memref_slice %arg6[%get3A, %get3A_1309, %get3A_1310] : memref<2x512x16xf32, #tpu.memory_space<vmem>> -> memref<1x512x16xf32, #tpu.memory_space<vmem>>
        %get3A_1312 = tpu.memref_squeeze %get3A_1311 : memref<1x512x16xf32, #tpu.memory_space<vmem>> -> memref<512x16xf32, #tpu.memory_space<vmem>>
        %get3A_1313 = arith.index_cast %add3A_1308 : i32 to index
        %get3A_1314 = arith.constant 0 : index
        %get3A_1315 = tpu.vector_load %get3A_1312[%get3A_1313, %get3A_1314] {strides = array<i32>} : memref<512x16xf32, #tpu.memory_space<vmem>>, vector<16xf32>,
        %broadcast_in_dim3A = vector.broadcast %add3A_1308 : i32 to vector<16xi32>
        %scatter3A = arith.constant 1 : i32
        %scatter3A_1316 = arith.constant 0 : i32
        %scatter3A_1317 = arith.constant 0 : i32
        %scatter3A_1318 = tpu.memref_slice %arg7[%scatter3A, %scatter3A_1316, %scatter3A_1317] : memref<2x16x513xf32, #tpu.memory_space<vmem>> -> memref<1x16x513xf32, #tpu.memory_space<vmem>>
        %scatter3A_1319 = tpu.memref_squeeze %scatter3A_1318 : memref<1x16x513xf32, #tpu.memory_space<vmem>> -> memref<16x513xf32, #tpu.memory_space<vmem>>
        tpu.vector_store_idx %scatter3A_1319[%iota3A, %broadcast_in_dim3A], %get3A_1315 : memref<16x513xf32, #tpu.memory_space<vmem>>[vector<16xi32>, vector<16xi32>], vector<16xf32>,
        %mul3A_1320 = arith.constant 16 : i32
        %mul3A_1321 = arith.muli %scan3A_1304, %mul3A_1320 : i32
        %add3A_1322 = arith.constant 1 : i32
        %add3A_1323 = arith.addi %mul3A_1321, %add3A_1322 : i32
        %get3A_1324 = arith.constant 1 : i32
        %get3A_1325 = arith.constant 0 : i32
        %get3A_1326 = arith.constant 0 : i32
        %get3A_1327 = tpu.memref_slice %arg6[%get3A_1324, %get3A_1325, %get3A_1326] : memref<2x512x16xf32, #tpu.memory_space<vmem>> -> memref<1x512x16xf32, #tpu.memory_space<vmem>>
        %get3A_1328 = tpu.memref_squeeze %get3A_1327 : memref<1x512x16xf32, #tpu.memory_space<vmem>> -> memref<512x16xf32, #tpu.memory_space<vmem>>
        %get3A_1329 = arith.index_cast %add3A_1323 : i32 to index
        %get3A_1330 = arith.constant 0 : index
        %get3A_1331 = tpu.vector_load %get3A_1328[%get3A_1329, %get3A_1330] {strides = array<i32>} : memref<512x16xf32, #tpu.memory_space<vmem>>, vector<16xf32>,
        %broadcast_in_dim3A_1332 = vector.broadcast %add3A_1323 : i32 to vector<16xi32>
        %scatter3A_1333 = arith.constant 1 : i32
        %scatter3A_1334 = arith.constant 0 : i32
        %scatter3A_1335 = arith.constant 0 : i32
        %scatter3A_1336 = tpu.memref_slice %arg7[%scatter3A_1333, %scatter3A_1334, %scatter3A_1335] : memref<2x16x513xf32, #tpu.memory_space<vmem>> -> memref<1x16x513xf32, #tpu.memory_space<vmem>>
        %scatter3A_1337 = tpu.memref_squeeze %scatter3A_1336 : memref<1x16x513xf32, #tpu.memory_space<vmem>> -> memref<16x513xf32, #tpu.memory_space<vmem>>
        tpu.vector_store_idx %scatter3A_1337[%iota3A, %broadcast_in_dim3A_1332], %get3A_1331 : memref<16x513xf32, #tpu.memory_space<vmem>>[vector<16xi32>, vector<16xi32>], vector<16xf32>,
        %mul3A_1338 = arith.constant 16 : i32
        %mul3A_1339 = arith.muli %scan3A_1304, %mul3A_1338 : i32
        %add3A_1340 = arith.constant 2 : i32
        %add3A_1341 = arith.addi %mul3A_1339, %add3A_1340 : i32
        %get3A_1342 = arith.constant 1 : i32
        %get3A_1343 = arith.constant 0 : i32
        %get3A_1344 = arith.constant 0 : i32
        %get3A_1345 = tpu.memref_slice %arg6[%get3A_1342, %get3A_1343, %get3A_1344] : memref<2x512x16xf32, #tpu.memory_space<vmem>> -> memref<1x512x16xf32, #tpu.memory_space<vmem>>
        %get3A_1346 = tpu.memref_squeeze %get3A_1345 : memref<1x512x16xf32, #tpu.memory_space<vmem>> -> memref<512x16xf32, #tpu.memory_space<vmem>>
        %get3A_1347 = arith.index_cast %add3A_1341 : i32 to index
        %get3A_1348 = arith.constant 0 : index
        %get3A_1349 = tpu.vector_load %get3A_1346[%get3A_1347, %get3A_1348] {strides = array<i32>} : memref<512x16xf32, #tpu.memory_space<vmem>>, vector<16xf32>,
        %broadcast_in_dim3A_1350 = vector.broadcast %add3A_1341 : i32 to vector<16xi32>
        %scatter3A_1351 = arith.constant 1 : i32
        %scatter3A_1352 = arith.constant 0 : i32
        %scatter3A_1353 = arith.constant 0 : i32
        %scatter3A_1354 = tpu.memref_slice %arg7[%scatter3A_1351, %scatter3A_1352, %scatter3A_1353] : memref<2x16x513xf32, #tpu.memory_space<vmem>> -> memref<1x16x513xf32, #tpu.memory_space<vmem>>
        %scatter3A_1355 = tpu.memref_squeeze %scatter3A_1354 : memref<1x16x513xf32, #tpu.memory_space<vmem>> -> memref<16x513xf32, #tpu.memory_space<vmem>>
        tpu.vector_store_idx %scatter3A_1355[%iota3A, %broadcast_in_dim3A_1350], %get3A_1349 : memref<16x513xf32, #tpu.memory_space<vmem>>[vector<16xi32>, vector<16xi32>], vector<16xf32>,
        %mul3A_1356 = arith.constant 16 : i32
        %mul3A_1357 = arith.muli %scan3A_1304, %mul3A_1356 : i32
        %add3A_1358 = arith.constant 3 : i32
        %add3A_1359 = arith.addi %mul3A_1357, %add3A_1358 : i32
        %get3A_1360 = arith.constant 1 : i32
        %get3A_1361 = arith.constant 0 : i32
        %get3A_1362 = arith.constant 0 : i32
        %get3A_1363 = tpu.memref_slice %arg6[%get3A_1360, %get3A_1361, %get3A_1362] : memref<2x512x16xf32, #tpu.memory_space<vmem>> -> memref<1x512x16xf32, #tpu.memory_space<vmem>>
        %get3A_1364 = tpu.memref_squeeze %get3A_1363 : memref<1x512x16xf32, #tpu.memory_space<vmem>> -> memref<512x16xf32, #tpu.memory_space<vmem>>
        %get3A_1365 = arith.index_cast %add3A_1359 : i32 to index
        %get3A_1366 = arith.constant 0 : index
        %get3A_1367 = tpu.vector_load %get3A_1364[%get3A_1365, %get3A_1366] {strides = array<i32>} : memref<512x16xf32, #tpu.memory_space<vmem>>, vector<16xf32>,
        %broadcast_in_dim3A_1368 = vector.broadcast %add3A_1359 : i32 to vector<16xi32>
        %scatter3A_1369 = arith.constant 1 : i32
        %scatter3A_1370 = arith.constant 0 : i32
        %scatter3A_1371 = arith.constant 0 : i32
        %scatter3A_1372 = tpu.memref_slice %arg7[%scatter3A_1369, %scatter3A_1370, %scatter3A_1371] : memref<2x16x513xf32, #tpu.memory_space<vmem>> -> memref<1x16x513xf32, #tpu.memory_space<vmem>>
        %scatter3A_1373 = tpu.memref_squeeze %scatter3A_1372 : memref<1x16x513xf32, #tpu.memory_space<vmem>> -> memref<16x513xf32, #tpu.memory_space<vmem>>
        tpu.vector_store_idx %scatter3A_1373[%iota3A, %broadcast_in_dim3A_1368], %get3A_1367 : memref<16x513xf32, #tpu.memory_space<vmem>>[vector<16xi32>, vector<16xi32>], vector<16xf32>,
        %mul3A_1374 = arith.constant 16 : i32
        %mul3A_1375 = arith.muli %scan3A_1304, %mul3A_1374 : i32
        %add3A_1376 = arith.constant 4 : i32
        %add3A_1377 = arith.addi %mul3A_1375, %add3A_1376 : i32
        %get3A_1378 = arith.constant 1 : i32
        %get3A_1379 = arith.constant 0 : i32
        %get3A_1380 = arith.constant 0 : i32
        %get3A_1381 = tpu.memref_slice %arg6[%get3A_1378, %get3A_1379, %get3A_1380] : memref<2x512x16xf32, #tpu.memory_space<vmem>> -> memref<1x512x16xf32, #tpu.memory_space<vmem>>
        %get3A_1382 = tpu.memref_squeeze %get3A_1381 : memref<1x512x16xf32, #tpu.memory_space<vmem>> -> memref<512x16xf32, #tpu.memory_space<vmem>>
        %get3A_1383 = arith.index_cast %add3A_1377 : i32 to index
        %get3A_1384 = arith.constant 0 : index
        %get3A_1385 = tpu.vector_load %get3A_1382[%get3A_1383, %get3A_1384] {strides = array<i32>} : memref<512x16xf32, #tpu.memory_space<vmem>>, vector<16xf32>,
        %broadcast_in_dim3A_1386 = vector.broadcast %add3A_1377 : i32 to vector<16xi32>
        %scatter3A_1387 = arith.constant 1 : i32
        %scatter3A_1388 = arith.constant 0 : i32
        %scatter3A_1389 = arith.constant 0 : i32
        %scatter3A_1390 = tpu.memref_slice %arg7[%scatter3A_1387, %scatter3A_1388, %scatter3A_1389] : memref<2x16x513xf32, #tpu.memory_space<vmem>> -> memref<1x16x513xf32, #tpu.memory_space<vmem>>
        %scatter3A_1391 = tpu.memref_squeeze %scatter3A_1390 : memref<1x16x513xf32, #tpu.memory_space<vmem>> -> memref<16x513xf32, #tpu.memory_space<vmem>>
        tpu.vector_store_idx %scatter3A_1391[%iota3A, %broadcast_in_dim3A_1386], %get3A_1385 : memref<16x513xf32, #tpu.memory_space<vmem>>[vector<16xi32>, vector<16xi32>], vector<16xf32>,
        %mul3A_1392 = arith.constant 16 : i32
        %mul3A_1393 = arith.muli %scan3A_1304, %mul3A_1392 : i32
        %add3A_1394 = arith.constant 5 : i32
        %add3A_1395 = arith.addi %mul3A_1393, %add3A_1394 : i32
        %get3A_1396 = arith.constant 1 : i32
        %get3A_1397 = arith.constant 0 : i32
        %get3A_1398 = arith.constant 0 : i32
        %get3A_1399 = tpu.memref_slice %arg6[%get3A_1396, %get3A_1397, %get3A_1398] : memref<2x512x16xf32, #tpu.memory_space<vmem>> -> memref<1x512x16xf32, #tpu.memory_space<vmem>>
        %get3A_1400 = tpu.memref_squeeze %get3A_1399 : memref<1x512x16xf32, #tpu.memory_space<vmem>> -> memref<512x16xf32, #tpu.memory_space<vmem>>
        %get3A_1401 = arith.index_cast %add3A_1395 : i32 to index
        %get3A_1402 = arith.constant 0 : index
        %get3A_1403 = tpu.vector_load %get3A_1400[%get3A_1401, %get3A_1402] {strides = array<i32>} : memref<512x16xf32, #tpu.memory_space<vmem>>, vector<16xf32>,
        %broadcast_in_dim3A_1404 = vector.broadcast %add3A_1395 : i32 to vector<16xi32>
        %scatter3A_1405 = arith.constant 1 : i32
        %scatter3A_1406 = arith.constant 0 : i32
        %scatter3A_1407 = arith.constant 0 : i32
        %scatter3A_1408 = tpu.memref_slice %arg7[%scatter3A_1405, %scatter3A_1406, %scatter3A_1407] : memref<2x16x513xf32, #tpu.memory_space<vmem>> -> memref<1x16x513xf32, #tpu.memory_space<vmem>>
        %scatter3A_1409 = tpu.memref_squeeze %scatter3A_1408 : memref<1x16x513xf32, #tpu.memory_space<vmem>> -> memref<16x513xf32, #tpu.memory_space<vmem>>
        tpu.vector_store_idx %scatter3A_1409[%iota3A, %broadcast_in_dim3A_1404], %get3A_1403 : memref<16x513xf32, #tpu.memory_space<vmem>>[vector<16xi32>, vector<16xi32>], vector<16xf32>,
        %mul3A_1410 = arith.constant 16 : i32
        %mul3A_1411 = arith.muli %scan3A_1304, %mul3A_1410 : i32
        %add3A_1412 = arith.constant 6 : i32
        %add3A_1413 = arith.addi %mul3A_1411, %add3A_1412 : i32
        %get3A_1414 = arith.constant 1 : i32
        %get3A_1415 = arith.constant 0 : i32
        %get3A_1416 = arith.constant 0 : i32
        %get3A_1417 = tpu.memref_slice %arg6[%get3A_1414, %get3A_1415, %get3A_1416] : memref<2x512x16xf32, #tpu.memory_space<vmem>> -> memref<1x512x16xf32, #tpu.memory_space<vmem>>
        %get3A_1418 = tpu.memref_squeeze %get3A_1417 : memref<1x512x16xf32, #tpu.memory_space<vmem>> -> memref<512x16xf32, #tpu.memory_space<vmem>>
        %get3A_1419 = arith.index_cast %add3A_1413 : i32 to index
        %get3A_1420 = arith.constant 0 : index
        %get3A_1421 = tpu.vector_load %get3A_1418[%get3A_1419, %get3A_1420] {strides = array<i32>} : memref<512x16xf32, #tpu.memory_space<vmem>>, vector<16xf32>,
        %broadcast_in_dim3A_1422 = vector.broadcast %add3A_1413 : i32 to vector<16xi32>
        %scatter3A_1423 = arith.constant 1 : i32
        %scatter3A_1424 = arith.constant 0 : i32
        %scatter3A_1425 = arith.constant 0 : i32
        %scatter3A_1426 = tpu.memref_slice %arg7[%scatter3A_1423, %scatter3A_1424, %scatter3A_1425] : memref<2x16x513xf32, #tpu.memory_space<vmem>> -> memref<1x16x513xf32, #tpu.memory_space<vmem>>
        %scatter3A_1427 = tpu.memref_squeeze %scatter3A_1426 : memref<1x16x513xf32, #tpu.memory_space<vmem>> -> memref<16x513xf32, #tpu.memory_space<vmem>>
        tpu.vector_store_idx %scatter3A_1427[%iota3A, %broadcast_in_dim3A_1422], %get3A_1421 : memref<16x513xf32, #tpu.memory_space<vmem>>[vector<16xi32>, vector<16xi32>], vector<16xf32>,
        %mul3A_1428 = arith.constant 16 : i32
        %mul3A_1429 = arith.muli %scan3A_1304, %mul3A_1428 : i32
        %add3A_1430 = arith.constant 7 : i32
        %add3A_1431 = arith.addi %mul3A_1429, %add3A_1430 : i32
        %get3A_1432 = arith.constant 1 : i32
        %get3A_1433 = arith.constant 0 : i32
        %get3A_1434 = arith.constant 0 : i32
        %get3A_1435 = tpu.memref_slice %arg6[%get3A_1432, %get3A_1433, %get3A_1434] : memref<2x512x16xf32, #tpu.memory_space<vmem>> -> memref<1x512x16xf32, #tpu.memory_space<vmem>>
        %get3A_1436 = tpu.memref_squeeze %get3A_1435 : memref<1x512x16xf32, #tpu.memory_space<vmem>> -> memref<512x16xf32, #tpu.memory_space<vmem>>
        %get3A_1437 = arith.index_cast %add3A_1431 : i32 to index
        %get3A_1438 = arith.constant 0 : index
        %get3A_1439 = tpu.vector_load %get3A_1436[%get3A_1437, %get3A_1438] {strides = array<i32>} : memref<512x16xf32, #tpu.memory_space<vmem>>, vector<16xf32>,
        %broadcast_in_dim3A_1440 = vector.broadcast %add3A_1431 : i32 to vector<16xi32>
        %scatter3A_1441 = arith.constant 1 : i32
        %scatter3A_1442 = arith.constant 0 : i32
        %scatter3A_1443 = arith.constant 0 : i32
        %scatter3A_1444 = tpu.memref_slice %arg7[%scatter3A_1441, %scatter3A_1442, %scatter3A_1443] : memref<2x16x513xf32, #tpu.memory_space<vmem>> -> memref<1x16x513xf32, #tpu.memory_space<vmem>>
        %scatter3A_1445 = tpu.memref_squeeze %scatter3A_1444 : memref<1x16x513xf32, #tpu.memory_space<vmem>> -> memref<16x513xf32, #tpu.memory_space<vmem>>
        tpu.vector_store_idx %scatter3A_1445[%iota3A, %broadcast_in_dim3A_1440], %get3A_1439 : memref<16x513xf32, #tpu.memory_space<vmem>>[vector<16xi32>, vector<16xi32>], vector<16xf32>,
        %mul3A_1446 = arith.constant 16 : i32
        %mul3A_1447 = arith.muli %scan3A_1304, %mul3A_1446 : i32
        %add3A_1448 = arith.constant 8 : i32
        %add3A_1449 = arith.addi %mul3A_1447, %add3A_1448 : i32
        %get3A_1450 = arith.constant 1 : i32
        %get3A_1451 = arith.constant 0 : i32
        %get3A_1452 = arith.constant 0 : i32
        %get3A_1453 = tpu.memref_slice %arg6[%get3A_1450, %get3A_1451, %get3A_1452] : memref<2x512x16xf32, #tpu.memory_space<vmem>> -> memref<1x512x16xf32, #tpu.memory_space<vmem>>
        %get3A_1454 = tpu.memref_squeeze %get3A_1453 : memref<1x512x16xf32, #tpu.memory_space<vmem>> -> memref<512x16xf32, #tpu.memory_space<vmem>>
        %get3A_1455 = arith.index_cast %add3A_1449 : i32 to index
        %get3A_1456 = arith.constant 0 : index
        %get3A_1457 = tpu.vector_load %get3A_1454[%get3A_1455, %get3A_1456] {strides = array<i32>} : memref<512x16xf32, #tpu.memory_space<vmem>>, vector<16xf32>,
        %broadcast_in_dim3A_1458 = vector.broadcast %add3A_1449 : i32 to vector<16xi32>
        %scatter3A_1459 = arith.constant 1 : i32
        %scatter3A_1460 = arith.constant 0 : i32
        %scatter3A_1461 = arith.constant 0 : i32
        %scatter3A_1462 = tpu.memref_slice %arg7[%scatter3A_1459, %scatter3A_1460, %scatter3A_1461] : memref<2x16x513xf32, #tpu.memory_space<vmem>> -> memref<1x16x513xf32, #tpu.memory_space<vmem>>
        %scatter3A_1463 = tpu.memref_squeeze %scatter3A_1462 : memref<1x16x513xf32, #tpu.memory_space<vmem>> -> memref<16x513xf32, #tpu.memory_space<vmem>>
        tpu.vector_store_idx %scatter3A_1463[%iota3A, %broadcast_in_dim3A_1458], %get3A_1457 : memref<16x513xf32, #tpu.memory_space<vmem>>[vector<16xi32>, vector<16xi32>], vector<16xf32>,
        %mul3A_1464 = arith.constant 16 : i32
        %mul3A_1465 = arith.muli %scan3A_1304, %mul3A_1464 : i32
        %add3A_1466 = arith.constant 9 : i32
        %add3A_1467 = arith.addi %mul3A_1465, %add3A_1466 : i32
        %get3A_1468 = arith.constant 1 : i32
        %get3A_1469 = arith.constant 0 : i32
        %get3A_1470 = arith.constant 0 : i32
        %get3A_1471 = tpu.memref_slice %arg6[%get3A_1468, %get3A_1469, %get3A_1470] : memref<2x512x16xf32, #tpu.memory_space<vmem>> -> memref<1x512x16xf32, #tpu.memory_space<vmem>>
        %get3A_1472 = tpu.memref_squeeze %get3A_1471 : memref<1x512x16xf32, #tpu.memory_space<vmem>> -> memref<512x16xf32, #tpu.memory_space<vmem>>
        %get3A_1473 = arith.index_cast %add3A_1467 : i32 to index
        %get3A_1474 = arith.constant 0 : index
        %get3A_1475 = tpu.vector_load %get3A_1472[%get3A_1473, %get3A_1474] {strides = array<i32>} : memref<512x16xf32, #tpu.memory_space<vmem>>, vector<16xf32>,
        %broadcast_in_dim3A_1476 = vector.broadcast %add3A_1467 : i32 to vector<16xi32>
        %scatter3A_1477 = arith.constant 1 : i32
        %scatter3A_1478 = arith.constant 0 : i32
        %scatter3A_1479 = arith.constant 0 : i32
        %scatter3A_1480 = tpu.memref_slice %arg7[%scatter3A_1477, %scatter3A_1478, %scatter3A_1479] : memref<2x16x513xf32, #tpu.memory_space<vmem>> -> memref<1x16x513xf32, #tpu.memory_space<vmem>>
        %scatter3A_1481 = tpu.memref_squeeze %scatter3A_1480 : memref<1x16x513xf32, #tpu.memory_space<vmem>> -> memref<16x513xf32, #tpu.memory_space<vmem>>
        tpu.vector_store_idx %scatter3A_1481[%iota3A, %broadcast_in_dim3A_1476], %get3A_1475 : memref<16x513xf32, #tpu.memory_space<vmem>>[vector<16xi32>, vector<16xi32>], vector<16xf32>,
        %mul3A_1482 = arith.constant 16 : i32
        %mul3A_1483 = arith.muli %scan3A_1304, %mul3A_1482 : i32
        %add3A_1484 = arith.constant 10 : i32
        %add3A_1485 = arith.addi %mul3A_1483, %add3A_1484 : i32
        %get3A_1486 = arith.constant 1 : i32
        %get3A_1487 = arith.constant 0 : i32
        %get3A_1488 = arith.constant 0 : i32
        %get3A_1489 = tpu.memref_slice %arg6[%get3A_1486, %get3A_1487, %get3A_1488] : memref<2x512x16xf32, #tpu.memory_space<vmem>> -> memref<1x512x16xf32, #tpu.memory_space<vmem>>
        %get3A_1490 = tpu.memref_squeeze %get3A_1489 : memref<1x512x16xf32, #tpu.memory_space<vmem>> -> memref<512x16xf32, #tpu.memory_space<vmem>>
        %get3A_1491 = arith.index_cast %add3A_1485 : i32 to index
        %get3A_1492 = arith.constant 0 : index
        %get3A_1493 = tpu.vector_load %get3A_1490[%get3A_1491, %get3A_1492] {strides = array<i32>} : memref<512x16xf32, #tpu.memory_space<vmem>>, vector<16xf32>,
        %broadcast_in_dim3A_1494 = vector.broadcast %add3A_1485 : i32 to vector<16xi32>
        %scatter3A_1495 = arith.constant 1 : i32
        %scatter3A_1496 = arith.constant 0 : i32
        %scatter3A_1497 = arith.constant 0 : i32
        %scatter3A_1498 = tpu.memref_slice %arg7[%scatter3A_1495, %scatter3A_1496, %scatter3A_1497] : memref<2x16x513xf32, #tpu.memory_space<vmem>> -> memref<1x16x513xf32, #tpu.memory_space<vmem>>
        %scatter3A_1499 = tpu.memref_squeeze %scatter3A_1498 : memref<1x16x513xf32, #tpu.memory_space<vmem>> -> memref<16x513xf32, #tpu.memory_space<vmem>>
        tpu.vector_store_idx %scatter3A_1499[%iota3A, %broadcast_in_dim3A_1494], %get3A_1493 : memref<16x513xf32, #tpu.memory_space<vmem>>[vector<16xi32>, vector<16xi32>], vector<16xf32>,
        %mul3A_1500 = arith.constant 16 : i32
        %mul3A_1501 = arith.muli %scan3A_1304, %mul3A_1500 : i32
        %add3A_1502 = arith.constant 11 : i32
        %add3A_1503 = arith.addi %mul3A_1501, %add3A_1502 : i32
        %get3A_1504 = arith.constant 1 : i32
        %get3A_1505 = arith.constant 0 : i32
        %get3A_1506 = arith.constant 0 : i32
        %get3A_1507 = tpu.memref_slice %arg6[%get3A_1504, %get3A_1505, %get3A_1506] : memref<2x512x16xf32, #tpu.memory_space<vmem>> -> memref<1x512x16xf32, #tpu.memory_space<vmem>>
        %get3A_1508 = tpu.memref_squeeze %get3A_1507 : memref<1x512x16xf32, #tpu.memory_space<vmem>> -> memref<512x16xf32, #tpu.memory_space<vmem>>
        %get3A_1509 = arith.index_cast %add3A_1503 : i32 to index
        %get3A_1510 = arith.constant 0 : index
        %get3A_1511 = tpu.vector_load %get3A_1508[%get3A_1509, %get3A_1510] {strides = array<i32>} : memref<512x16xf32, #tpu.memory_space<vmem>>, vector<16xf32>,
        %broadcast_in_dim3A_1512 = vector.broadcast %add3A_1503 : i32 to vector<16xi32>
        %scatter3A_1513 = arith.constant 1 : i32
        %scatter3A_1514 = arith.constant 0 : i32
        %scatter3A_1515 = arith.constant 0 : i32
        %scatter3A_1516 = tpu.memref_slice %arg7[%scatter3A_1513, %scatter3A_1514, %scatter3A_1515] : memref<2x16x513xf32, #tpu.memory_space<vmem>> -> memref<1x16x513xf32, #tpu.memory_space<vmem>>
        %scatter3A_1517 = tpu.memref_squeeze %scatter3A_1516 : memref<1x16x513xf32, #tpu.memory_space<vmem>> -> memref<16x513xf32, #tpu.memory_space<vmem>>
        tpu.vector_store_idx %scatter3A_1517[%iota3A, %broadcast_in_dim3A_1512], %get3A_1511 : memref<16x513xf32, #tpu.memory_space<vmem>>[vector<16xi32>, vector<16xi32>], vector<16xf32>,
        %mul3A_1518 = arith.constant 16 : i32
        %mul3A_1519 = arith.muli %scan3A_1304, %mul3A_1518 : i32
        %add3A_1520 = arith.constant 12 : i32
        %add3A_1521 = arith.addi %mul3A_1519, %add3A_1520 : i32
        %get3A_1522 = arith.constant 1 : i32
        %get3A_1523 = arith.constant 0 : i32
        %get3A_1524 = arith.constant 0 : i32
        %get3A_1525 = tpu.memref_slice %arg6[%get3A_1522, %get3A_1523, %get3A_1524] : memref<2x512x16xf32, #tpu.memory_space<vmem>> -> memref<1x512x16xf32, #tpu.memory_space<vmem>>
        %get3A_1526 = tpu.memref_squeeze %get3A_1525 : memref<1x512x16xf32, #tpu.memory_space<vmem>> -> memref<512x16xf32, #tpu.memory_space<vmem>>
        %get3A_1527 = arith.index_cast %add3A_1521 : i32 to index
        %get3A_1528 = arith.constant 0 : index
        %get3A_1529 = tpu.vector_load %get3A_1526[%get3A_1527, %get3A_1528] {strides = array<i32>} : memref<512x16xf32, #tpu.memory_space<vmem>>, vector<16xf32>,
        %broadcast_in_dim3A_1530 = vector.broadcast %add3A_1521 : i32 to vector<16xi32>
        %scatter3A_1531 = arith.constant 1 : i32
        %scatter3A_1532 = arith.constant 0 : i32
        %scatter3A_1533 = arith.constant 0 : i32
        %scatter3A_1534 = tpu.memref_slice %arg7[%scatter3A_1531, %scatter3A_1532, %scatter3A_1533] : memref<2x16x513xf32, #tpu.memory_space<vmem>> -> memref<1x16x513xf32, #tpu.memory_space<vmem>>
        %scatter3A_1535 = tpu.memref_squeeze %scatter3A_1534 : memref<1x16x513xf32, #tpu.memory_space<vmem>> -> memref<16x513xf32, #tpu.memory_space<vmem>>
        tpu.vector_store_idx %scatter3A_1535[%iota3A, %broadcast_in_dim3A_1530], %get3A_1529 : memref<16x513xf32, #tpu.memory_space<vmem>>[vector<16xi32>, vector<16xi32>], vector<16xf32>,
        %mul3A_1536 = arith.constant 16 : i32
        %mul3A_1537 = arith.muli %scan3A_1304, %mul3A_1536 : i32
        %add3A_1538 = arith.constant 13 : i32
        %add3A_1539 = arith.addi %mul3A_1537, %add3A_1538 : i32
        %get3A_1540 = arith.constant 1 : i32
        %get3A_1541 = arith.constant 0 : i32
        %get3A_1542 = arith.constant 0 : i32
        %get3A_1543 = tpu.memref_slice %arg6[%get3A_1540, %get3A_1541, %get3A_1542] : memref<2x512x16xf32, #tpu.memory_space<vmem>> -> memref<1x512x16xf32, #tpu.memory_space<vmem>>
        %get3A_1544 = tpu.memref_squeeze %get3A_1543 : memref<1x512x16xf32, #tpu.memory_space<vmem>> -> memref<512x16xf32, #tpu.memory_space<vmem>>
        %get3A_1545 = arith.index_cast %add3A_1539 : i32 to index
        %get3A_1546 = arith.constant 0 : index
        %get3A_1547 = tpu.vector_load %get3A_1544[%get3A_1545, %get3A_1546] {strides = array<i32>} : memref<512x16xf32, #tpu.memory_space<vmem>>, vector<16xf32>,
        %broadcast_in_dim3A_1548 = vector.broadcast %add3A_1539 : i32 to vector<16xi32>
        %scatter3A_1549 = arith.constant 1 : i32
        %scatter3A_1550 = arith.constant 0 : i32
        %scatter3A_1551 = arith.constant 0 : i32
        %scatter3A_1552 = tpu.memref_slice %arg7[%scatter3A_1549, %scatter3A_1550, %scatter3A_1551] : memref<2x16x513xf32, #tpu.memory_space<vmem>> -> memref<1x16x513xf32, #tpu.memory_space<vmem>>
        %scatter3A_1553 = tpu.memref_squeeze %scatter3A_1552 : memref<1x16x513xf32, #tpu.memory_space<vmem>> -> memref<16x513xf32, #tpu.memory_space<vmem>>
        tpu.vector_store_idx %scatter3A_1553[%iota3A, %broadcast_in_dim3A_1548], %get3A_1547 : memref<16x513xf32, #tpu.memory_space<vmem>>[vector<16xi32>, vector<16xi32>], vector<16xf32>,
        %mul3A_1554 = arith.constant 16 : i32
        %mul3A_1555 = arith.muli %scan3A_1304, %mul3A_1554 : i32
        %add3A_1556 = arith.constant 14 : i32
        %add3A_1557 = arith.addi %mul3A_1555, %add3A_1556 : i32
        %get3A_1558 = arith.constant 1 : i32
        %get3A_1559 = arith.constant 0 : i32
        %get3A_1560 = arith.constant 0 : i32
        %get3A_1561 = tpu.memref_slice %arg6[%get3A_1558, %get3A_1559, %get3A_1560] : memref<2x512x16xf32, #tpu.memory_space<vmem>> -> memref<1x512x16xf32, #tpu.memory_space<vmem>>
        %get3A_1562 = tpu.memref_squeeze %get3A_1561 : memref<1x512x16xf32, #tpu.memory_space<vmem>> -> memref<512x16xf32, #tpu.memory_space<vmem>>
        %get3A_1563 = arith.index_cast %add3A_1557 : i32 to index
        %get3A_1564 = arith.constant 0 : index
        %get3A_1565 = tpu.vector_load %get3A_1562[%get3A_1563, %get3A_1564] {strides = array<i32>} : memref<512x16xf32, #tpu.memory_space<vmem>>, vector<16xf32>,
        %broadcast_in_dim3A_1566 = vector.broadcast %add3A_1557 : i32 to vector<16xi32>
        %scatter3A_1567 = arith.constant 1 : i32
        %scatter3A_1568 = arith.constant 0 : i32
        %scatter3A_1569 = arith.constant 0 : i32
        %scatter3A_1570 = tpu.memref_slice %arg7[%scatter3A_1567, %scatter3A_1568, %scatter3A_1569] : memref<2x16x513xf32, #tpu.memory_space<vmem>> -> memref<1x16x513xf32, #tpu.memory_space<vmem>>
        %scatter3A_1571 = tpu.memref_squeeze %scatter3A_1570 : memref<1x16x513xf32, #tpu.memory_space<vmem>> -> memref<16x513xf32, #tpu.memory_space<vmem>>
        tpu.vector_store_idx %scatter3A_1571[%iota3A, %broadcast_in_dim3A_1566], %get3A_1565 : memref<16x513xf32, #tpu.memory_space<vmem>>[vector<16xi32>, vector<16xi32>], vector<16xf32>,
        %mul3A_1572 = arith.constant 16 : i32
        %mul3A_1573 = arith.muli %scan3A_1304, %mul3A_1572 : i32
        %add3A_1574 = arith.constant 15 : i32
        %add3A_1575 = arith.addi %mul3A_1573, %add3A_1574 : i32
        %get3A_1576 = arith.constant 1 : i32
        %get3A_1577 = arith.constant 0 : i32
        %get3A_1578 = arith.constant 0 : i32
        %get3A_1579 = tpu.memref_slice %arg6[%get3A_1576, %get3A_1577, %get3A_1578] : memref<2x512x16xf32, #tpu.memory_space<vmem>> -> memref<1x512x16xf32, #tpu.memory_space<vmem>>
        %get3A_1580 = tpu.memref_squeeze %get3A_1579 : memref<1x512x16xf32, #tpu.memory_space<vmem>> -> memref<512x16xf32, #tpu.memory_space<vmem>>
        %get3A_1581 = arith.index_cast %add3A_1575 : i32 to index
        %get3A_1582 = arith.constant 0 : index
        %get3A_1583 = tpu.vector_load %get3A_1580[%get3A_1581, %get3A_1582] {strides = array<i32>} : memref<512x16xf32, #tpu.memory_space<vmem>>, vector<16xf32>,
        %broadcast_in_dim3A_1584 = vector.broadcast %add3A_1575 : i32 to vector<16xi32>
        %scatter3A_1585 = arith.constant 1 : i32
        %scatter3A_1586 = arith.constant 0 : i32
        %scatter3A_1587 = arith.constant 0 : i32
        %scatter3A_1588 = tpu.memref_slice %arg7[%scatter3A_1585, %scatter3A_1586, %scatter3A_1587] : memref<2x16x513xf32, #tpu.memory_space<vmem>> -> memref<1x16x513xf32, #tpu.memory_space<vmem>>
        %scatter3A_1589 = tpu.memref_squeeze %scatter3A_1588 : memref<1x16x513xf32, #tpu.memory_space<vmem>> -> memref<16x513xf32, #tpu.memory_space<vmem>>
        tpu.vector_store_idx %scatter3A_1589[%iota3A, %broadcast_in_dim3A_1584], %get3A_1583 : memref<16x513xf32, #tpu.memory_space<vmem>>[vector<16xi32>, vector<16xi32>], vector<16xf32>,
      }
      %scan3A_720 = arith.constant 32 : i32
      %jit3A_721 = arith.constant 128 : i32
      %div3A_722 = arith.divsi %mul3A_2, %jit3A_721 : i32
      %sign3A_723 = arith.constant 0 : i32
      %sign3A_724 = arith.cmpi sgt, %mul3A_2, %sign3A_723 : i32
      %sign3A_725 = arith.extui %sign3A_724 : i1 to i32
      %sign3A_726 = arith.constant 0 : i32
      %sign3A_727 = arith.cmpi slt, %mul3A_2, %sign3A_726 : i32
      %sign3A_728 = arith.extui %sign3A_727 : i1 to i32
      %sign3A_729 = arith.subi %sign3A_725, %sign3A_728 : i32
      %sign3A_730 = arith.constant 0 : i32
      %sign3A_731 = arith.cmpi sgt, %jit3A_721, %sign3A_730 : i32
      %sign3A_732 = arith.extui %sign3A_731 : i1 to i32
      %sign3A_733 = arith.constant 0 : i32
      %sign3A_734 = arith.cmpi slt, %jit3A_721, %sign3A_733 : i32
      %sign3A_735 = arith.extui %sign3A_734 : i1 to i32
      %sign3A_736 = arith.subi %sign3A_732, %sign3A_735 : i32
      %ne3A_737 = arith.cmpi ne, %sign3A_729, %sign3A_736 : i32
      %rem3A_738 = arith.remsi %mul3A_2, %jit3A_721 : i32
      %ne3A_739 = arith.constant 0 : i32
      %ne3A_740 = arith.cmpi ne, %rem3A_738, %ne3A_739 : i32
      %and3A_741 = arith.andi %ne3A_737, %ne3A_740 : i1
      %sub3A_742 = arith.constant 1 : i32
      %sub3A_743 = arith.subi %div3A_722, %sub3A_742 : i32
      %select_n3A_744 = arith.select %and3A_741, %sub3A_743, %div3A_722 : i32
      %add3A_745 = arith.constant 0 : i32
      %add3A_746 = arith.addi %select_n3A_744, %add3A_745 : i32
      %dma_start3A_747 = arith.constant 1 : i32
      %dma_start3A_748 = arith.constant 0 : i32
      %dma_start3A_749 = arith.constant 0 : i32
      %dma_start3A_750 = arith.constant 0 : i32
      %dma_start3A_751 = tpu.memref_slice %arg7[%dma_start3A_747, %dma_start3A_749, %dma_start3A_750] : memref<2x16x513xf32, #tpu.memory_space<vmem>> -> memref<1x16x513xf32, #tpu.memory_space<vmem>>
      %dma_start3A_752 = tpu.memref_squeeze %dma_start3A_751 : memref<1x16x513xf32, #tpu.memory_space<vmem>> -> memref<16x513xf32, #tpu.memory_space<vmem>>
      %dma_start3A_753 = arith.constant 0 : i32
      %dma_start3A_754 = arith.constant 0 : i32
      %dma_start3A_755 = tpu.memref_slice %dma_start3A_752[%dma_start3A_753, %dma_start3A_754] : memref<16x513xf32, #tpu.memory_space<vmem>> -> memref<8x128xf32, #tpu.memory_space<vmem>>
      %dma_start3A_756 = arith.constant 0 : i32
      %dma_start3A_757 = arith.constant 0 : i32
      %dma_start3A_758 = arith.constant 0 : i32
      %dma_start3A_759 = arith.constant 0 : i32
      %dma_start3A_760 = tpu.memref_slice %arg4[%add3A_690, %dma_start3A_756, %dma_start3A_757, %dma_start3A_758, %dma_start3A_759] : memref<200x2x128x8x128xf32, #tpu.memory_space<hbm>> -> memref<1x2x128x8x128xf32, #tpu.memory_space<hbm>>
      %dma_start3A_761 = tpu.memref_squeeze %dma_start3A_760 : memref<1x2x128x8x128xf32, #tpu.memory_space<hbm>> -> memref<2x128x8x128xf32, #tpu.memory_space<hbm>>
      %dma_start3A_762 = arith.constant 0 : i32
      %dma_start3A_763 = arith.constant 0 : i32
      %dma_start3A_764 = arith.constant 0 : i32
      %dma_start3A_765 = tpu.memref_slice %dma_start3A_761[%dma_start3A_748, %dma_start3A_762, %dma_start3A_763, %dma_start3A_764] : memref<2x128x8x128xf32, #tpu.memory_space<hbm>> -> memref<1x128x8x128xf32, #tpu.memory_space<hbm>>
      %dma_start3A_766 = tpu.memref_squeeze %dma_start3A_765 : memref<1x128x8x128xf32, #tpu.memory_space<hbm>> -> memref<128x8x128xf32, #tpu.memory_space<hbm>>
      %dma_start3A_767 = arith.constant 0 : i32
      %dma_start3A_768 = arith.constant 0 : i32
      %dma_start3A_769 = tpu.memref_slice %dma_start3A_766[%add3A_746, %dma_start3A_767, %dma_start3A_768] : memref<128x8x128xf32, #tpu.memory_space<hbm>> -> memref<1x8x128xf32, #tpu.memory_space<hbm>>
      %dma_start3A_770 = tpu.memref_squeeze %dma_start3A_769 : memref<1x8x128xf32, #tpu.memory_space<hbm>> -> memref<8x128xf32, #tpu.memory_space<hbm>>
      %dma_start3A_771 = arith.constant 0 : i32
      %dma_start3A_772 = arith.constant 0 : i32
      %dma_start3A_773 = arith.constant 0 : i32
      %dma_start3A_774 = arith.constant 0 : i32
      %dma_start3A_775 = tpu.memref_slice %arg4[%add3A_690, %dma_start3A_771, %dma_start3A_772, %dma_start3A_773, %dma_start3A_774] : memref<200x2x128x8x128xf32, #tpu.memory_space<hbm>> -> memref<1x2x128x8x128xf32, #tpu.memory_space<hbm>>
      %dma_start3A_776 = tpu.memref_squeeze %dma_start3A_775 : memref<1x2x128x8x128xf32, #tpu.memory_space<hbm>> -> memref<2x128x8x128xf32, #tpu.memory_space<hbm>>
      %dma_start3A_777 = arith.constant 0 : i32
      %dma_start3A_778 = arith.constant 0 : i32
      %dma_start3A_779 = arith.constant 0 : i32
      %dma_start3A_780 = tpu.memref_slice %dma_start3A_776[%dma_start3A_748, %dma_start3A_777, %dma_start3A_778, %dma_start3A_779] : memref<2x128x8x128xf32, #tpu.memory_space<hbm>> -> memref<1x128x8x128xf32, #tpu.memory_space<hbm>>
      %dma_start3A_781 = tpu.memref_squeeze %dma_start3A_780 : memref<1x128x8x128xf32, #tpu.memory_space<hbm>> -> memref<128x8x128xf32, #tpu.memory_space<hbm>>
      %dma_start3A_782 = arith.constant 0 : i32
      %dma_start3A_783 = arith.constant 0 : i32
      %dma_start3A_784 = tpu.memref_slice %dma_start3A_781[%add3A_746, %dma_start3A_782, %dma_start3A_783] : memref<128x8x128xf32, #tpu.memory_space<hbm>> -> memref<1x8x128xf32, #tpu.memory_space<hbm>>
      %dma_start3A_785 = tpu.memref_squeeze %dma_start3A_784 : memref<1x8x128xf32, #tpu.memory_space<hbm>> -> memref<8x128xf32, #tpu.memory_space<hbm>>
      %dma_start3A_786 = arith.constant 0 : i32
      %dma_start3A_787 = arith.constant 0 : i32
      %dma_start3A_788 = tpu.memref_slice %arg7[%dma_start3A_747, %dma_start3A_786, %dma_start3A_787] : memref<2x16x513xf32, #tpu.memory_space<vmem>> -> memref<1x16x513xf32, #tpu.memory_space<vmem>>
      %dma_start3A_789 = tpu.memref_squeeze %dma_start3A_788 : memref<1x16x513xf32, #tpu.memory_space<vmem>> -> memref<16x513xf32, #tpu.memory_space<vmem>>
      %dma_start3A_790 = arith.constant 0 : i32
      %dma_start3A_791 = arith.constant 0 : i32
      %dma_start3A_792 = tpu.memref_slice %dma_start3A_789[%dma_start3A_790, %dma_start3A_791] : memref<16x513xf32, #tpu.memory_space<vmem>> -> memref<8x128xf32, #tpu.memory_space<vmem>>
      tpu.enqueue_dma source(%dma_start3A_792 : memref<8x128xf32, #tpu.memory_space<vmem>>) target(%dma_start3A_785 : memref<8x128xf32, #tpu.memory_space<hbm>>) target_semaphore(%arg13 : memref<!tpu.dma_semaphore, #tpu.memory_space<semaphore_mem>>)
      %jit3A_793 = arith.constant 128 : i32
      %div3A_794 = arith.divsi %mul3A_2, %jit3A_793 : i32
      %sign3A_795 = arith.constant 0 : i32
      %sign3A_796 = arith.cmpi sgt, %mul3A_2, %sign3A_795 : i32
      %sign3A_797 = arith.extui %sign3A_796 : i1 to i32
      %sign3A_798 = arith.constant 0 : i32
      %sign3A_799 = arith.cmpi slt, %mul3A_2, %sign3A_798 : i32
      %sign3A_800 = arith.extui %sign3A_799 : i1 to i32
      %sign3A_801 = arith.subi %sign3A_797, %sign3A_800 : i32
      %sign3A_802 = arith.constant 0 : i32
      %sign3A_803 = arith.cmpi sgt, %jit3A_793, %sign3A_802 : i32
      %sign3A_804 = arith.extui %sign3A_803 : i1 to i32
      %sign3A_805 = arith.constant 0 : i32
      %sign3A_806 = arith.cmpi slt, %jit3A_793, %sign3A_805 : i32
      %sign3A_807 = arith.extui %sign3A_806 : i1 to i32
      %sign3A_808 = arith.subi %sign3A_804, %sign3A_807 : i32
      %ne3A_809 = arith.cmpi ne, %sign3A_801, %sign3A_808 : i32
      %rem3A_810 = arith.remsi %mul3A_2, %jit3A_793 : i32
      %ne3A_811 = arith.constant 0 : i32
      %ne3A_812 = arith.cmpi ne, %rem3A_810, %ne3A_811 : i32
      %and3A_813 = arith.andi %ne3A_809, %ne3A_812 : i1
      %sub3A_814 = arith.constant 1 : i32
      %sub3A_815 = arith.subi %div3A_794, %sub3A_814 : i32
      %select_n3A_816 = arith.select %and3A_813, %sub3A_815, %div3A_794 : i32
      %add3A_817 = arith.constant 1 : i32
      %add3A_818 = arith.addi %select_n3A_816, %add3A_817 : i32
      %dma_start3A_819 = arith.constant 1 : i32
      %dma_start3A_820 = arith.constant 0 : i32
      %dma_start3A_821 = arith.constant 0 : i32
      %dma_start3A_822 = arith.constant 0 : i32
      %dma_start3A_823 = tpu.memref_slice %arg7[%dma_start3A_819, %dma_start3A_821, %dma_start3A_822] : memref<2x16x513xf32, #tpu.memory_space<vmem>> -> memref<1x16x513xf32, #tpu.memory_space<vmem>>
      %dma_start3A_824 = tpu.memref_squeeze %dma_start3A_823 : memref<1x16x513xf32, #tpu.memory_space<vmem>> -> memref<16x513xf32, #tpu.memory_space<vmem>>
      %dma_start3A_825 = arith.constant 0 : i32
      %dma_start3A_826 = arith.constant 128 : i32
      %dma_start3A_827 = tpu.memref_slice %dma_start3A_824[%dma_start3A_825, %dma_start3A_826] : memref<16x513xf32, #tpu.memory_space<vmem>> -> memref<8x128xf32, #tpu.memory_space<vmem>>
      %dma_start3A_828 = arith.constant 0 : i32
      %dma_start3A_829 = arith.constant 0 : i32
      %dma_start3A_830 = arith.constant 0 : i32
      %dma_start3A_831 = arith.constant 0 : i32
      %dma_start3A_832 = tpu.memref_slice %arg4[%add3A_690, %dma_start3A_828, %dma_start3A_829, %dma_start3A_830, %dma_start3A_831] : memref<200x2x128x8x128xf32, #tpu.memory_space<hbm>> -> memref<1x2x128x8x128xf32, #tpu.memory_space<hbm>>
      %dma_start3A_833 = tpu.memref_squeeze %dma_start3A_832 : memref<1x2x128x8x128xf32, #tpu.memory_space<hbm>> -> memref<2x128x8x128xf32, #tpu.memory_space<hbm>>
      %dma_start3A_834 = arith.constant 0 : i32
      %dma_start3A_835 = arith.constant 0 : i32
      %dma_start3A_836 = arith.constant 0 : i32
      %dma_start3A_837 = tpu.memref_slice %dma_start3A_833[%dma_start3A_820, %dma_start3A_834, %dma_start3A_835, %dma_start3A_836] : memref<2x128x8x128xf32, #tpu.memory_space<hbm>> -> memref<1x128x8x128xf32, #tpu.memory_space<hbm>>
      %dma_start3A_838 = tpu.memref_squeeze %dma_start3A_837 : memref<1x128x8x128xf32, #tpu.memory_space<hbm>> -> memref<128x8x128xf32, #tpu.memory_space<hbm>>
      %dma_start3A_839 = arith.constant 0 : i32
      %dma_start3A_840 = arith.constant 0 : i32
      %dma_start3A_841 = tpu.memref_slice %dma_start3A_838[%add3A_818, %dma_start3A_839, %dma_start3A_840] : memref<128x8x128xf32, #tpu.memory_space<hbm>> -> memref<1x8x128xf32, #tpu.memory_space<hbm>>
      %dma_start3A_842 = tpu.memref_squeeze %dma_start3A_841 : memref<1x8x128xf32, #tpu.memory_space<hbm>> -> memref<8x128xf32, #tpu.memory_space<hbm>>
      %dma_start3A_843 = arith.constant 0 : i32
      %dma_start3A_844 = arith.constant 0 : i32
      %dma_start3A_845 = arith.constant 0 : i32
      %dma_start3A_846 = arith.constant 0 : i32
      %dma_start3A_847 = tpu.memref_slice %arg4[%add3A_690, %dma_start3A_843, %dma_start3A_844, %dma_start3A_845, %dma_start3A_846] : memref<200x2x128x8x128xf32, #tpu.memory_space<hbm>> -> memref<1x2x128x8x128xf32, #tpu.memory_space<hbm>>
      %dma_start3A_848 = tpu.memref_squeeze %dma_start3A_847 : memref<1x2x128x8x128xf32, #tpu.memory_space<hbm>> -> memref<2x128x8x128xf32, #tpu.memory_space<hbm>>
      %dma_start3A_849 = arith.constant 0 : i32
      %dma_start3A_850 = arith.constant 0 : i32
      %dma_start3A_851 = arith.constant 0 : i32
      %dma_start3A_852 = tpu.memref_slice %dma_start3A_848[%dma_start3A_820, %dma_start3A_849, %dma_start3A_850, %dma_start3A_851] : memref<2x128x8x128xf32, #tpu.memory_space<hbm>> -> memref<1x128x8x128xf32, #tpu.memory_space<hbm>>
      %dma_start3A_853 = tpu.memref_squeeze %dma_start3A_852 : memref<1x128x8x128xf32, #tpu.memory_space<hbm>> -> memref<128x8x128xf32, #tpu.memory_space<hbm>>
      %dma_start3A_854 = arith.constant 0 : i32
      %dma_start3A_855 = arith.constant 0 : i32
      %dma_start3A_856 = tpu.memref_slice %dma_start3A_853[%add3A_818, %dma_start3A_854, %dma_start3A_855] : memref<128x8x128xf32, #tpu.memory_space<hbm>> -> memref<1x8x128xf32, #tpu.memory_space<hbm>>
      %dma_start3A_857 = tpu.memref_squeeze %dma_start3A_856 : memref<1x8x128xf32, #tpu.memory_space<hbm>> -> memref<8x128xf32, #tpu.memory_space<hbm>>
      %dma_start3A_858 = arith.constant 0 : i32
      %dma_start3A_859 = arith.constant 0 : i32
      %dma_start3A_860 = tpu.memref_slice %arg7[%dma_start3A_819, %dma_start3A_858, %dma_start3A_859] : memref<2x16x513xf32, #tpu.memory_space<vmem>> -> memref<1x16x513xf32, #tpu.memory_space<vmem>>
      %dma_start3A_861 = tpu.memref_squeeze %dma_start3A_860 : memref<1x16x513xf32, #tpu.memory_space<vmem>> -> memref<16x513xf32, #tpu.memory_space<vmem>>
      %dma_start3A_862 = arith.constant 0 : i32
      %dma_start3A_863 = arith.constant 128 : i32
      %dma_start3A_864 = tpu.memref_slice %dma_start3A_861[%dma_start3A_862, %dma_start3A_863] : memref<16x513xf32, #tpu.memory_space<vmem>> -> memref<8x128xf32, #tpu.memory_space<vmem>>
      tpu.enqueue_dma source(%dma_start3A_864 : memref<8x128xf32, #tpu.memory_space<vmem>>) target(%dma_start3A_857 : memref<8x128xf32, #tpu.memory_space<hbm>>) target_semaphore(%arg13 : memref<!tpu.dma_semaphore, #tpu.memory_space<semaphore_mem>>)
      %jit3A_865 = arith.constant 128 : i32
      %div3A_866 = arith.divsi %mul3A_2, %jit3A_865 : i32
      %sign3A_867 = arith.constant 0 : i32
      %sign3A_868 = arith.cmpi sgt, %mul3A_2, %sign3A_867 : i32
      %sign3A_869 = arith.extui %sign3A_868 : i1 to i32
      %sign3A_870 = arith.constant 0 : i32
      %sign3A_871 = arith.cmpi slt, %mul3A_2, %sign3A_870 : i32
      %sign3A_872 = arith.extui %sign3A_871 : i1 to i32
      %sign3A_873 = arith.subi %sign3A_869, %sign3A_872 : i32
      %sign3A_874 = arith.constant 0 : i32
      %sign3A_875 = arith.cmpi sgt, %jit3A_865, %sign3A_874 : i32
      %sign3A_876 = arith.extui %sign3A_875 : i1 to i32
      %sign3A_877 = arith.constant 0 : i32
      %sign3A_878 = arith.cmpi slt, %jit3A_865, %sign3A_877 : i32
      %sign3A_879 = arith.extui %sign3A_878 : i1 to i32
      %sign3A_880 = arith.subi %sign3A_876, %sign3A_879 : i32
      %ne3A_881 = arith.cmpi ne, %sign3A_873, %sign3A_880 : i32
      %rem3A_882 = arith.remsi %mul3A_2, %jit3A_865 : i32
      %ne3A_883 = arith.constant 0 : i32
      %ne3A_884 = arith.cmpi ne, %rem3A_882, %ne3A_883 : i32
      %and3A_885 = arith.andi %ne3A_881, %ne3A_884 : i1
      %sub3A_886 = arith.constant 1 : i32
      %sub3A_887 = arith.subi %div3A_866, %sub3A_886 : i32
      %select_n3A_888 = arith.select %and3A_885, %sub3A_887, %div3A_866 : i32
      %add3A_889 = arith.constant 2 : i32
      %add3A_890 = arith.addi %select_n3A_888, %add3A_889 : i32
      %dma_start3A_891 = arith.constant 1 : i32
      %dma_start3A_892 = arith.constant 0 : i32
      %dma_start3A_893 = arith.constant 0 : i32
      %dma_start3A_894 = arith.constant 0 : i32
      %dma_start3A_895 = tpu.memref_slice %arg7[%dma_start3A_891, %dma_start3A_893, %dma_start3A_894] : memref<2x16x513xf32, #tpu.memory_space<vmem>> -> memref<1x16x513xf32, #tpu.memory_space<vmem>>
      %dma_start3A_896 = tpu.memref_squeeze %dma_start3A_895 : memref<1x16x513xf32, #tpu.memory_space<vmem>> -> memref<16x513xf32, #tpu.memory_space<vmem>>
      %dma_start3A_897 = arith.constant 0 : i32
      %dma_start3A_898 = arith.constant 256 : i32
      %dma_start3A_899 = tpu.memref_slice %dma_start3A_896[%dma_start3A_897, %dma_start3A_898] : memref<16x513xf32, #tpu.memory_space<vmem>> -> memref<8x128xf32, #tpu.memory_space<vmem>>
      %dma_start3A_900 = arith.constant 0 : i32
      %dma_start3A_901 = arith.constant 0 : i32
      %dma_start3A_902 = arith.constant 0 : i32
      %dma_start3A_903 = arith.constant 0 : i32
      %dma_start3A_904 = tpu.memref_slice %arg4[%add3A_690, %dma_start3A_900, %dma_start3A_901, %dma_start3A_902, %dma_start3A_903] : memref<200x2x128x8x128xf32, #tpu.memory_space<hbm>> -> memref<1x2x128x8x128xf32, #tpu.memory_space<hbm>>
      %dma_start3A_905 = tpu.memref_squeeze %dma_start3A_904 : memref<1x2x128x8x128xf32, #tpu.memory_space<hbm>> -> memref<2x128x8x128xf32, #tpu.memory_space<hbm>>
      %dma_start3A_906 = arith.constant 0 : i32
      %dma_start3A_907 = arith.constant 0 : i32
      %dma_start3A_908 = arith.constant 0 : i32
      %dma_start3A_909 = tpu.memref_slice %dma_start3A_905[%dma_start3A_892, %dma_start3A_906, %dma_start3A_907, %dma_start3A_908] : memref<2x128x8x128xf32, #tpu.memory_space<hbm>> -> memref<1x128x8x128xf32, #tpu.memory_space<hbm>>
      %dma_start3A_910 = tpu.memref_squeeze %dma_start3A_909 : memref<1x128x8x128xf32, #tpu.memory_space<hbm>> -> memref<128x8x128xf32, #tpu.memory_space<hbm>>
      %dma_start3A_911 = arith.constant 0 : i32
      %dma_start3A_912 = arith.constant 0 : i32
      %dma_start3A_913 = tpu.memref_slice %dma_start3A_910[%add3A_890, %dma_start3A_911, %dma_start3A_912] : memref<128x8x128xf32, #tpu.memory_space<hbm>> -> memref<1x8x128xf32, #tpu.memory_space<hbm>>
      %dma_start3A_914 = tpu.memref_squeeze %dma_start3A_913 : memref<1x8x128xf32, #tpu.memory_space<hbm>> -> memref<8x128xf32, #tpu.memory_space<hbm>>
      %dma_start3A_915 = arith.constant 0 : i32
      %dma_start3A_916 = arith.constant 0 : i32
      %dma_start3A_917 = arith.constant 0 : i32
      %dma_start3A_918 = arith.constant 0 : i32
      %dma_start3A_919 = tpu.memref_slice %arg4[%add3A_690, %dma_start3A_915, %dma_start3A_916, %dma_start3A_917, %dma_start3A_918] : memref<200x2x128x8x128xf32, #tpu.memory_space<hbm>> -> memref<1x2x128x8x128xf32, #tpu.memory_space<hbm>>
      %dma_start3A_920 = tpu.memref_squeeze %dma_start3A_919 : memref<1x2x128x8x128xf32, #tpu.memory_space<hbm>> -> memref<2x128x8x128xf32, #tpu.memory_space<hbm>>
      %dma_start3A_921 = arith.constant 0 : i32
      %dma_start3A_922 = arith.constant 0 : i32
      %dma_start3A_923 = arith.constant 0 : i32
      %dma_start3A_924 = tpu.memref_slice %dma_start3A_920[%dma_start3A_892, %dma_start3A_921, %dma_start3A_922, %dma_start3A_923] : memref<2x128x8x128xf32, #tpu.memory_space<hbm>> -> memref<1x128x8x128xf32, #tpu.memory_space<hbm>>
      %dma_start3A_925 = tpu.memref_squeeze %dma_start3A_924 : memref<1x128x8x128xf32, #tpu.memory_space<hbm>> -> memref<128x8x128xf32, #tpu.memory_space<hbm>>
      %dma_start3A_926 = arith.constant 0 : i32
      %dma_start3A_927 = arith.constant 0 : i32
      %dma_start3A_928 = tpu.memref_slice %dma_start3A_925[%add3A_890, %dma_start3A_926, %dma_start3A_927] : memref<128x8x128xf32, #tpu.memory_space<hbm>> -> memref<1x8x128xf32, #tpu.memory_space<hbm>>
      %dma_start3A_929 = tpu.memref_squeeze %dma_start3A_928 : memref<1x8x128xf32, #tpu.memory_space<hbm>> -> memref<8x128xf32, #tpu.memory_space<hbm>>
      %dma_start3A_930 = arith.constant 0 : i32
      %dma_start3A_931 = arith.constant 0 : i32
      %dma_start3A_932 = tpu.memref_slice %arg7[%dma_start3A_891, %dma_start3A_930, %dma_start3A_931] : memref<2x16x513xf32, #tpu.memory_space<vmem>> -> memref<1x16x513xf32, #tpu.memory_space<vmem>>
      %dma_start3A_933 = tpu.memref_squeeze %dma_start3A_932 : memref<1x16x513xf32, #tpu.memory_space<vmem>> -> memref<16x513xf32, #tpu.memory_space<vmem>>
      %dma_start3A_934 = arith.constant 0 : i32
      %dma_start3A_935 = arith.constant 256 : i32
      %dma_start3A_936 = tpu.memref_slice %dma_start3A_933[%dma_start3A_934, %dma_start3A_935] : memref<16x513xf32, #tpu.memory_space<vmem>> -> memref<8x128xf32, #tpu.memory_space<vmem>>
      tpu.enqueue_dma source(%dma_start3A_936 : memref<8x128xf32, #tpu.memory_space<vmem>>) target(%dma_start3A_929 : memref<8x128xf32, #tpu.memory_space<hbm>>) target_semaphore(%arg13 : memref<!tpu.dma_semaphore, #tpu.memory_space<semaphore_mem>>)
      %jit3A_937 = arith.constant 128 : i32
      %div3A_938 = arith.divsi %mul3A_2, %jit3A_937 : i32
      %sign3A_939 = arith.constant 0 : i32
      %sign3A_940 = arith.cmpi sgt, %mul3A_2, %sign3A_939 : i32
      %sign3A_941 = arith.extui %sign3A_940 : i1 to i32
      %sign3A_942 = arith.constant 0 : i32
      %sign3A_943 = arith.cmpi slt, %mul3A_2, %sign3A_942 : i32
      %sign3A_944 = arith.extui %sign3A_943 : i1 to i32
      %sign3A_945 = arith.subi %sign3A_941, %sign3A_944 : i32
      %sign3A_946 = arith.constant 0 : i32
      %sign3A_947 = arith.cmpi sgt, %jit3A_937, %sign3A_946 : i32
      %sign3A_948 = arith.extui %sign3A_947 : i1 to i32
      %sign3A_949 = arith.constant 0 : i32
      %sign3A_950 = arith.cmpi slt, %jit3A_937, %sign3A_949 : i32
      %sign3A_951 = arith.extui %sign3A_950 : i1 to i32
      %sign3A_952 = arith.subi %sign3A_948, %sign3A_951 : i32
      %ne3A_953 = arith.cmpi ne, %sign3A_945, %sign3A_952 : i32
      %rem3A_954 = arith.remsi %mul3A_2, %jit3A_937 : i32
      %ne3A_955 = arith.constant 0 : i32
      %ne3A_956 = arith.cmpi ne, %rem3A_954, %ne3A_955 : i32
      %and3A_957 = arith.andi %ne3A_953, %ne3A_956 : i1
      %sub3A_958 = arith.constant 1 : i32
      %sub3A_959 = arith.subi %div3A_938, %sub3A_958 : i32
      %select_n3A_960 = arith.select %and3A_957, %sub3A_959, %div3A_938 : i32
      %add3A_961 = arith.constant 3 : i32
      %add3A_962 = arith.addi %select_n3A_960, %add3A_961 : i32
      %dma_start3A_963 = arith.constant 1 : i32
      %dma_start3A_964 = arith.constant 0 : i32
      %dma_start3A_965 = arith.constant 0 : i32
      %dma_start3A_966 = arith.constant 0 : i32
      %dma_start3A_967 = tpu.memref_slice %arg7[%dma_start3A_963, %dma_start3A_965, %dma_start3A_966] : memref<2x16x513xf32, #tpu.memory_space<vmem>> -> memref<1x16x513xf32, #tpu.memory_space<vmem>>
      %dma_start3A_968 = tpu.memref_squeeze %dma_start3A_967 : memref<1x16x513xf32, #tpu.memory_space<vmem>> -> memref<16x513xf32, #tpu.memory_space<vmem>>
      %dma_start3A_969 = arith.constant 0 : i32
      %dma_start3A_970 = arith.constant 384 : i32
      %dma_start3A_971 = tpu.memref_slice %dma_start3A_968[%dma_start3A_969, %dma_start3A_970] : memref<16x513xf32, #tpu.memory_space<vmem>> -> memref<8x128xf32, #tpu.memory_space<vmem>>
      %dma_start3A_972 = arith.constant 0 : i32
      %dma_start3A_973 = arith.constant 0 : i32
      %dma_start3A_974 = arith.constant 0 : i32
      %dma_start3A_975 = arith.constant 0 : i32
      %dma_start3A_976 = tpu.memref_slice %arg4[%add3A_690, %dma_start3A_972, %dma_start3A_973, %dma_start3A_974, %dma_start3A_975] : memref<200x2x128x8x128xf32, #tpu.memory_space<hbm>> -> memref<1x2x128x8x128xf32, #tpu.memory_space<hbm>>
      %dma_start3A_977 = tpu.memref_squeeze %dma_start3A_976 : memref<1x2x128x8x128xf32, #tpu.memory_space<hbm>> -> memref<2x128x8x128xf32, #tpu.memory_space<hbm>>
      %dma_start3A_978 = arith.constant 0 : i32
      %dma_start3A_979 = arith.constant 0 : i32
      %dma_start3A_980 = arith.constant 0 : i32
      %dma_start3A_981 = tpu.memref_slice %dma_start3A_977[%dma_start3A_964, %dma_start3A_978, %dma_start3A_979, %dma_start3A_980] : memref<2x128x8x128xf32, #tpu.memory_space<hbm>> -> memref<1x128x8x128xf32, #tpu.memory_space<hbm>>
      %dma_start3A_982 = tpu.memref_squeeze %dma_start3A_981 : memref<1x128x8x128xf32, #tpu.memory_space<hbm>> -> memref<128x8x128xf32, #tpu.memory_space<hbm>>
      %dma_start3A_983 = arith.constant 0 : i32
      %dma_start3A_984 = arith.constant 0 : i32
      %dma_start3A_985 = tpu.memref_slice %dma_start3A_982[%add3A_962, %dma_start3A_983, %dma_start3A_984] : memref<128x8x128xf32, #tpu.memory_space<hbm>> -> memref<1x8x128xf32, #tpu.memory_space<hbm>>
      %dma_start3A_986 = tpu.memref_squeeze %dma_start3A_985 : memref<1x8x128xf32, #tpu.memory_space<hbm>> -> memref<8x128xf32, #tpu.memory_space<hbm>>
      %dma_start3A_987 = arith.constant 0 : i32
      %dma_start3A_988 = arith.constant 0 : i32
      %dma_start3A_989 = arith.constant 0 : i32
      %dma_start3A_990 = arith.constant 0 : i32
      %dma_start3A_991 = tpu.memref_slice %arg4[%add3A_690, %dma_start3A_987, %dma_start3A_988, %dma_start3A_989, %dma_start3A_990] : memref<200x2x128x8x128xf32, #tpu.memory_space<hbm>> -> memref<1x2x128x8x128xf32, #tpu.memory_space<hbm>>
      %dma_start3A_992 = tpu.memref_squeeze %dma_start3A_991 : memref<1x2x128x8x128xf32, #tpu.memory_space<hbm>> -> memref<2x128x8x128xf32, #tpu.memory_space<hbm>>
      %dma_start3A_993 = arith.constant 0 : i32
      %dma_start3A_994 = arith.constant 0 : i32
      %dma_start3A_995 = arith.constant 0 : i32
      %dma_start3A_996 = tpu.memref_slice %dma_start3A_992[%dma_start3A_964, %dma_start3A_993, %dma_start3A_994, %dma_start3A_995] : memref<2x128x8x128xf32, #tpu.memory_space<hbm>> -> memref<1x128x8x128xf32, #tpu.memory_space<hbm>>
      %dma_start3A_997 = tpu.memref_squeeze %dma_start3A_996 : memref<1x128x8x128xf32, #tpu.memory_space<hbm>> -> memref<128x8x128xf32, #tpu.memory_space<hbm>>
      %dma_start3A_998 = arith.constant 0 : i32
      %dma_start3A_999 = arith.constant 0 : i32
      %dma_start3A_1000 = tpu.memref_slice %dma_start3A_997[%add3A_962, %dma_start3A_998, %dma_start3A_999] : memref<128x8x128xf32, #tpu.memory_space<hbm>> -> memref<1x8x128xf32, #tpu.memory_space<hbm>>
      %dma_start3A_1001 = tpu.memref_squeeze %dma_start3A_1000 : memref<1x8x128xf32, #tpu.memory_space<hbm>> -> memref<8x128xf32, #tpu.memory_space<hbm>>
      %dma_start3A_1002 = arith.constant 0 : i32
      %dma_start3A_1003 = arith.constant 0 : i32
      %dma_start3A_1004 = tpu.memref_slice %arg7[%dma_start3A_963, %dma_start3A_1002, %dma_start3A_1003] : memref<2x16x513xf32, #tpu.memory_space<vmem>> -> memref<1x16x513xf32, #tpu.memory_space<vmem>>
      %dma_start3A_1005 = tpu.memref_squeeze %dma_start3A_1004 : memref<1x16x513xf32, #tpu.memory_space<vmem>> -> memref<16x513xf32, #tpu.memory_space<vmem>>
      %dma_start3A_1006 = arith.constant 0 : i32
      %dma_start3A_1007 = arith.constant 384 : i32
      %dma_start3A_1008 = tpu.memref_slice %dma_start3A_1005[%dma_start3A_1006, %dma_start3A_1007] : memref<16x513xf32, #tpu.memory_space<vmem>> -> memref<8x128xf32, #tpu.memory_space<vmem>>
      tpu.enqueue_dma source(%dma_start3A_1008 : memref<8x128xf32, #tpu.memory_space<vmem>>) target(%dma_start3A_1001 : memref<8x128xf32, #tpu.memory_space<hbm>>) target_semaphore(%arg13 : memref<!tpu.dma_semaphore, #tpu.memory_space<semaphore_mem>>)
      %jit3A_1009 = arith.constant 128 : i32
      %div3A_1010 = arith.divsi %mul3A_2, %jit3A_1009 : i32
      %sign3A_1011 = arith.constant 0 : i32
      %sign3A_1012 = arith.cmpi sgt, %mul3A_2, %sign3A_1011 : i32
      %sign3A_1013 = arith.extui %sign3A_1012 : i1 to i32
      %sign3A_1014 = arith.constant 0 : i32
      %sign3A_1015 = arith.cmpi slt, %mul3A_2, %sign3A_1014 : i32
      %sign3A_1016 = arith.extui %sign3A_1015 : i1 to i32
      %sign3A_1017 = arith.subi %sign3A_1013, %sign3A_1016 : i32
      %sign3A_1018 = arith.constant 0 : i32
      %sign3A_1019 = arith.cmpi sgt, %jit3A_1009, %sign3A_1018 : i32
      %sign3A_1020 = arith.extui %sign3A_1019 : i1 to i32
      %sign3A_1021 = arith.constant 0 : i32
      %sign3A_1022 = arith.cmpi slt, %jit3A_1009, %sign3A_1021 : i32
      %sign3A_1023 = arith.extui %sign3A_1022 : i1 to i32
      %sign3A_1024 = arith.subi %sign3A_1020, %sign3A_1023 : i32
      %ne3A_1025 = arith.cmpi ne, %sign3A_1017, %sign3A_1024 : i32
      %rem3A_1026 = arith.remsi %mul3A_2, %jit3A_1009 : i32
      %ne3A_1027 = arith.constant 0 : i32
      %ne3A_1028 = arith.cmpi ne, %rem3A_1026, %ne3A_1027 : i32
      %and3A_1029 = arith.andi %ne3A_1025, %ne3A_1028 : i1
      %sub3A_1030 = arith.constant 1 : i32
      %sub3A_1031 = arith.subi %div3A_1010, %sub3A_1030 : i32
      %select_n3A_1032 = arith.select %and3A_1029, %sub3A_1031, %div3A_1010 : i32
      %add3A_1033 = arith.constant 0 : i32
      %add3A_1034 = arith.addi %select_n3A_1032, %add3A_1033 : i32
      %dma_start3A_1035 = arith.constant 1 : i32
      %dma_start3A_1036 = arith.constant 1 : i32
      %dma_start3A_1037 = arith.constant 0 : i32
      %dma_start3A_1038 = arith.constant 0 : i32
      %dma_start3A_1039 = tpu.memref_slice %arg7[%dma_start3A_1035, %dma_start3A_1037, %dma_start3A_1038] : memref<2x16x513xf32, #tpu.memory_space<vmem>> -> memref<1x16x513xf32, #tpu.memory_space<vmem>>
      %dma_start3A_1040 = tpu.memref_squeeze %dma_start3A_1039 : memref<1x16x513xf32, #tpu.memory_space<vmem>> -> memref<16x513xf32, #tpu.memory_space<vmem>>
      %dma_start3A_1041 = arith.constant 8 : i32
      %dma_start3A_1042 = arith.constant 0 : i32
      %dma_start3A_1043 = tpu.memref_slice %dma_start3A_1040[%dma_start3A_1041, %dma_start3A_1042] : memref<16x513xf32, #tpu.memory_space<vmem>> -> memref<8x128xf32, #tpu.memory_space<vmem>>
      %dma_start3A_1044 = arith.constant 0 : i32
      %dma_start3A_1045 = arith.constant 0 : i32
      %dma_start3A_1046 = arith.constant 0 : i32
      %dma_start3A_1047 = arith.constant 0 : i32
      %dma_start3A_1048 = tpu.memref_slice %arg4[%add3A_690, %dma_start3A_1044, %dma_start3A_1045, %dma_start3A_1046, %dma_start3A_1047] : memref<200x2x128x8x128xf32, #tpu.memory_space<hbm>> -> memref<1x2x128x8x128xf32, #tpu.memory_space<hbm>>
      %dma_start3A_1049 = tpu.memref_squeeze %dma_start3A_1048 : memref<1x2x128x8x128xf32, #tpu.memory_space<hbm>> -> memref<2x128x8x128xf32, #tpu.memory_space<hbm>>
      %dma_start3A_1050 = arith.constant 0 : i32
      %dma_start3A_1051 = arith.constant 0 : i32
      %dma_start3A_1052 = arith.constant 0 : i32
      %dma_start3A_1053 = tpu.memref_slice %dma_start3A_1049[%dma_start3A_1036, %dma_start3A_1050, %dma_start3A_1051, %dma_start3A_1052] : memref<2x128x8x128xf32, #tpu.memory_space<hbm>> -> memref<1x128x8x128xf32, #tpu.memory_space<hbm>>
      %dma_start3A_1054 = tpu.memref_squeeze %dma_start3A_1053 : memref<1x128x8x128xf32, #tpu.memory_space<hbm>> -> memref<128x8x128xf32, #tpu.memory_space<hbm>>
      %dma_start3A_1055 = arith.constant 0 : i32
      %dma_start3A_1056 = arith.constant 0 : i32
      %dma_start3A_1057 = tpu.memref_slice %dma_start3A_1054[%add3A_1034, %dma_start3A_1055, %dma_start3A_1056] : memref<128x8x128xf32, #tpu.memory_space<hbm>> -> memref<1x8x128xf32, #tpu.memory_space<hbm>>
      %dma_start3A_1058 = tpu.memref_squeeze %dma_start3A_1057 : memref<1x8x128xf32, #tpu.memory_space<hbm>> -> memref<8x128xf32, #tpu.memory_space<hbm>>
      %dma_start3A_1059 = arith.constant 0 : i32
      %dma_start3A_1060 = arith.constant 0 : i32
      %dma_start3A_1061 = arith.constant 0 : i32
      %dma_start3A_1062 = arith.constant 0 : i32
      %dma_start3A_1063 = tpu.memref_slice %arg4[%add3A_690, %dma_start3A_1059, %dma_start3A_1060, %dma_start3A_1061, %dma_start3A_1062] : memref<200x2x128x8x128xf32, #tpu.memory_space<hbm>> -> memref<1x2x128x8x128xf32, #tpu.memory_space<hbm>>
      %dma_start3A_1064 = tpu.memref_squeeze %dma_start3A_1063 : memref<1x2x128x8x128xf32, #tpu.memory_space<hbm>> -> memref<2x128x8x128xf32, #tpu.memory_space<hbm>>
      %dma_start3A_1065 = arith.constant 0 : i32
      %dma_start3A_1066 = arith.constant 0 : i32
      %dma_start3A_1067 = arith.constant 0 : i32
      %dma_start3A_1068 = tpu.memref_slice %dma_start3A_1064[%dma_start3A_1036, %dma_start3A_1065, %dma_start3A_1066, %dma_start3A_1067] : memref<2x128x8x128xf32, #tpu.memory_space<hbm>> -> memref<1x128x8x128xf32, #tpu.memory_space<hbm>>
      %dma_start3A_1069 = tpu.memref_squeeze %dma_start3A_1068 : memref<1x128x8x128xf32, #tpu.memory_space<hbm>> -> memref<128x8x128xf32, #tpu.memory_space<hbm>>
      %dma_start3A_1070 = arith.constant 0 : i32
      %dma_start3A_1071 = arith.constant 0 : i32
      %dma_start3A_1072 = tpu.memref_slice %dma_start3A_1069[%add3A_1034, %dma_start3A_1070, %dma_start3A_1071] : memref<128x8x128xf32, #tpu.memory_space<hbm>> -> memref<1x8x128xf32, #tpu.memory_space<hbm>>
      %dma_start3A_1073 = tpu.memref_squeeze %dma_start3A_1072 : memref<1x8x128xf32, #tpu.memory_space<hbm>> -> memref<8x128xf32, #tpu.memory_space<hbm>>
      %dma_start3A_1074 = arith.constant 0 : i32
      %dma_start3A_1075 = arith.constant 0 : i32
      %dma_start3A_1076 = tpu.memref_slice %arg7[%dma_start3A_1035, %dma_start3A_1074, %dma_start3A_1075] : memref<2x16x513xf32, #tpu.memory_space<vmem>> -> memref<1x16x513xf32, #tpu.memory_space<vmem>>
      %dma_start3A_1077 = tpu.memref_squeeze %dma_start3A_1076 : memref<1x16x513xf32, #tpu.memory_space<vmem>> -> memref<16x513xf32, #tpu.memory_space<vmem>>
      %dma_start3A_1078 = arith.constant 8 : i32
      %dma_start3A_1079 = arith.constant 0 : i32
      %dma_start3A_1080 = tpu.memref_slice %dma_start3A_1077[%dma_start3A_1078, %dma_start3A_1079] : memref<16x513xf32, #tpu.memory_space<vmem>> -> memref<8x128xf32, #tpu.memory_space<vmem>>
      tpu.enqueue_dma source(%dma_start3A_1080 : memref<8x128xf32, #tpu.memory_space<vmem>>) target(%dma_start3A_1073 : memref<8x128xf32, #tpu.memory_space<hbm>>) target_semaphore(%arg13 : memref<!tpu.dma_semaphore, #tpu.memory_space<semaphore_mem>>)
      %jit3A_1081 = arith.constant 128 : i32
      %div3A_1082 = arith.divsi %mul3A_2, %jit3A_1081 : i32
      %sign3A_1083 = arith.constant 0 : i32
      %sign3A_1084 = arith.cmpi sgt, %mul3A_2, %sign3A_1083 : i32
      %sign3A_1085 = arith.extui %sign3A_1084 : i1 to i32
      %sign3A_1086 = arith.constant 0 : i32
      %sign3A_1087 = arith.cmpi slt, %mul3A_2, %sign3A_1086 : i32
      %sign3A_1088 = arith.extui %sign3A_1087 : i1 to i32
      %sign3A_1089 = arith.subi %sign3A_1085, %sign3A_1088 : i32
      %sign3A_1090 = arith.constant 0 : i32
      %sign3A_1091 = arith.cmpi sgt, %jit3A_1081, %sign3A_1090 : i32
      %sign3A_1092 = arith.extui %sign3A_1091 : i1 to i32
      %sign3A_1093 = arith.constant 0 : i32
      %sign3A_1094 = arith.cmpi slt, %jit3A_1081, %sign3A_1093 : i32
      %sign3A_1095 = arith.extui %sign3A_1094 : i1 to i32
      %sign3A_1096 = arith.subi %sign3A_1092, %sign3A_1095 : i32
      %ne3A_1097 = arith.cmpi ne, %sign3A_1089, %sign3A_1096 : i32
      %rem3A_1098 = arith.remsi %mul3A_2, %jit3A_1081 : i32
      %ne3A_1099 = arith.constant 0 : i32
      %ne3A_1100 = arith.cmpi ne, %rem3A_1098, %ne3A_1099 : i32
      %and3A_1101 = arith.andi %ne3A_1097, %ne3A_1100 : i1
      %sub3A_1102 = arith.constant 1 : i32
      %sub3A_1103 = arith.subi %div3A_1082, %sub3A_1102 : i32
      %select_n3A_1104 = arith.select %and3A_1101, %sub3A_1103, %div3A_1082 : i32
      %add3A_1105 = arith.constant 1 : i32
      %add3A_1106 = arith.addi %select_n3A_1104, %add3A_1105 : i32
      %dma_start3A_1107 = arith.constant 1 : i32
      %dma_start3A_1108 = arith.constant 1 : i32
      %dma_start3A_1109 = arith.constant 0 : i32
      %dma_start3A_1110 = arith.constant 0 : i32
      %dma_start3A_1111 = tpu.memref_slice %arg7[%dma_start3A_1107, %dma_start3A_1109, %dma_start3A_1110] : memref<2x16x513xf32, #tpu.memory_space<vmem>> -> memref<1x16x513xf32, #tpu.memory_space<vmem>>
      %dma_start3A_1112 = tpu.memref_squeeze %dma_start3A_1111 : memref<1x16x513xf32, #tpu.memory_space<vmem>> -> memref<16x513xf32, #tpu.memory_space<vmem>>
      %dma_start3A_1113 = arith.constant 8 : i32
      %dma_start3A_1114 = arith.constant 128 : i32
      %dma_start3A_1115 = tpu.memref_slice %dma_start3A_1112[%dma_start3A_1113, %dma_start3A_1114] : memref<16x513xf32, #tpu.memory_space<vmem>> -> memref<8x128xf32, #tpu.memory_space<vmem>>
      %dma_start3A_1116 = arith.constant 0 : i32
      %dma_start3A_1117 = arith.constant 0 : i32
      %dma_start3A_1118 = arith.constant 0 : i32
      %dma_start3A_1119 = arith.constant 0 : i32
      %dma_start3A_1120 = tpu.memref_slice %arg4[%add3A_690, %dma_start3A_1116, %dma_start3A_1117, %dma_start3A_1118, %dma_start3A_1119] : memref<200x2x128x8x128xf32, #tpu.memory_space<hbm>> -> memref<1x2x128x8x128xf32, #tpu.memory_space<hbm>>
      %dma_start3A_1121 = tpu.memref_squeeze %dma_start3A_1120 : memref<1x2x128x8x128xf32, #tpu.memory_space<hbm>> -> memref<2x128x8x128xf32, #tpu.memory_space<hbm>>
      %dma_start3A_1122 = arith.constant 0 : i32
      %dma_start3A_1123 = arith.constant 0 : i32
      %dma_start3A_1124 = arith.constant 0 : i32
      %dma_start3A_1125 = tpu.memref_slice %dma_start3A_1121[%dma_start3A_1108, %dma_start3A_1122, %dma_start3A_1123, %dma_start3A_1124] : memref<2x128x8x128xf32, #tpu.memory_space<hbm>> -> memref<1x128x8x128xf32, #tpu.memory_space<hbm>>
      %dma_start3A_1126 = tpu.memref_squeeze %dma_start3A_1125 : memref<1x128x8x128xf32, #tpu.memory_space<hbm>> -> memref<128x8x128xf32, #tpu.memory_space<hbm>>
      %dma_start3A_1127 = arith.constant 0 : i32
      %dma_start3A_1128 = arith.constant 0 : i32
      %dma_start3A_1129 = tpu.memref_slice %dma_start3A_1126[%add3A_1106, %dma_start3A_1127, %dma_start3A_1128] : memref<128x8x128xf32, #tpu.memory_space<hbm>> -> memref<1x8x128xf32, #tpu.memory_space<hbm>>
      %dma_start3A_1130 = tpu.memref_squeeze %dma_start3A_1129 : memref<1x8x128xf32, #tpu.memory_space<hbm>> -> memref<8x128xf32, #tpu.memory_space<hbm>>
      %dma_start3A_1131 = arith.constant 0 : i32
      %dma_start3A_1132 = arith.constant 0 : i32
      %dma_start3A_1133 = arith.constant 0 : i32
      %dma_start3A_1134 = arith.constant 0 : i32
      %dma_start3A_1135 = tpu.memref_slice %arg4[%add3A_690, %dma_start3A_1131, %dma_start3A_1132, %dma_start3A_1133, %dma_start3A_1134] : memref<200x2x128x8x128xf32, #tpu.memory_space<hbm>> -> memref<1x2x128x8x128xf32, #tpu.memory_space<hbm>>
      %dma_start3A_1136 = tpu.memref_squeeze %dma_start3A_1135 : memref<1x2x128x8x128xf32, #tpu.memory_space<hbm>> -> memref<2x128x8x128xf32, #tpu.memory_space<hbm>>
      %dma_start3A_1137 = arith.constant 0 : i32
      %dma_start3A_1138 = arith.constant 0 : i32
      %dma_start3A_1139 = arith.constant 0 : i32
      %dma_start3A_1140 = tpu.memref_slice %dma_start3A_1136[%dma_start3A_1108, %dma_start3A_1137, %dma_start3A_1138, %dma_start3A_1139] : memref<2x128x8x128xf32, #tpu.memory_space<hbm>> -> memref<1x128x8x128xf32, #tpu.memory_space<hbm>>
      %dma_start3A_1141 = tpu.memref_squeeze %dma_start3A_1140 : memref<1x128x8x128xf32, #tpu.memory_space<hbm>> -> memref<128x8x128xf32, #tpu.memory_space<hbm>>
      %dma_start3A_1142 = arith.constant 0 : i32
      %dma_start3A_1143 = arith.constant 0 : i32
      %dma_start3A_1144 = tpu.memref_slice %dma_start3A_1141[%add3A_1106, %dma_start3A_1142, %dma_start3A_1143] : memref<128x8x128xf32, #tpu.memory_space<hbm>> -> memref<1x8x128xf32, #tpu.memory_space<hbm>>
      %dma_start3A_1145 = tpu.memref_squeeze %dma_start3A_1144 : memref<1x8x128xf32, #tpu.memory_space<hbm>> -> memref<8x128xf32, #tpu.memory_space<hbm>>
      %dma_start3A_1146 = arith.constant 0 : i32
      %dma_start3A_1147 = arith.constant 0 : i32
      %dma_start3A_1148 = tpu.memref_slice %arg7[%dma_start3A_1107, %dma_start3A_1146, %dma_start3A_1147] : memref<2x16x513xf32, #tpu.memory_space<vmem>> -> memref<1x16x513xf32, #tpu.memory_space<vmem>>
      %dma_start3A_1149 = tpu.memref_squeeze %dma_start3A_1148 : memref<1x16x513xf32, #tpu.memory_space<vmem>> -> memref<16x513xf32, #tpu.memory_space<vmem>>
      %dma_start3A_1150 = arith.constant 8 : i32
      %dma_start3A_1151 = arith.constant 128 : i32
      %dma_start3A_1152 = tpu.memref_slice %dma_start3A_1149[%dma_start3A_1150, %dma_start3A_1151] : memref<16x513xf32, #tpu.memory_space<vmem>> -> memref<8x128xf32, #tpu.memory_space<vmem>>
      tpu.enqueue_dma source(%dma_start3A_1152 : memref<8x128xf32, #tpu.memory_space<vmem>>) target(%dma_start3A_1145 : memref<8x128xf32, #tpu.memory_space<hbm>>) target_semaphore(%arg13 : memref<!tpu.dma_semaphore, #tpu.memory_space<semaphore_mem>>)
      %jit3A_1153 = arith.constant 128 : i32
      %div3A_1154 = arith.divsi %mul3A_2, %jit3A_1153 : i32
      %sign3A_1155 = arith.constant 0 : i32
      %sign3A_1156 = arith.cmpi sgt, %mul3A_2, %sign3A_1155 : i32
      %sign3A_1157 = arith.extui %sign3A_1156 : i1 to i32
      %sign3A_1158 = arith.constant 0 : i32
      %sign3A_1159 = arith.cmpi slt, %mul3A_2, %sign3A_1158 : i32
      %sign3A_1160 = arith.extui %sign3A_1159 : i1 to i32
      %sign3A_1161 = arith.subi %sign3A_1157, %sign3A_1160 : i32
      %sign3A_1162 = arith.constant 0 : i32
      %sign3A_1163 = arith.cmpi sgt, %jit3A_1153, %sign3A_1162 : i32
      %sign3A_1164 = arith.extui %sign3A_1163 : i1 to i32
      %sign3A_1165 = arith.constant 0 : i32
      %sign3A_1166 = arith.cmpi slt, %jit3A_1153, %sign3A_1165 : i32
      %sign3A_1167 = arith.extui %sign3A_1166 : i1 to i32
      %sign3A_1168 = arith.subi %sign3A_1164, %sign3A_1167 : i32
      %ne3A_1169 = arith.cmpi ne, %sign3A_1161, %sign3A_1168 : i32
      %rem3A_1170 = arith.remsi %mul3A_2, %jit3A_1153 : i32
      %ne3A_1171 = arith.constant 0 : i32
      %ne3A_1172 = arith.cmpi ne, %rem3A_1170, %ne3A_1171 : i32
      %and3A_1173 = arith.andi %ne3A_1169, %ne3A_1172 : i1
      %sub3A_1174 = arith.constant 1 : i32
      %sub3A_1175 = arith.subi %div3A_1154, %sub3A_1174 : i32
      %select_n3A_1176 = arith.select %and3A_1173, %sub3A_1175, %div3A_1154 : i32
      %add3A_1177 = arith.constant 2 : i32
      %add3A_1178 = arith.addi %select_n3A_1176, %add3A_1177 : i32
      %dma_start3A_1179 = arith.constant 1 : i32
      %dma_start3A_1180 = arith.constant 1 : i32
      %dma_start3A_1181 = arith.constant 0 : i32
      %dma_start3A_1182 = arith.constant 0 : i32
      %dma_start3A_1183 = tpu.memref_slice %arg7[%dma_start3A_1179, %dma_start3A_1181, %dma_start3A_1182] : memref<2x16x513xf32, #tpu.memory_space<vmem>> -> memref<1x16x513xf32, #tpu.memory_space<vmem>>
      %dma_start3A_1184 = tpu.memref_squeeze %dma_start3A_1183 : memref<1x16x513xf32, #tpu.memory_space<vmem>> -> memref<16x513xf32, #tpu.memory_space<vmem>>
      %dma_start3A_1185 = arith.constant 8 : i32
      %dma_start3A_1186 = arith.constant 256 : i32
      %dma_start3A_1187 = tpu.memref_slice %dma_start3A_1184[%dma_start3A_1185, %dma_start3A_1186] : memref<16x513xf32, #tpu.memory_space<vmem>> -> memref<8x128xf32, #tpu.memory_space<vmem>>
      %dma_start3A_1188 = arith.constant 0 : i32
      %dma_start3A_1189 = arith.constant 0 : i32
      %dma_start3A_1190 = arith.constant 0 : i32
      %dma_start3A_1191 = arith.constant 0 : i32
      %dma_start3A_1192 = tpu.memref_slice %arg4[%add3A_690, %dma_start3A_1188, %dma_start3A_1189, %dma_start3A_1190, %dma_start3A_1191] : memref<200x2x128x8x128xf32, #tpu.memory_space<hbm>> -> memref<1x2x128x8x128xf32, #tpu.memory_space<hbm>>
      %dma_start3A_1193 = tpu.memref_squeeze %dma_start3A_1192 : memref<1x2x128x8x128xf32, #tpu.memory_space<hbm>> -> memref<2x128x8x128xf32, #tpu.memory_space<hbm>>
      %dma_start3A_1194 = arith.constant 0 : i32
      %dma_start3A_1195 = arith.constant 0 : i32
      %dma_start3A_1196 = arith.constant 0 : i32
      %dma_start3A_1197 = tpu.memref_slice %dma_start3A_1193[%dma_start3A_1180, %dma_start3A_1194, %dma_start3A_1195, %dma_start3A_1196] : memref<2x128x8x128xf32, #tpu.memory_space<hbm>> -> memref<1x128x8x128xf32, #tpu.memory_space<hbm>>
      %dma_start3A_1198 = tpu.memref_squeeze %dma_start3A_1197 : memref<1x128x8x128xf32, #tpu.memory_space<hbm>> -> memref<128x8x128xf32, #tpu.memory_space<hbm>>
      %dma_start3A_1199 = arith.constant 0 : i32
      %dma_start3A_1200 = arith.constant 0 : i32
      %dma_start3A_1201 = tpu.memref_slice %dma_start3A_1198[%add3A_1178, %dma_start3A_1199, %dma_start3A_1200] : memref<128x8x128xf32, #tpu.memory_space<hbm>> -> memref<1x8x128xf32, #tpu.memory_space<hbm>>
      %dma_start3A_1202 = tpu.memref_squeeze %dma_start3A_1201 : memref<1x8x128xf32, #tpu.memory_space<hbm>> -> memref<8x128xf32, #tpu.memory_space<hbm>>
      %dma_start3A_1203 = arith.constant 0 : i32
      %dma_start3A_1204 = arith.constant 0 : i32
      %dma_start3A_1205 = arith.constant 0 : i32
      %dma_start3A_1206 = arith.constant 0 : i32
      %dma_start3A_1207 = tpu.memref_slice %arg4[%add3A_690, %dma_start3A_1203, %dma_start3A_1204, %dma_start3A_1205, %dma_start3A_1206] : memref<200x2x128x8x128xf32, #tpu.memory_space<hbm>> -> memref<1x2x128x8x128xf32, #tpu.memory_space<hbm>>
      %dma_start3A_1208 = tpu.memref_squeeze %dma_start3A_1207 : memref<1x2x128x8x128xf32, #tpu.memory_space<hbm>> -> memref<2x128x8x128xf32, #tpu.memory_space<hbm>>
      %dma_start3A_1209 = arith.constant 0 : i32
      %dma_start3A_1210 = arith.constant 0 : i32
      %dma_start3A_1211 = arith.constant 0 : i32
      %dma_start3A_1212 = tpu.memref_slice %dma_start3A_1208[%dma_start3A_1180, %dma_start3A_1209, %dma_start3A_1210, %dma_start3A_1211] : memref<2x128x8x128xf32, #tpu.memory_space<hbm>> -> memref<1x128x8x128xf32, #tpu.memory_space<hbm>>
      %dma_start3A_1213 = tpu.memref_squeeze %dma_start3A_1212 : memref<1x128x8x128xf32, #tpu.memory_space<hbm>> -> memref<128x8x128xf32, #tpu.memory_space<hbm>>
      %dma_start3A_1214 = arith.constant 0 : i32
      %dma_start3A_1215 = arith.constant 0 : i32
      %dma_start3A_1216 = tpu.memref_slice %dma_start3A_1213[%add3A_1178, %dma_start3A_1214, %dma_start3A_1215] : memref<128x8x128xf32, #tpu.memory_space<hbm>> -> memref<1x8x128xf32, #tpu.memory_space<hbm>>
      %dma_start3A_1217 = tpu.memref_squeeze %dma_start3A_1216 : memref<1x8x128xf32, #tpu.memory_space<hbm>> -> memref<8x128xf32, #tpu.memory_space<hbm>>
      %dma_start3A_1218 = arith.constant 0 : i32
      %dma_start3A_1219 = arith.constant 0 : i32
      %dma_start3A_1220 = tpu.memref_slice %arg7[%dma_start3A_1179, %dma_start3A_1218, %dma_start3A_1219] : memref<2x16x513xf32, #tpu.memory_space<vmem>> -> memref<1x16x513xf32, #tpu.memory_space<vmem>>
      %dma_start3A_1221 = tpu.memref_squeeze %dma_start3A_1220 : memref<1x16x513xf32, #tpu.memory_space<vmem>> -> memref<16x513xf32, #tpu.memory_space<vmem>>
      %dma_start3A_1222 = arith.constant 8 : i32
      %dma_start3A_1223 = arith.constant 256 : i32
      %dma_start3A_1224 = tpu.memref_slice %dma_start3A_1221[%dma_start3A_1222, %dma_start3A_1223] : memref<16x513xf32, #tpu.memory_space<vmem>> -> memref<8x128xf32, #tpu.memory_space<vmem>>
      tpu.enqueue_dma source(%dma_start3A_1224 : memref<8x128xf32, #tpu.memory_space<vmem>>) target(%dma_start3A_1217 : memref<8x128xf32, #tpu.memory_space<hbm>>) target_semaphore(%arg13 : memref<!tpu.dma_semaphore, #tpu.memory_space<semaphore_mem>>)
      %jit3A_1225 = arith.constant 128 : i32
      %div3A_1226 = arith.divsi %mul3A_2, %jit3A_1225 : i32
      %sign3A_1227 = arith.constant 0 : i32
      %sign3A_1228 = arith.cmpi sgt, %mul3A_2, %sign3A_1227 : i32
      %sign3A_1229 = arith.extui %sign3A_1228 : i1 to i32
      %sign3A_1230 = arith.constant 0 : i32
      %sign3A_1231 = arith.cmpi slt, %mul3A_2, %sign3A_1230 : i32
      %sign3A_1232 = arith.extui %sign3A_1231 : i1 to i32
      %sign3A_1233 = arith.subi %sign3A_1229, %sign3A_1232 : i32
      %sign3A_1234 = arith.constant 0 : i32
      %sign3A_1235 = arith.cmpi sgt, %jit3A_1225, %sign3A_1234 : i32
      %sign3A_1236 = arith.extui %sign3A_1235 : i1 to i32
      %sign3A_1237 = arith.constant 0 : i32
      %sign3A_1238 = arith.cmpi slt, %jit3A_1225, %sign3A_1237 : i32
      %sign3A_1239 = arith.extui %sign3A_1238 : i1 to i32
      %sign3A_1240 = arith.subi %sign3A_1236, %sign3A_1239 : i32
      %ne3A_1241 = arith.cmpi ne, %sign3A_1233, %sign3A_1240 : i32
      %rem3A_1242 = arith.remsi %mul3A_2, %jit3A_1225 : i32
      %ne3A_1243 = arith.constant 0 : i32
      %ne3A_1244 = arith.cmpi ne, %rem3A_1242, %ne3A_1243 : i32
      %and3A_1245 = arith.andi %ne3A_1241, %ne3A_1244 : i1
      %sub3A_1246 = arith.constant 1 : i32
      %sub3A_1247 = arith.subi %div3A_1226, %sub3A_1246 : i32
      %select_n3A_1248 = arith.select %and3A_1245, %sub3A_1247, %div3A_1226 : i32
      %add3A_1249 = arith.constant 3 : i32
      %add3A_1250 = arith.addi %select_n3A_1248, %add3A_1249 : i32
      %dma_start3A_1251 = arith.constant 1 : i32
      %dma_start3A_1252 = arith.constant 1 : i32
      %dma_start3A_1253 = arith.constant 0 : i32
      %dma_start3A_1254 = arith.constant 0 : i32
      %dma_start3A_1255 = tpu.memref_slice %arg7[%dma_start3A_1251, %dma_start3A_1253, %dma_start3A_1254] : memref<2x16x513xf32, #tpu.memory_space<vmem>> -> memref<1x16x513xf32, #tpu.memory_space<vmem>>
      %dma_start3A_1256 = tpu.memref_squeeze %dma_start3A_1255 : memref<1x16x513xf32, #tpu.memory_space<vmem>> -> memref<16x513xf32, #tpu.memory_space<vmem>>
      %dma_start3A_1257 = arith.constant 8 : i32
      %dma_start3A_1258 = arith.constant 384 : i32
      %dma_start3A_1259 = tpu.memref_slice %dma_start3A_1256[%dma_start3A_1257, %dma_start3A_1258] : memref<16x513xf32, #tpu.memory_space<vmem>> -> memref<8x128xf32, #tpu.memory_space<vmem>>
      %dma_start3A_1260 = arith.constant 0 : i32
      %dma_start3A_1261 = arith.constant 0 : i32
      %dma_start3A_1262 = arith.constant 0 : i32
      %dma_start3A_1263 = arith.constant 0 : i32
      %dma_start3A_1264 = tpu.memref_slice %arg4[%add3A_690, %dma_start3A_1260, %dma_start3A_1261, %dma_start3A_1262, %dma_start3A_1263] : memref<200x2x128x8x128xf32, #tpu.memory_space<hbm>> -> memref<1x2x128x8x128xf32, #tpu.memory_space<hbm>>
      %dma_start3A_1265 = tpu.memref_squeeze %dma_start3A_1264 : memref<1x2x128x8x128xf32, #tpu.memory_space<hbm>> -> memref<2x128x8x128xf32, #tpu.memory_space<hbm>>
      %dma_start3A_1266 = arith.constant 0 : i32
      %dma_start3A_1267 = arith.constant 0 : i32
      %dma_start3A_1268 = arith.constant 0 : i32
      %dma_start3A_1269 = tpu.memref_slice %dma_start3A_1265[%dma_start3A_1252, %dma_start3A_1266, %dma_start3A_1267, %dma_start3A_1268] : memref<2x128x8x128xf32, #tpu.memory_space<hbm>> -> memref<1x128x8x128xf32, #tpu.memory_space<hbm>>
      %dma_start3A_1270 = tpu.memref_squeeze %dma_start3A_1269 : memref<1x128x8x128xf32, #tpu.memory_space<hbm>> -> memref<128x8x128xf32, #tpu.memory_space<hbm>>
      %dma_start3A_1271 = arith.constant 0 : i32
      %dma_start3A_1272 = arith.constant 0 : i32
      %dma_start3A_1273 = tpu.memref_slice %dma_start3A_1270[%add3A_1250, %dma_start3A_1271, %dma_start3A_1272] : memref<128x8x128xf32, #tpu.memory_space<hbm>> -> memref<1x8x128xf32, #tpu.memory_space<hbm>>
      %dma_start3A_1274 = tpu.memref_squeeze %dma_start3A_1273 : memref<1x8x128xf32, #tpu.memory_space<hbm>> -> memref<8x128xf32, #tpu.memory_space<hbm>>
      %dma_start3A_1275 = arith.constant 0 : i32
      %dma_start3A_1276 = arith.constant 0 : i32
      %dma_start3A_1277 = arith.constant 0 : i32
      %dma_start3A_1278 = arith.constant 0 : i32
      %dma_start3A_1279 = tpu.memref_slice %arg4[%add3A_690, %dma_start3A_1275, %dma_start3A_1276, %dma_start3A_1277, %dma_start3A_1278] : memref<200x2x128x8x128xf32, #tpu.memory_space<hbm>> -> memref<1x2x128x8x128xf32, #tpu.memory_space<hbm>>
      %dma_start3A_1280 = tpu.memref_squeeze %dma_start3A_1279 : memref<1x2x128x8x128xf32, #tpu.memory_space<hbm>> -> memref<2x128x8x128xf32, #tpu.memory_space<hbm>>
      %dma_start3A_1281 = arith.constant 0 : i32
      %dma_start3A_1282 = arith.constant 0 : i32
      %dma_start3A_1283 = arith.constant 0 : i32
      %dma_start3A_1284 = tpu.memref_slice %dma_start3A_1280[%dma_start3A_1252, %dma_start3A_1281, %dma_start3A_1282, %dma_start3A_1283] : memref<2x128x8x128xf32, #tpu.memory_space<hbm>> -> memref<1x128x8x128xf32, #tpu.memory_space<hbm>>
      %dma_start3A_1285 = tpu.memref_squeeze %dma_start3A_1284 : memref<1x128x8x128xf32, #tpu.memory_space<hbm>> -> memref<128x8x128xf32, #tpu.memory_space<hbm>>
      %dma_start3A_1286 = arith.constant 0 : i32
      %dma_start3A_1287 = arith.constant 0 : i32
      %dma_start3A_1288 = tpu.memref_slice %dma_start3A_1285[%add3A_1250, %dma_start3A_1286, %dma_start3A_1287] : memref<128x8x128xf32, #tpu.memory_space<hbm>> -> memref<1x8x128xf32, #tpu.memory_space<hbm>>
      %dma_start3A_1289 = tpu.memref_squeeze %dma_start3A_1288 : memref<1x8x128xf32, #tpu.memory_space<hbm>> -> memref<8x128xf32, #tpu.memory_space<hbm>>
      %dma_start3A_1290 = arith.constant 0 : i32
      %dma_start3A_1291 = arith.constant 0 : i32
      %dma_start3A_1292 = tpu.memref_slice %arg7[%dma_start3A_1251, %dma_start3A_1290, %dma_start3A_1291] : memref<2x16x513xf32, #tpu.memory_space<vmem>> -> memref<1x16x513xf32, #tpu.memory_space<vmem>>
      %dma_start3A_1293 = tpu.memref_squeeze %dma_start3A_1292 : memref<1x16x513xf32, #tpu.memory_space<vmem>> -> memref<16x513xf32, #tpu.memory_space<vmem>>
      %dma_start3A_1294 = arith.constant 8 : i32
      %dma_start3A_1295 = arith.constant 384 : i32
      %dma_start3A_1296 = tpu.memref_slice %dma_start3A_1293[%dma_start3A_1294, %dma_start3A_1295] : memref<16x513xf32, #tpu.memory_space<vmem>> -> memref<8x128xf32, #tpu.memory_space<vmem>>
      tpu.enqueue_dma source(%dma_start3A_1296 : memref<8x128xf32, #tpu.memory_space<vmem>>) target(%dma_start3A_1289 : memref<8x128xf32, #tpu.memory_space<hbm>>) target_semaphore(%arg13 : memref<!tpu.dma_semaphore, #tpu.memory_space<semaphore_mem>>)
      %add3A_1297 = arith.constant 2 : i32
      %add3A_1298 = arith.addi %add3A_690, %add3A_1297 : i32
      %lt3A_1299 = arith.constant 200 : i32
      %lt3A_1300 = arith.cmpi slt, %add3A_1298, %lt3A_1299 : i32
      %convert_element_type3A_1301 = arith.extui %lt3A_1300 : i1 to i32
      %cond3A_1302 = arith.constant 0 : i32
      %cond3A_1303 = arith.cmpi ne, %convert_element_type3A_1301, %cond3A_1302 : i32
      scf.if %cond3A_1303 {
        %add3A_1304 = arith.constant 2 : i32
        %add3A_1305 = arith.addi %add3A_690, %add3A_1304 : i32
        %mul3A_1306 = arith.constant 16384 : i32
        %mul3A_1307 = arith.muli %add3A_1305, %mul3A_1306 : i32
        %add3A_1308 = arith.addi %mul3A_1307, %mul3A_2 : i32
        %dma_start3A_1309 = arith.constant 1 : i32
        %dma_start3A_1310 = arith.constant 0 : i32
        %dma_start3A_1311 = tpu.memref_slice %arg5[%dma_start3A_1309, %dma_start3A_1310] : memref<2x512xi32, #tpu.memory_space<vmem>> -> memref<1x512xi32, #tpu.memory_space<vmem>>
        %dma_start3A_1312 = tpu.memref_squeeze %dma_start3A_1311 : memref<1x512xi32, #tpu.memory_space<vmem>> -> memref<512xi32, #tpu.memory_space<vmem>>
        %dma_start3A_1313 = tpu.memref_slice %arg2[%add3A_1308] : memref<3276800xi32, #tpu.memory_space<hbm>> -> memref<512xi32, #tpu.memory_space<hbm>>
        %dma_start3A_1314 = arith.constant 0 : i32
        %dma_start3A_1315 = tpu.memref_slice %arg5[%dma_start3A_1309, %dma_start3A_1314] : memref<2x512xi32, #tpu.memory_space<vmem>> -> memref<1x512xi32, #tpu.memory_space<vmem>>
        %dma_start3A_1316 = tpu.memref_squeeze %dma_start3A_1315 : memref<1x512xi32, #tpu.memory_space<vmem>> -> memref<512xi32, #tpu.memory_space<vmem>>
        %dma_start3A_1317 = tpu.memref_slice %arg2[%add3A_1308] : memref<3276800xi32, #tpu.memory_space<hbm>> -> memref<512xi32, #tpu.memory_space<hbm>>
        tpu.enqueue_dma source(%dma_start3A_1317 : memref<512xi32, #tpu.memory_space<hbm>>) target(%dma_start3A_1316 : memref<512xi32, #tpu.memory_space<vmem>>) target_semaphore(%arg9 : memref<!tpu.dma_semaphore, #tpu.memory_space<semaphore_mem>>)
      } else {
      }
    }
    %scan3A_50 = arith.constant 100 : i32
    %dma_wait3A_51 = arith.constant 0 : i32
    %dma_wait3A_52 = arith.constant 0 : i32
    %dma_wait3A_53 = arith.constant 0 : i32
    %dma_wait3A_54 = tpu.memref_slice %arg6[%dma_wait3A_51, %dma_wait3A_52, %dma_wait3A_53] : memref<2x512x16xf32, #tpu.memory_space<vmem>> -> memref<1x512x16xf32, #tpu.memory_space<vmem>>
    %dma_wait3A_55 = tpu.memref_squeeze %dma_wait3A_54 : memref<1x512x16xf32, #tpu.memory_space<vmem>> -> memref<512x16xf32, #tpu.memory_space<vmem>>
    %dma_wait3A_56 = arith.constant 0 : i32
    %dma_wait3A_57 = arith.constant 0 : i32
    %dma_wait3A_58 = tpu.memref_slice %arg3[%dma_wait3A_56, %dma_wait3A_57] : memref<1000000x16xf32, #tpu.memory_space<hbm>> -> memref<512x16xf32, #tpu.memory_space<hbm>>
    %dma_wait3A_59 = arith.constant 0 : i32
    %dma_wait3A_60 = arith.constant 0 : i32
    %dma_wait3A_61 = tpu.memref_slice %arg6[%dma_wait3A_51, %dma_wait3A_59, %dma_wait3A_60] : memref<2x512x16xf32, #tpu.memory_space<vmem>> -> memref<1x512x16xf32, #tpu.memory_space<vmem>>
    %dma_wait3A_62 = tpu.memref_squeeze %dma_wait3A_61 : memref<1x512x16xf32, #tpu.memory_space<vmem>> -> memref<512x16xf32, #tpu.memory_space<vmem>>
    %dma_wait3A_63 = arith.constant 0 : i32
    %dma_wait3A_64 = arith.constant 0 : i32
    %dma_wait3A_65 = tpu.memref_slice %arg3[%dma_wait3A_63, %dma_wait3A_64] : memref<1000000x16xf32, #tpu.memory_space<hbm>> -> memref<512x16xf32, #tpu.memory_space<hbm>>
    tpu.wait_dma2 semaphore(%arg12 : memref<!tpu.dma_semaphore, #tpu.memory_space<semaphore_mem>>) src(%dma_wait3A_65 : memref<512x16xf32, #tpu.memory_space<hbm>>) dst(%dma_wait3A_62 : memref<512x16xf32, #tpu.memory_space<vmem>>)
    %dma_wait3A_66 = arith.constant 1 : i32
    %dma_wait3A_67 = arith.constant 0 : i32
    %dma_wait3A_68 = arith.constant 0 : i32
    %dma_wait3A_69 = tpu.memref_slice %arg6[%dma_wait3A_66, %dma_wait3A_67, %dma_wait3A_68] : memref<2x512x16xf32, #tpu.memory_space<vmem>> -> memref<1x512x16xf32, #tpu.memory_space<vmem>>
    %dma_wait3A_70 = tpu.memref_squeeze %dma_wait3A_69 : memref<1x512x16xf32, #tpu.memory_space<vmem>> -> memref<512x16xf32, #tpu.memory_space<vmem>>
    %dma_wait3A_71 = arith.constant 0 : i32
    %dma_wait3A_72 = arith.constant 0 : i32
    %dma_wait3A_73 = tpu.memref_slice %arg3[%dma_wait3A_71, %dma_wait3A_72] : memref<1000000x16xf32, #tpu.memory_space<hbm>> -> memref<512x16xf32, #tpu.memory_space<hbm>>
    %dma_wait3A_74 = arith.constant 0 : i32
    %dma_wait3A_75 = arith.constant 0 : i32
    %dma_wait3A_76 = tpu.memref_slice %arg6[%dma_wait3A_66, %dma_wait3A_74, %dma_wait3A_75] : memref<2x512x16xf32, #tpu.memory_space<vmem>> -> memref<1x512x16xf32, #tpu.memory_space<vmem>>
    %dma_wait3A_77 = tpu.memref_squeeze %dma_wait3A_76 : memref<1x512x16xf32, #tpu.memory_space<vmem>> -> memref<512x16xf32, #tpu.memory_space<vmem>>
    %dma_wait3A_78 = arith.constant 0 : i32
    %dma_wait3A_79 = arith.constant 0 : i32
    %dma_wait3A_80 = tpu.memref_slice %arg3[%dma_wait3A_78, %dma_wait3A_79] : memref<1000000x16xf32, #tpu.memory_space<hbm>> -> memref<512x16xf32, #tpu.memory_space<hbm>>
    tpu.wait_dma2 semaphore(%arg13 : memref<!tpu.dma_semaphore, #tpu.memory_space<semaphore_mem>>) src(%dma_wait3A_80 : memref<512x16xf32, #tpu.memory_space<hbm>>) dst(%dma_wait3A_77 : memref<512x16xf32, #tpu.memory_space<vmem>>)
    return
  }
}

</mosaic_0001>

<sc_bundles>
// kernel: kernel.3.cloned.1.call-start
scs
__scs_entry_jumppad:
0x0: {  	(pc) =	sbr.rel $0x88, $3  }
0x1: {  	(tag) =	ssettag $0x0;
	lr =	simm.s32 $0x1  }
0x2: {  	[smem:$0x3F9F] =	sst lr;
	_ =	strace $0xD0000000  }
0x3: {  	_ = 	snop  }
0x4: {  	_ = 	snop  }
0x5: {  	_ = 	snop  }
0x6: {  	_ = 	snop  }
0x7: {  	_ = 	snop  }
__scs_overlays_trampoline_lowered:
0x8: {  	[smem:$0x3FAE] =	sst s0  }
0x9: {  	[smem:$0x3FAF] =	sst s1  }
0xa: {  	[smem:$0x3FB0] =	sst s2  }
0xb: {  	[smem:$0x3FB1] =	sst s3  }
0xc: {  	[smem:$0x3FB2] =	sst s4  }
0xd: {  	[smem:$0x3FB3] =	sst s5  }
0xe: {  	[smem:$0x3FB4] =	sst s6  }
0xf: {  	[smem:$0x3FB5] =	sst s7  }
0x10: {  	[smem:$0x3FB6] =	sst s8  }
0x11: {  	[smem:$0x3FB7] =	sst s9;
	s0 =	simm.s32 @!p0 $0x0  }
0x12: {  	s1 =	sld [smem:$0x3F9D];
	s0 =	simm.s32 @p0 $0x1  }
0x13: {  	[smem:$0x3FB8] =	sst s0;
	s0 =	simm.s32 @!p1 $0x0  }
0x14: {  	s2 =	sld [smem:$0x3F9C];
	s0 =	simm.s32 @p1 $0x1  }
0x15: {  	[smem:$0x3FB9] =	sst s0;
	s0 =	simm.s32 @!p2 $0x0  }
0x16: {  	s3 =	sld [smem:$0x3FDB];
	s0 =	simm.s32 @p2 $0x1  }
0x17: {  	s4 =	simm.s32 $0x1BF5;
	[smem:$0x3FBB] =	sst s0  }
0x18: {  	s0 =	sld [smem:$0x3F9E];
	_ =	swait.ge [sflag:s4], $0x0  }
0x19: {  	s7 =	sld [smem:$0x3F9F]  }
0x1a: {  	s8 =	sadd.s32 $0xFFFFE003, lr  }
0x1b: {  	s9 =	sadd.s32 $0xFFFFFEF7, lr;
	s5 =	simm.s32 $0xFFFFFFFF;
	p2 =	slt.u32 s8, $0xFFFFF086  }
0x1c: {  	p1 =	slt.u32 s9, $0xF7A;
	s5 =	simm.s32 @!p2 $0x0  }
0x1d: {  	s5 =	simm.s32 @p1 $0x1;
	p0 =	seq.s32 s7, s2  }
0x1e: {  	s7 =	smul.u32 @!p0 $0xF7A, s2;
	p2 =	seq.s32 @!p0 s5, $0x0  }
0x1f: {  	s9 =	smul.u32 $0xF7A, s1;
	s8 =	simm.s32 @!p0 $0x1BF5;
	p2 =	por !p2, p0  }
0x20: {  	[sflag:s8] =	ssyncset.s32 @!p0 $0xFFFFF086;
	s6 =	sadd.s32 @!p0 s3, s7;
	s7 =	simm.s32 @!p0 $0x108  }
0x21: {  	s3 =	sadd.s32 s3, s9;
	s6 =	sadd.s32 @!p0 $0x88, s6;
	s7 =	simm.s32 @p2 $0x1082  }
0x22: {  	[simem:s7], [sflag:s8] =	dma.local @!p0 [hbm:s6], $0xF7A  }
0x23: {  	s9 =	sor.u32 $0xD0000000, s2;
	s6 =	simm.s32 $0x108;
	_ =	swait.ge @!p0 [sflag:s8], $0x0  }
0x24: {  	s3 =	sadd.s32 $0x88, s3;
	s6 =	simm.s32 @!p1 $0x1082;
	[sflag:s4] =	ssyncset.s32 $0xFFFFF086  }
0x25: {  	[simem:s6], [sflag:s4] =	dma.local [hbm:s3], $0xF7A  }
0x26: {  	[smem:$0x3F9F] =	sst s1;
	(tag) =	ssettag s2;
	_ =	strace s9  }
0x27: {  	s1 =	sld [smem:$0x3FAF]  }
0x28: {  	s2 =	sld [smem:$0x3FB0]  }
0x29: {  	s4 =	sld [smem:$0x3FB2]  }
0x2a: {  	p0 =	seq.s32 s5, $0x0;
	s5 =	sld [smem:$0x3FB3]  }
0x2b: {  	s6 =	sld [smem:$0x3FB4]  }
0x2c: {  	s7 =	sld [smem:$0x3FB5]  }
0x2d: {  	s3 =	simm.s32 $0x108;
	s8 =	sld [smem:$0x3FB6]  }
0x2e: {  	s3 =	simm.s32 @!p0 $0x1082;
	s9 =	sld [smem:$0x3FB7]  }
0x2f: {  	lr =	sadd.s32 s0, s3;
	s0 =	sld [smem:$0x3FAE]  }
0x30: {  	s3 =	sld [smem:$0x3FB1]  }
0x31: {  	[smem:$0x3FBA] =	sst s10  }
0x32: {  	s10 =	sld [smem:$0x3FB8];
	_ =	sdelay $0x3  }
0x33: {  	p0 =	seq.s32 s10, $0x1;
	s10 =	sld [smem:$0x3FBA];
	_ =	sdelay $0x3  }
0x34: {  	[smem:$0x3FBA] =	sst s10  }
0x35: {  	s10 =	sld [smem:$0x3FB9];
	_ =	sdelay $0x3  }
0x36: {  	p1 =	seq.s32 s10, $0x1;
	s10 =	sld [smem:$0x3FBA];
	_ =	sdelay $0x3  }
0x37: {  	[smem:$0x3FBA] =	sst s10  }
0x38: {  	s10 =	sld [smem:$0x3FBB]  }
0x39: {  	_ = 	snop;
	(pc) =	sbr.ind lr, $3  }
0x3a: {  	_ = 	snop  }
0x3b: {  	_ = 	snop  }
0x3c: {  	p2 =	seq.s32 s10, $0x1;
	s10 =	sld [smem:$0x3FBA]  }
0x3d: {  	_ =	shalt  }
0x3e: {  	_ =	shalt  }
0x3f: {  	_ =	shalt  }
0x40: {  	_ =	shalt  }
0x41: {  	_ =	shalt  }
0x42: {  	_ =	shalt  }
0x43: {  	_ =	shalt  }
0x44: {  	_ =	shalt  }
0x45: {  	_ =	shalt  }
0x46: {  	_ =	shalt  }
0x47: {  	_ =	shalt  }
0x48: {  	_ =	shalt  }
0x49: {  	_ =	shalt  }
0x4a: {  	_ =	shalt  }
0x4b: {  	_ =	shalt  }
0x4c: {  	_ =	shalt  }
0x4d: {  	_ =	shalt  }
0x4e: {  	_ =	shalt  }
0x4f: {  	_ =	shalt  }
0x50: {  	_ =	shalt  }
0x51: {  	_ =	shalt  }
0x52: {  	_ =	shalt  }
0x53: {  	_ =	shalt  }
0x54: {  	_ =	shalt  }
0x55: {  	_ =	shalt  }
0x56: {  	_ =	shalt  }
0x57: {  	_ =	shalt  }
0x58: {  	_ =	shalt  }
0x59: {  	_ =	shalt  }
0x5a: {  	_ =	shalt  }
0x5b: {  	_ =	shalt  }
0x5c: {  	_ =	shalt  }
0x5d: {  	_ =	shalt  }
0x5e: {  	_ =	shalt  }
0x5f: {  	_ =	shalt  }
0x60: {  	_ =	shalt  }
0x61: {  	_ =	shalt  }
0x62: {  	_ =	shalt  }
0x63: {  	_ =	shalt  }
0x64: {  	_ =	shalt  }
0x65: {  	_ =	shalt  }
0x66: {  	_ =	shalt  }
0x67: {  	_ =	shalt  }
0x68: {  	_ =	shalt  }
0x69: {  	_ =	shalt  }
0x6a: {  	_ =	shalt  }
0x6b: {  	_ =	shalt  }
0x6c: {  	_ =	shalt  }
0x6d: {  	_ =	shalt  }
0x6e: {  	_ =	shalt  }
0x6f: {  	_ =	shalt  }
0x70: {  	_ =	shalt  }
0x71: {  	_ =	shalt  }
0x72: {  	_ =	shalt  }
0x73: {  	_ =	shalt  }
0x74: {  	_ =	shalt  }
0x75: {  	_ =	shalt  }
0x76: {  	_ =	shalt  }
0x77: {  	_ =	shalt  }
0x78: {  	_ =	shalt  }
0x79: {  	_ =	shalt  }
0x7a: {  	_ =	shalt  }
0x7b: {  	_ =	shalt  }
0x7c: {  	_ =	shalt  }
0x7d: {  	_ =	shalt  }
0x7e: {  	_ =	shalt  }
0x7f: {  	_ =	shalt  }
0x80: {  	_ =	shalt  }
0x81: {  	_ =	shalt  }
0x82: {  	_ =	shalt  }
0x83: {  	_ =	shalt  }
0x84: {  	_ =	shalt  }
0x85: {  	_ =	shalt  }
0x86: {  	_ =	shalt  }
0x87: {  	_ =	shalt  }
.Lfunc_end0:
.L_simem_size_0:
called_computation_lowered:
.L_overlay_start_0:
0x88: {  	s2 =	sld [smem:$0x3FD9]  }
0x89: {  	s3 =	sld [smem:$0x3FFE];
	_ =	sdelay $0x1  }
0x8a: {  	s1 =	srdreg.scid  }
0x8b: {  	s0 =	sand.u32 $0x1, s1  }
0x8c: {  	s17 =	sshll.u32 s0, $0xA;
	s2 =	sadd.s32 s3, s2  }
0x8d: {  	s2 =	sadd.s32 s2, s17  }
0x8e: {  	[smem:$0x3FC6] =	sst s2  }
0x8f: {  	_ = 	snop  }
0x90: {  	s2 =	sld [smem:$0x3FD0];
	(tm) =	ssettm $0x1  }
0x91: {  	s18 =	sld [smem:$0x3FFB];
	_ =	sdelay $0x3  }
0x92: {  	_ =	strace s18  }
0x93: {  	s3 =	sld [smem:$0x3FFC];
	_ =	sdelay $0x3  }
0x94: {  	_ =	strace s3  }
0x95: {  	s3 =	sld [smem:$0x3FFD];
	_ =	sdelay $0x3  }
0x96: {  	_ =	strace s3  }
0x97: {  	_ =	strace $0x8FFFFFFF  }
0x98: {  	s19 =	sld [smem:$0x3FDB];
	_ =	sdelay $0x1  }
0x99: {  	s4 =	simm.s32 $_scs_section_size  }
0x9a: {  	s5 =	simm.s32 $_size__tile_overlayer_lowered;
	s6 =	simm.s32 $_tile_overlayer_lowered  }
0x9b: {  	s22 =	simm.s32 $0x1BFF;
	s21 =	sshll.u32 s6, $0x1;
	s3 =	sadd.s32 s4, s19  }
0x9c: {  	s7 =	simm.s32 $0x0;
	s20 =	sshll.u32 s5, $0x1;
	s5 =	sadd.s32 s21, s3  }
0x9d: {  	[timem:s7], [sflag:s22] =	dma.local [hbm:s5], s20  }
0x9e: {  	_ =	swait.ge [sflag:s22], s20  }
0x9f: {  	s4 =	ssub.s32 $0x0, s20;
	[sflag:s22] =	ssyncset.done $0x0  }
0xa0: {  	[sflag:s22] =	ssyncadd.s32 s4;
	_ =	sdelay $0x1  }
0xa1: {  	s23 =	simm.s32 $0x1B8B  }
0xa2: {  	_ =	swait.ge [sflag:s23], $0x1  }
0xa3: {  	[sflag:s23] =	ssyncset.done $0x0  }
0xa4: {  	s25 =	simm.s32 $0x1B8E;
	s24 =	sld [smem:$0x3FFE];
	[sflag:s23] =	ssyncadd.s32 $0xFFFFFFFF  }
0xa5: {  	s26 =	simm.s32 $execute0_lowered;
	[smem:$0x3FD2] =	sst s25  }
0xa6: {  	s5 =	sshll.u32 s26, $0x1;
	_ =	strace $0x80000046;
	[dreg:$0x1] =	wrdreg $0xFFFFFFFF  }
0xa7: {  	s28 =	simm.s32 $_size_execute0_lowered;
	s3 =	sadd.s32 s3, s5;
	[dreg:$0x0] =	wrdreg $0x0  }
0xa8: {  	s5 =	sshll.u32 s28, $0x1;
	[dreg:$0x2] =	wrdreg s3  }
0xa9: {  	[dreg:$0x3] =	wrdreg s5  }
0xaa: {  	[dreg:$0x4] =	wrdreg $0xC0  }
0xab: {  	_ =	task [dreg:s7], $0x5FFFF  }
0xac: {  	[dreg:$0x1] =	wrdreg $0xFFFFFFFF  }
0xad: {  	[dreg:$0x0] =	wrdreg $0x60  }
0xae: {  	[dreg:$0x2] =	wrdreg s24  }
0xaf: {  	[dreg:$0x3] =	wrdreg s2  }
0xb0: {  	[dreg:$0x4] =	wrdreg $0x9  }
0xb1: {  	_ =	task.clear_ibuf [dreg:s7], $0x5FFFF;
	_ =	strace $0x90000046  }
0xb2: {  	s29 =	simm.s32 $0x9;
	_ =	strace $0x80000048  }
0xb3: {  	_ =	swait.ge [sflag:s29], $0x1  }
0xb4: {  	[sflag:s29] =	ssyncadd.s32 $0xFFFFFFFF  }
0xb5: {  	_ =	strace $0x90000048  }
0xb6: {  	_ =	sfence  }
0xb7: {  	s30 =	sld [smem:$0x0];
	_ =	sdelay $0x2  }
0xb8: {  	s31 =	sshll.u32 s1, $0xD;
	s1 =	sshrl.u32 s1, $0x2  }
0xb9: {  	s3 =	sand.u32 $0x4000, s31;
	s1 =	sadd.s32 s1, s30  }
0xba: {  	s0 =	sor.u32 s3, s0;
	s1 =	sshll.u32 s1, $0x11  }
0xbb: {  	s0 =	sor.u32 s1, s0  }
0xbc: {  	s0 =	sadd.s32 $0x8F2B, s0  }
0xbd: {  	[sflag:s0] =	ssyncadd.remote.s32 $0x1  }
0xbe: {  	_ =	sfence.sel $0xFFFF  }
0xbf: {  	[dreg:$0x0] =	wrdreg $0xFFFFFFFF;
	(pc) =	sbr.abs _section_cstart, $3  }
0xc0: {  	[dreg:$0x1] =	wrdreg $0xFFFFFFFF  }
0xc1: {  	_ =	task.clear_ibuf [dreg:s7], $0x2FFFF;
	_ =	strace $0x9FFFFFFF  }
0xc2: {  	(tm) =	ssettm $0x7FFFFFFF  }
0xc3: {  	_ =	shalt  }
tec
execute0_lowered:
.L_overlay_start_1:
0x0: {  	(tag) =	ssettag $0x1  }
0x1: {  	s0 =	rddreg [dreg:$0x0]  }
0x2: {  	s7 =	rddreg [dreg:$0x1]  }
0x3: {  	s1 =	srdreg.scid;
	s3 =	simm.s32 $0x0;
	s2 =	stileid.u32  }
0x4: {  	s16 =	simm.s32 $0x200;
	s17 =	simm.s32 $0x1;
	s19 =	simm.s32 $0x2  }
0x5: {  	s21 =	simm.s32 $0x3;
	s22 =	simm.s32 $0x4400;
	s18 =	simm.s32 $0x6  }
0x6: {  	s9 =	simm.s32 $0x7848;
	s20 =	simm.s32 $0x7A50;
	s23 =	simm.s32 $0x7C58  }
0x7: {  	s24 =	simm.s32 $0x7E60;
	s25 =	simm.s32 $0x8068;
	s26 =	simm.s32 $0x8270  }
0x8: {  	s28 =	simm.s32 $0x8478;
	s1 =	sand.u32 $0x1, s1;
	[smem:$0x7FF] =	sst s3  }
0x9: {  	s2 =	sshll.u32 s2, $0xA;
	s5 =	sadd.s32 $0x600, s0;
	s6 =	sadd.s32 $0xF42A00, s0  }
0xa: {  	s14 =	sadd.s32 $0x8000, s7;
	s4 =	sshll.u32 s1, $0x9;
	s1 =	ssub.s32 $0x2, s1  }
0xb: {  	s7 =	simm.s32 $0x4;
	s4 =	sor.u32 s4, s2;
	s29 =	sshrl.u32 s1, $0x1  }
0xc: {  	v0 =	vlaneseq.u32;
	_ =	strace $0x80000047;
	s2 =	sshrl.u32 s4, $0x3;
	s0 =	ssub.s32 s1, s29  }
.Ltmp0:
0xd: {  	v0 =	vmul.u32 $0x208, v0;
	s31 =	sor.u32 $0x8000, s4;
	s10 =	sor.u32 $0xC000, s4;
	(pc) =	sbr.rel .LBB2_1-.Ltmp0, $4  }
0xe: {  	v1 =	vimm.s32 $0x0;
	vm0 =	vcmask $0x300;
	s11 =	sor.u32 $0x80, s4;
	s2 =	sadd.s32 s5, s2;
	[dreg:$0x5] =	wrdreg s31  }
0xf: {  	v1 =	vsel vm0, $0x3, v1;
	v2 =	vor.u32 $0x1, v0;
	s12 =	sor.u32 $0x100, s4;
	s0 =	smax.u32 s0, $0x1;
	[dreg:$0x3] =	wrdreg s2  }
0x10: {  	v3 =	vor.u32 $0x2, v0;
	v4 =	vor.u32 $0x3, v0;
	v5 =	vor.u32 $0x4, v0;
	s13 =	sor.u32 $0x180, s4;
	s30 =	sadd.s32 $0x800, s2;
	[dreg:$0x6] =	wrdreg s0  }
0x11: {  	v6 =	vor.u32 $0x5, v0;
	v7 =	vor.u32 $0x6, v0;
	v8 =	vor.u32 $0x7, v0;
	s1 =	simm.s32 $0x0;
	s2 =	simm.s32 $0x6480;
	[dreg:$0x4] =	wrdreg s30  }
.LBB2_12:
0x12: {  	s0 =	simm.s32 $0x5  }
0x13: {  	_ =	swait.ge [sflag:s0], $0x2000  }
0x14: {  	[sflag:s0] =	ssyncset.done $0x0  }
0x15: {  	[sflag:s0] =	ssyncadd.s32 $0xFFFFE000  }
0x16: {  	_ =	swait.ge [sflag:s18], $0x2000  }
0x17: {  	s1 =	rddreg [dreg:$0x7]  }
0x18: {  	s31 =	rddreg [dreg:$0x6];
	s1 =	sadd.s32 $0x1, s1  }
0x19: {  	p0 =	sne.s32 s1, s31  }
.Ltmp1:
0x1a: {  	_ = 	snop;
	(pc) =	sbr.rel @!p0 .LBB2_13-.Ltmp1, $3  }
0x1b: {  	_ =	sdelay $0x1  }
0x1c: {  	[sflag:s18] =	ssyncset.done $0x0  }
0x1d: {  	[sflag:s18] =	ssyncadd.s32 $0xFFFFE000  }
.LBB2_1:
0x1e: {  	[dreg:$0x7] =	wrdreg s1  }
0x1f: {  	s0 =	rddreg [dreg:$0x3]  }
0x20: {  	[tilespmem:s3], [sflag:$0x1] =	stream.linear.gather [hbm4b:s0+s3], $0x200, $0x38;
	[tilespmem:$0x8500] =	vst v63  }
0x21: {  	s30 =	rddreg [dreg:$0x4]  }
0x22: {  	[tilespmem:s16], [sflag:$0x2] =	stream.linear.gather [hbm4b:s30+s3], $0x200, $0x38;
	[tilespmem:$0x8500] =	vst v63  }
0x23: {  	_ =	swait.ge [sflag:s17], $0x200  }
0x24: {  	[sflag:s17] =	ssyncset.done $0x0  }
0x25: {  	s31 =	simm.s32 $0x400;
	s29 =	simm.s32 $0x0;
	[sflag:s17] =	ssyncadd.s32 $0xFFFFFE00  }
0x26: {  	[tilespmem:s31], [sflag:$0x3] =	stream.indirect.gather [hbm4b:s6+s16], $0x10, s3, s16, $0xb8;
	[tilespmem:$0x8500] =	vst v63  }
.LBB2_2:
0x27: {  	_ =	swait.ge [sflag:s19], $0x200  }
0x28: {  	[sflag:s19] =	ssyncset.done $0x0  }
0x29: {  	s0 =	simm.s32 $0x2400;
	[sflag:s19] =	ssyncadd.s32 $0xFFFFFE00  }
0x2a: {  	[tilespmem:s0], [sflag:$0x4] =	stream.indirect.gather [hbm4b:s6+s16], $0x10, s16, s16, $0xb8;
	[tilespmem:$0x8500] =	vst v63  }
0x2b: {  	s15 =	simm.s32 $0x0;
	_ =	swait.ge [sflag:s21], $0x2000  }
0x2c: {  	p0 =	seq.s32 s29, $0x0;
	v9 =	vmov s15;
	[sflag:s21] =	ssyncset.done $0x0  }
0x2d: {  	v9 =	vshrl.u32 v9, $0x3;
	s0 =	simm.s32 @!p0 $0x5;
	[sflag:s21] =	ssyncadd.s32 $0xFFFFE000  }
0x2e: {  	v9 =	vshll.u32 v9, v1;
	_ =	swait.ge @!p0 [sflag:s0], $0x2000  }
0x2f: {  	v9 =	vbroadcast v9, $0x0;
	[sflag:s0] =	ssyncset.done @!p0 $0x0  }
0x30: {  	s31 =	simm.s32 $0x480;
	[sflag:s0] =	ssyncadd.s32 @!p0 $0xFFFFE000  }
0x31: {  	s1 =	simm.s32 $0x1;
	v9 =	vadd.s32 v0, v9;
	v10 =	vld [tilespmem:s31+$0xFFFFFF80]  }
0x32: {  	v11 =	vmov s1  }
0x33: {  	v11 =	vshrl.u32 v11, $0x3  }
0x34: {  	v11 =	vshll.u32 v11, v1  }
0x35: {  	v11 =	vbroadcast v11, $0x0  }
0x36: {  	[tilespmem:v9+s22+$0x0] =	vst.idx.msk $0xffff, v10  }
0x37: {  	s8 =	simm.s32 $0x2;
	v10 =	vadd.s32 v2, v11;
	v9 =	vld [tilespmem:s31+$0xFFFFFF90]  }
0x38: {  	v11 =	vmov s8  }
0x39: {  	v11 =	vshrl.u32 v11, $0x3  }
0x3a: {  	v11 =	vshll.u32 v11, v1  }
0x3b: {  	v11 =	vbroadcast v11, $0x0  }
0x3c: {  	[tilespmem:v10+s22+$0x0] =	vst.idx.msk $0xffff, v9  }
0x3d: {  	s15 =	simm.s32 $0x3;
	v10 =	vadd.s32 v3, v11;
	v9 =	vld [tilespmem:s31+$0xFFFFFFA0]  }
0x3e: {  	v11 =	vmov s15  }
0x3f: {  	v11 =	vshrl.u32 v11, $0x3  }
0x40: {  	v11 =	vshll.u32 v11, v1  }
0x41: {  	v11 =	vbroadcast v11, $0x0  }
0x42: {  	[tilespmem:v10+s22+$0x0] =	vst.idx.msk $0xffff, v9  }
0x43: {  	s1 =	simm.s32 $0x4;
	v10 =	vadd.s32 v4, v11;
	v9 =	vld [tilespmem:s31+$0xFFFFFFB0]  }
0x44: {  	v11 =	vmov s1  }
0x45: {  	v11 =	vshrl.u32 v11, $0x3  }
0x46: {  	v11 =	vshll.u32 v11, v1  }
0x47: {  	v11 =	vbroadcast v11, $0x0  }
0x48: {  	[tilespmem:v10+s22+$0x0] =	vst.idx.msk $0xffff, v9  }
0x49: {  	s8 =	simm.s32 $0x5;
	v10 =	vadd.s32 v5, v11;
	v9 =	vld [tilespmem:s31+$0xFFFFFFC0]  }
0x4a: {  	v11 =	vmov s8  }
0x4b: {  	v11 =	vshrl.u32 v11, $0x3  }
0x4c: {  	v11 =	vshll.u32 v11, v1  }
0x4d: {  	v11 =	vbroadcast v11, $0x0  }
0x4e: {  	[tilespmem:v10+s22+$0x0] =	vst.idx.msk $0xffff, v9  }
0x4f: {  	s15 =	simm.s32 $0x6;
	v10 =	vadd.s32 v6, v11;
	v9 =	vld [tilespmem:s31+$0xFFFFFFD0]  }
0x50: {  	v11 =	vmov s15  }
0x51: {  	v11 =	vshrl.u32 v11, $0x3  }
0x52: {  	v11 =	vshll.u32 v11, v1  }
0x53: {  	v11 =	vbroadcast v11, $0x0  }
0x54: {  	[tilespmem:v10+s22+$0x0] =	vst.idx.msk $0xffff, v9  }
0x55: {  	s1 =	simm.s32 $0x7;
	v10 =	vadd.s32 v7, v11;
	v9 =	vld [tilespmem:s31+$0xFFFFFFE0]  }
0x56: {  	v11 =	vmov s1  }
0x57: {  	v11 =	vshrl.u32 v11, $0x3  }
0x58: {  	v11 =	vshll.u32 v11, v1  }
0x59: {  	v11 =	vbroadcast v11, $0x0  }
0x5a: {  	[tilespmem:v10+s22+$0x0] =	vst.idx.msk $0xffff, v9  }
0x5b: {  	s8 =	simm.s32 $0x8;
	v10 =	vadd.s32 v8, v11;
	v9 =	vld [tilespmem:s31+$0xFFFFFFF0]  }
0x5c: {  	v11 =	vmov s8  }
0x5d: {  	v11 =	vshrl.u32 v11, $0x3  }
0x5e: {  	v11 =	vshll.u32 v11, v1  }
0x5f: {  	v11 =	vbroadcast v11, $0x0  }
0x60: {  	[tilespmem:v10+s22+$0x0] =	vst.idx.msk $0xffff, v9  }
0x61: {  	s15 =	simm.s32 $0x9;
	v10 =	vadd.s32 v0, v11;
	v9 =	vld [tilespmem:s31+$0x0]  }
0x62: {  	v11 =	vmov s15  }
0x63: {  	v11 =	vshrl.u32 v11, $0x3  }
0x64: {  	v11 =	vshll.u32 v11, v1  }
0x65: {  	v11 =	vbroadcast v11, $0x0  }
0x66: {  	[tilespmem:v10+s22+$0x0] =	vst.idx.msk $0xffff, v9  }
0x67: {  	s1 =	simm.s32 $0xA;
	v10 =	vadd.s32 v2, v11;
	v9 =	vld [tilespmem:s31+$0x10]  }
0x68: {  	v11 =	vmov s1  }
0x69: {  	v11 =	vshrl.u32 v11, $0x3  }
0x6a: {  	v11 =	vshll.u32 v11, v1  }
0x6b: {  	v11 =	vbroadcast v11, $0x0  }
0x6c: {  	[tilespmem:v10+s22+$0x0] =	vst.idx.msk $0xffff, v9  }
0x6d: {  	s8 =	simm.s32 $0xB;
	v10 =	vadd.s32 v3, v11;
	v9 =	vld [tilespmem:s31+$0x20]  }
0x6e: {  	v11 =	vmov s8  }
0x6f: {  	v11 =	vshrl.u32 v11, $0x3  }
0x70: {  	v11 =	vshll.u32 v11, v1  }
0x71: {  	v11 =	vbroadcast v11, $0x0  }
0x72: {  	[tilespmem:v10+s22+$0x0] =	vst.idx.msk $0xffff, v9  }
0x73: {  	s15 =	simm.s32 $0xC;
	v10 =	vadd.s32 v4, v11;
	v9 =	vld [tilespmem:s31+$0x30]  }
0x74: {  	v11 =	vmov s15  }
0x75: {  	v11 =	vshrl.u32 v11, $0x3  }
0x76: {  	v11 =	vshll.u32 v11, v1  }
0x77: {  	v11 =	vbroadcast v11, $0x0  }
0x78: {  	[tilespmem:v10+s22+$0x0] =	vst.idx.msk $0xffff, v9  }
0x79: {  	s1 =	simm.s32 $0xD;
	v10 =	vadd.s32 v5, v11;
	v9 =	vld [tilespmem:s31+$0x40]  }
0x7a: {  	v11 =	vmov s1  }
0x7b: {  	v11 =	vshrl.u32 v11, $0x3  }
0x7c: {  	v11 =	vshll.u32 v11, v1  }
0x7d: {  	v11 =	vbroadcast v11, $0x0  }
0x7e: {  	[tilespmem:v10+s22+$0x0] =	vst.idx.msk $0xffff, v9  }
0x7f: {  	s8 =	simm.s32 $0xE;
	v10 =	vadd.s32 v6, v11;
	v9 =	vld [tilespmem:s31+$0x50]  }
0x80: {  	v11 =	vmov s8  }
0x81: {  	v11 =	vshrl.u32 v11, $0x3  }
0x82: {  	v11 =	vshll.u32 v11, v1  }
0x83: {  	v11 =	vbroadcast v11, $0x0  }
0x84: {  	[tilespmem:v10+s22+$0x0] =	vst.idx.msk $0xffff, v9  }
0x85: {  	s15 =	simm.s32 $0xF;
	v10 =	vadd.s32 v7, v11;
	v9 =	vld [tilespmem:s31+$0x60]  }
0x86: {  	v11 =	vmov s15  }
0x87: {  	v11 =	vshrl.u32 v11, $0x3  }
0x88: {  	v11 =	vshll.u32 v11, v1  }
0x89: {  	v11 =	vbroadcast v11, $0x0  }
0x8a: {  	s30 =	sshll.u32 s29, $0xF;
	[tilespmem:v10+s22+$0x0] =	vst.idx.msk $0xffff, v9  }
0x8b: {  	s0 =	simm.s32 $0x1F;
	s1 =	simm.s32 $0x2F;
	s8 =	simm.s32 $0x10;
	v10 =	vadd.s32 v8, v11;
	v9 =	vld [tilespmem:s31+$0x70]  }
.LBB2_3:
0x8c: {  	p1 =	sne.s32 s1, $0x1FF;
	v11 =	vmov s8  }
0x8d: {  	v11 =	vshrl.u32 v11, $0x3  }
0x8e: {  	v11 =	vshll.u32 v11, v1  }
0x8f: {  	v11 =	vbroadcast v11, $0x0  }
0x90: {  	s31 =	sadd.s32 $0x100, s31;
	[tilespmem:v10+s22+$0x0] =	vst.idx.msk $0xffff, v9  }
0x91: {  	s8 =	sadd.s32 $0xFFFFFFF2, s0;
	v9 =	vld [tilespmem:s31+$0xFFFFFF80];
	v10 =	vadd.s32 v0, v11  }
0x92: {  	v11 =	vmov s8  }
0x93: {  	v11 =	vshrl.u32 v11, $0x3  }
0x94: {  	v11 =	vshll.u32 v11, v1  }
0x95: {  	v11 =	vbroadcast v11, $0x0  }
0x96: {  	[tilespmem:v10+s22+$0x0] =	vst.idx.msk $0xffff, v9  }
0x97: {  	s8 =	sadd.s32 $0xFFFFFFF3, s0;
	v10 =	vadd.s32 v2, v11;
	v9 =	vld [tilespmem:s31+$0xFFFFFF90]  }
0x98: {  	v11 =	vmov s8  }
0x99: {  	v11 =	vshrl.u32 v11, $0x3  }
0x9a: {  	v11 =	vshll.u32 v11, v1  }
0x9b: {  	v11 =	vbroadcast v11, $0x0  }
0x9c: {  	[tilespmem:v10+s22+$0x0] =	vst.idx.msk $0xffff, v9  }
0x9d: {  	s8 =	sadd.s32 $0xFFFFFFF4, s0;
	v10 =	vadd.s32 v3, v11;
	v9 =	vld [tilespmem:s31+$0xFFFFFFA0]  }
0x9e: {  	v11 =	vmov s8  }
0x9f: {  	v11 =	vshrl.u32 v11, $0x3  }
0xa0: {  	v11 =	vshll.u32 v11, v1  }
0xa1: {  	v11 =	vbroadcast v11, $0x0  }
0xa2: {  	[tilespmem:v10+s22+$0x0] =	vst.idx.msk $0xffff, v9  }
0xa3: {  	s8 =	sadd.s32 $0xFFFFFFF5, s0;
	v10 =	vadd.s32 v4, v11;
	v9 =	vld [tilespmem:s31+$0xFFFFFFB0]  }
0xa4: {  	v11 =	vmov s8  }
0xa5: {  	v11 =	vshrl.u32 v11, $0x3  }
0xa6: {  	v11 =	vshll.u32 v11, v1  }
0xa7: {  	v11 =	vbroadcast v11, $0x0  }
0xa8: {  	[tilespmem:v10+s22+$0x0] =	vst.idx.msk $0xffff, v9  }
0xa9: {  	s8 =	sadd.s32 $0xFFFFFFF6, s0;
	v10 =	vadd.s32 v5, v11;
	v9 =	vld [tilespmem:s31+$0xFFFFFFC0]  }
0xaa: {  	v11 =	vmov s8  }
0xab: {  	v11 =	vshrl.u32 v11, $0x3  }
0xac: {  	v11 =	vshll.u32 v11, v1  }
0xad: {  	v11 =	vbroadcast v11, $0x0  }
0xae: {  	[tilespmem:v10+s22+$0x0] =	vst.idx.msk $0xffff, v9  }
0xaf: {  	s8 =	sadd.s32 $0xFFFFFFF7, s0;
	v10 =	vadd.s32 v6, v11;
	v9 =	vld [tilespmem:s31+$0xFFFFFFD0]  }
0xb0: {  	v11 =	vmov s8  }
0xb1: {  	v11 =	vshrl.u32 v11, $0x3  }
0xb2: {  	v11 =	vshll.u32 v11, v1  }
0xb3: {  	v11 =	vbroadcast v11, $0x0  }
0xb4: {  	[tilespmem:v10+s22+$0x0] =	vst.idx.msk $0xffff, v9  }
0xb5: {  	s8 =	sadd.s32 $0xFFFFFFF8, s0;
	v10 =	vadd.s32 v7, v11;
	v9 =	vld [tilespmem:s31+$0xFFFFFFE0]  }
0xb6: {  	v11 =	vmov s8  }
0xb7: {  	v11 =	vshrl.u32 v11, $0x3  }
0xb8: {  	v11 =	vshll.u32 v11, v1  }
0xb9: {  	v11 =	vbroadcast v11, $0x0  }
0xba: {  	[tilespmem:v10+s22+$0x0] =	vst.idx.msk $0xffff, v9  }
0xbb: {  	s8 =	sadd.s32 $0xFFFFFFF9, s0;
	v10 =	vadd.s32 v8, v11;
	v9 =	vld [tilespmem:s31+$0xFFFFFFF0]  }
0xbc: {  	v11 =	vmov s8  }
0xbd: {  	v11 =	vshrl.u32 v11, $0x3  }
0xbe: {  	v11 =	vshll.u32 v11, v1  }
0xbf: {  	v11 =	vbroadcast v11, $0x0  }
0xc0: {  	[tilespmem:v10+s22+$0x0] =	vst.idx.msk $0xffff, v9  }
0xc1: {  	s8 =	sadd.s32 $0xFFFFFFFA, s0;
	v10 =	vadd.s32 v0, v11;
	v9 =	vld [tilespmem:s31+$0x0]  }
0xc2: {  	v11 =	vmov s8  }
0xc3: {  	v11 =	vshrl.u32 v11, $0x3  }
0xc4: {  	v11 =	vshll.u32 v11, v1  }
0xc5: {  	v11 =	vbroadcast v11, $0x0  }
0xc6: {  	[tilespmem:v10+s22+$0x0] =	vst.idx.msk $0xffff, v9  }
0xc7: {  	s8 =	sadd.s32 $0xFFFFFFFB, s0;
	v10 =	vadd.s32 v2, v11;
	v9 =	vld [tilespmem:s31+$0x10]  }
0xc8: {  	v11 =	vmov s8  }
0xc9: {  	v11 =	vshrl.u32 v11, $0x3  }
0xca: {  	v11 =	vshll.u32 v11, v1  }
0xcb: {  	v11 =	vbroadcast v11, $0x0  }
0xcc: {  	[tilespmem:v10+s22+$0x0] =	vst.idx.msk $0xffff, v9  }
0xcd: {  	s8 =	sadd.s32 $0xFFFFFFFC, s0;
	v10 =	vadd.s32 v3, v11;
	v9 =	vld [tilespmem:s31+$0x20]  }
0xce: {  	v11 =	vmov s8  }
0xcf: {  	v11 =	vshrl.u32 v11, $0x3  }
0xd0: {  	v11 =	vshll.u32 v11, v1  }
0xd1: {  	v11 =	vbroadcast v11, $0x0  }
0xd2: {  	[tilespmem:v10+s22+$0x0] =	vst.idx.msk $0xffff, v9  }
0xd3: {  	s8 =	sadd.s32 $0xFFFFFFFD, s0;
	v10 =	vadd.s32 v4, v11;
	v9 =	vld [tilespmem:s31+$0x30]  }
0xd4: {  	v11 =	vmov s8  }
0xd5: {  	v11 =	vshrl.u32 v11, $0x3  }
0xd6: {  	v11 =	vshll.u32 v11, v1  }
0xd7: {  	v11 =	vbroadcast v11, $0x0  }
0xd8: {  	[tilespmem:v10+s22+$0x0] =	vst.idx.msk $0xffff, v9  }
0xd9: {  	s8 =	sadd.s32 $0xFFFFFFFE, s0;
	v10 =	vadd.s32 v5, v11;
	v9 =	vld [tilespmem:s31+$0x40]  }
0xda: {  	v11 =	vmov s8  }
0xdb: {  	v11 =	vshrl.u32 v11, $0x3  }
0xdc: {  	v11 =	vshll.u32 v11, v1  }
0xdd: {  	v11 =	vbroadcast v11, $0x0  }
0xde: {  	[tilespmem:v10+s22+$0x0] =	vst.idx.msk $0xffff, v9  }
0xdf: {  	s8 =	sadd.s32 $0xFFFFFFFF, s0;
	v10 =	vadd.s32 v6, v11;
	v9 =	vld [tilespmem:s31+$0x50]  }
0xe0: {  	v11 =	vmov s8  }
0xe1: {  	v11 =	vshrl.u32 v11, $0x3  }
0xe2: {  	v11 =	vshll.u32 v11, v1  }
0xe3: {  	v11 =	vbroadcast v11, $0x0  }
0xe4: {  	[tilespmem:v10+s22+$0x0] =	vst.idx.msk $0xffff, v9  }
0xe5: {  	v10 =	vadd.s32 v7, v11;
	v9 =	vld [tilespmem:s31+$0x60]  }
0xe6: {  	v11 =	vmov s0;
	s0 =	smov.u32 s1  }
.Ltmp2:
0xe7: {  	v11 =	vshrl.u32 v11, $0x3;
	(pc) =	sbr.rel @p1 .LBB2_3-.Ltmp2, $4  }
0xe8: {  	v11 =	vshll.u32 v11, v1  }
0xe9: {  	v11 =	vbroadcast v11, $0x0  }
0xea: {  	[tilespmem:v10+s22+$0x0] =	vst.idx.msk $0xffff, v9  }
0xeb: {  	s1 =	sadd.s32 $0x10, s1;
	s8 =	sadd.s32 $0xFFFFFFF1, s0;
	v10 =	vadd.s32 v8, v11;
	v9 =	vld [tilespmem:s31+$0x70]  }
0xec: {  	v11 =	vmov s8  }
0xed: {  	v11 =	vshrl.u32 v11, $0x3  }
0xee: {  	v11 =	vshll.u32 v11, v1  }
0xef: {  	v11 =	vbroadcast v11, $0x0  }
0xf0: {  	s1 =	sadd.s32 $0x100, s31;
	[tilespmem:v10+s22+$0x0] =	vst.idx.msk $0xffff, v9  }
0xf1: {  	s15 =	sadd.s32 $0xFFFFFFF2, s0;
	v9 =	vld [tilespmem:s1+$0xFFFFFF80];
	v10 =	vadd.s32 v0, v11  }
0xf2: {  	v11 =	vmov s15  }
0xf3: {  	v11 =	vshrl.u32 v11, $0x3  }
0xf4: {  	v11 =	vshll.u32 v11, v1  }
0xf5: {  	v11 =	vbroadcast v11, $0x0  }
0xf6: {  	[tilespmem:v10+s22+$0x0] =	vst.idx.msk $0xffff, v9  }
0xf7: {  	s15 =	sadd.s32 $0xFFFFFFF3, s0;
	v10 =	vadd.s32 v2, v11;
	v9 =	vld [tilespmem:s1+$0xFFFFFF90]  }
0xf8: {  	v11 =	vmov s15  }
0xf9: {  	v11 =	vshrl.u32 v11, $0x3  }
0xfa: {  	v11 =	vshll.u32 v11, v1  }
0xfb: {  	v11 =	vbroadcast v11, $0x0  }
0xfc: {  	[tilespmem:v10+s22+$0x0] =	vst.idx.msk $0xffff, v9  }
0xfd: {  	s15 =	sadd.s32 $0xFFFFFFF4, s0;
	v10 =	vadd.s32 v3, v11;
	v9 =	vld [tilespmem:s1+$0xFFFFFFA0]  }
0xfe: {  	v11 =	vmov s15  }
0xff: {  	v11 =	vshrl.u32 v11, $0x3  }
0x100: {  	v11 =	vshll.u32 v11, v1  }
0x101: {  	v11 =	vbroadcast v11, $0x0  }
0x102: {  	[tilespmem:v10+s22+$0x0] =	vst.idx.msk $0xffff, v9  }
0x103: {  	s15 =	sadd.s32 $0xFFFFFFF5, s0;
	v10 =	vadd.s32 v4, v11;
	v9 =	vld [tilespmem:s1+$0xFFFFFFB0]  }
0x104: {  	v11 =	vmov s15  }
0x105: {  	v11 =	vshrl.u32 v11, $0x3  }
0x106: {  	v11 =	vshll.u32 v11, v1  }
0x107: {  	v11 =	vbroadcast v11, $0x0  }
0x108: {  	[tilespmem:v10+s22+$0x0] =	vst.idx.msk $0xffff, v9  }
0x109: {  	s15 =	sadd.s32 $0xFFFFFFF6, s0;
	v10 =	vadd.s32 v5, v11;
	v9 =	vld [tilespmem:s1+$0xFFFFFFC0]  }
0x10a: {  	v11 =	vmov s15  }
0x10b: {  	v11 =	vshrl.u32 v11, $0x3  }
0x10c: {  	v11 =	vshll.u32 v11, v1  }
0x10d: {  	v11 =	vbroadcast v11, $0x0  }
0x10e: {  	[tilespmem:v10+s22+$0x0] =	vst.idx.msk $0xffff, v9  }
0x10f: {  	s15 =	sadd.s32 $0xFFFFFFF7, s0;
	v10 =	vadd.s32 v6, v11;
	v9 =	vld [tilespmem:s1+$0xFFFFFFD0]  }
0x110: {  	v11 =	vmov s15  }
0x111: {  	v11 =	vshrl.u32 v11, $0x3  }
0x112: {  	v11 =	vshll.u32 v11, v1  }
0x113: {  	v11 =	vbroadcast v11, $0x0  }
0x114: {  	[tilespmem:v10+s22+$0x0] =	vst.idx.msk $0xffff, v9  }
0x115: {  	s15 =	sadd.s32 $0xFFFFFFF8, s0;
	v10 =	vadd.s32 v7, v11;
	v9 =	vld [tilespmem:s1+$0xFFFFFFE0]  }
0x116: {  	v11 =	vmov s15  }
0x117: {  	v11 =	vshrl.u32 v11, $0x3  }
0x118: {  	v11 =	vshll.u32 v11, v1  }
0x119: {  	v11 =	vbroadcast v11, $0x0  }
0x11a: {  	[tilespmem:v10+s22+$0x0] =	vst.idx.msk $0xffff, v9  }
0x11b: {  	s15 =	sadd.s32 $0xFFFFFFF9, s0;
	v10 =	vadd.s32 v8, v11;
	v9 =	vld [tilespmem:s1+$0xFFFFFFF0]  }
0x11c: {  	v11 =	vmov s15  }
0x11d: {  	v11 =	vshrl.u32 v11, $0x3  }
0x11e: {  	v11 =	vshll.u32 v11, v1  }
0x11f: {  	v11 =	vbroadcast v11, $0x0  }
0x120: {  	[tilespmem:v10+s22+$0x0] =	vst.idx.msk $0xffff, v9  }
0x121: {  	s15 =	sadd.s32 $0xFFFFFFFA, s0;
	v10 =	vadd.s32 v0, v11;
	v9 =	vld [tilespmem:s1+$0x0]  }
0x122: {  	v11 =	vmov s15  }
0x123: {  	v11 =	vshrl.u32 v11, $0x3  }
0x124: {  	v11 =	vshll.u32 v11, v1  }
0x125: {  	v11 =	vbroadcast v11, $0x0  }
0x126: {  	[tilespmem:v10+s22+$0x0] =	vst.idx.msk $0xffff, v9  }
0x127: {  	s15 =	sadd.s32 $0xFFFFFFFB, s0;
	v10 =	vadd.s32 v2, v11;
	v9 =	vld [tilespmem:s1+$0x10]  }
0x128: {  	v11 =	vmov s15  }
0x129: {  	v11 =	vshrl.u32 v11, $0x3  }
0x12a: {  	v11 =	vshll.u32 v11, v1  }
0x12b: {  	v11 =	vbroadcast v11, $0x0  }
0x12c: {  	[tilespmem:v10+s22+$0x0] =	vst.idx.msk $0xffff, v9  }
0x12d: {  	s15 =	sadd.s32 $0xFFFFFFFC, s0;
	v10 =	vadd.s32 v3, v11;
	v9 =	vld [tilespmem:s1+$0x20]  }
0x12e: {  	v11 =	vmov s15  }
0x12f: {  	v11 =	vshrl.u32 v11, $0x3  }
0x130: {  	v11 =	vshll.u32 v11, v1  }
0x131: {  	v11 =	vbroadcast v11, $0x0  }
0x132: {  	[tilespmem:v10+s22+$0x0] =	vst.idx.msk $0xffff, v9  }
0x133: {  	s15 =	sadd.s32 $0xFFFFFFFD, s0;
	v10 =	vadd.s32 v4, v11;
	v9 =	vld [tilespmem:s1+$0x30]  }
0x134: {  	v11 =	vmov s15  }
0x135: {  	v11 =	vshrl.u32 v11, $0x3  }
0x136: {  	v11 =	vshll.u32 v11, v1  }
0x137: {  	v11 =	vbroadcast v11, $0x0  }
0x138: {  	[tilespmem:v10+s22+$0x0] =	vst.idx.msk $0xffff, v9  }
0x139: {  	s15 =	sadd.s32 $0xFFFFFFFE, s0;
	v10 =	vadd.s32 v5, v11;
	v9 =	vld [tilespmem:s1+$0x40]  }
0x13a: {  	v11 =	vmov s15  }
0x13b: {  	v11 =	vshrl.u32 v11, $0x3  }
0x13c: {  	v11 =	vshll.u32 v11, v1  }
0x13d: {  	v11 =	vbroadcast v11, $0x0  }
0x13e: {  	[tilespmem:v10+s22+$0x0] =	vst.idx.msk $0xffff, v9  }
0x13f: {  	s15 =	sadd.s32 $0xFFFFFFFF, s0;
	v10 =	vadd.s32 v6, v11;
	v9 =	vld [tilespmem:s1+$0x50]  }
0x140: {  	v11 =	vmov s15  }
0x141: {  	v11 =	vshrl.u32 v11, $0x3  }
0x142: {  	v11 =	vshll.u32 v11, v1  }
0x143: {  	v11 =	vbroadcast v11, $0x0  }
0x144: {  	[tilespmem:v10+s22+$0x0] =	vst.idx.msk $0xffff, v9  }
0x145: {  	v10 =	vadd.s32 v7, v11;
	v9 =	vld [tilespmem:s1+$0x60]  }
0x146: {  	v11 =	vmov s0  }
0x147: {  	v11 =	vshrl.u32 v11, $0x3  }
0x148: {  	v11 =	vshll.u32 v11, v1  }
0x149: {  	v11 =	vbroadcast v11, $0x0  }
0x14a: {  	[tilespmem:v10+s22+$0x0] =	vst.idx.msk $0xffff, v9  }
0x14b: {  	v10 =	vadd.s32 v8, v11;
	v9 =	vld [tilespmem:s1+$0x70];
	_ =	sdelay $0x2  }
0x14c: {  	s31 =	sshll.u32 s29, $0x10;
	s8 =	rddreg [dreg:$0x1]  }
0x14d: {  	s0 =	sadd.s32 s8, s31  }
0x14e: {  	s1 =	sadd.s32 s4, s0;
	[tilespmem:v10+s22+$0x0] =	vst.idx.msk $0xffff, v9  }
0x14f: {  	[hbm4b:s1+s3] =	stream.linear.scatter [tilespmem:s22], [sflag:$0x5], $0x80, $0x38;
	[tilespmem:$0x8500] =	vst v63  }
0x150: {  	s15 =	simm.s32 $0x4608;
	s8 =	sadd.s32 $0x10, s1  }
0x151: {  	[hbm4b:s8+s3] =	stream.linear.scatter [tilespmem:s15], [sflag:$0x5], $0x80, $0x38;
	[tilespmem:$0x8500] =	vst v63  }
0x152: {  	s8 =	sadd.s32 $0x20, s1;
	s15 =	simm.s32 $0x4810  }
0x153: {  	[hbm4b:s8+s3] =	stream.linear.scatter [tilespmem:s15], [sflag:$0x5], $0x80, $0x38;
	[tilespmem:$0x8500] =	vst v63  }
0x154: {  	s8 =	sadd.s32 $0x30, s1;
	s15 =	simm.s32 $0x4A18  }
0x155: {  	[hbm4b:s8+s3] =	stream.linear.scatter [tilespmem:s15], [sflag:$0x5], $0x80, $0x38;
	[tilespmem:$0x8500] =	vst v63  }
0x156: {  	s8 =	sadd.s32 $0x40, s1;
	s15 =	simm.s32 $0x4C20  }
0x157: {  	[hbm4b:s8+s3] =	stream.linear.scatter [tilespmem:s15], [sflag:$0x5], $0x80, $0x38;
	[tilespmem:$0x8500] =	vst v63  }
0x158: {  	s8 =	sadd.s32 $0x50, s1;
	s15 =	simm.s32 $0x4E28  }
0x159: {  	[hbm4b:s8+s3] =	stream.linear.scatter [tilespmem:s15], [sflag:$0x5], $0x80, $0x38;
	[tilespmem:$0x8500] =	vst v63  }
0x15a: {  	s8 =	sadd.s32 $0x60, s1;
	s15 =	simm.s32 $0x5030  }
0x15b: {  	[hbm4b:s8+s3] =	stream.linear.scatter [tilespmem:s15], [sflag:$0x5], $0x80, $0x38;
	[tilespmem:$0x8500] =	vst v63  }
0x15c: {  	s1 =	sadd.s32 $0x70, s1;
	s15 =	simm.s32 $0x5238  }
0x15d: {  	[hbm4b:s1+s3] =	stream.linear.scatter [tilespmem:s15], [sflag:$0x5], $0x80, $0x38;
	[tilespmem:$0x8500] =	vst v63  }
0x15e: {  	s1 =	sadd.s32 s11, s0;
	s15 =	simm.s32 $0x4480  }
0x15f: {  	[hbm4b:s1+s3] =	stream.linear.scatter [tilespmem:s15], [sflag:$0x5], $0x80, $0x38;
	[tilespmem:$0x8500] =	vst v63  }
0x160: {  	s8 =	sadd.s32 $0x10, s1;
	s15 =	simm.s32 $0x4688  }
0x161: {  	[hbm4b:s8+s3] =	stream.linear.scatter [tilespmem:s15], [sflag:$0x5], $0x80, $0x38;
	[tilespmem:$0x8500] =	vst v63  }
0x162: {  	s8 =	sadd.s32 $0x20, s1;
	s15 =	simm.s32 $0x4890  }
0x163: {  	[hbm4b:s8+s3] =	stream.linear.scatter [tilespmem:s15], [sflag:$0x5], $0x80, $0x38;
	[tilespmem:$0x8500] =	vst v63  }
0x164: {  	s8 =	sadd.s32 $0x30, s1;
	s15 =	simm.s32 $0x4A98  }
0x165: {  	[hbm4b:s8+s3] =	stream.linear.scatter [tilespmem:s15], [sflag:$0x5], $0x80, $0x38;
	[tilespmem:$0x8500] =	vst v63  }
0x166: {  	s8 =	sadd.s32 $0x40, s1;
	s15 =	simm.s32 $0x4CA0  }
0x167: {  	[hbm4b:s8+s3] =	stream.linear.scatter [tilespmem:s15], [sflag:$0x5], $0x80, $0x38;
	[tilespmem:$0x8500] =	vst v63  }
0x168: {  	s8 =	sadd.s32 $0x50, s1;
	s15 =	simm.s32 $0x4EA8  }
0x169: {  	[hbm4b:s8+s3] =	stream.linear.scatter [tilespmem:s15], [sflag:$0x5], $0x80, $0x38;
	[tilespmem:$0x8500] =	vst v63  }
0x16a: {  	s8 =	sadd.s32 $0x60, s1;
	s15 =	simm.s32 $0x50B0  }
0x16b: {  	[hbm4b:s8+s3] =	stream.linear.scatter [tilespmem:s15], [sflag:$0x5], $0x80, $0x38;
	[tilespmem:$0x8500] =	vst v63  }
0x16c: {  	s1 =	sadd.s32 $0x70, s1;
	s15 =	simm.s32 $0x52B8  }
0x16d: {  	[hbm4b:s1+s3] =	stream.linear.scatter [tilespmem:s15], [sflag:$0x5], $0x80, $0x38;
	[tilespmem:$0x8500] =	vst v63  }
0x16e: {  	s1 =	sadd.s32 s12, s0;
	s15 =	simm.s32 $0x4500  }
0x16f: {  	[hbm4b:s1+s3] =	stream.linear.scatter [tilespmem:s15], [sflag:$0x5], $0x80, $0x38;
	[tilespmem:$0x8500] =	vst v63  }
0x170: {  	s8 =	sadd.s32 $0x10, s1;
	s15 =	simm.s32 $0x4708  }
0x171: {  	[hbm4b:s8+s3] =	stream.linear.scatter [tilespmem:s15], [sflag:$0x5], $0x80, $0x38;
	[tilespmem:$0x8500] =	vst v63  }
0x172: {  	s8 =	sadd.s32 $0x20, s1;
	s15 =	simm.s32 $0x4910  }
0x173: {  	[hbm4b:s8+s3] =	stream.linear.scatter [tilespmem:s15], [sflag:$0x5], $0x80, $0x38;
	[tilespmem:$0x8500] =	vst v63  }
0x174: {  	s8 =	sadd.s32 $0x30, s1;
	s15 =	simm.s32 $0x4B18  }
0x175: {  	[hbm4b:s8+s3] =	stream.linear.scatter [tilespmem:s15], [sflag:$0x5], $0x80, $0x38;
	[tilespmem:$0x8500] =	vst v63  }
0x176: {  	s8 =	sadd.s32 $0x40, s1;
	s15 =	simm.s32 $0x4D20  }
0x177: {  	[hbm4b:s8+s3] =	stream.linear.scatter [tilespmem:s15], [sflag:$0x5], $0x80, $0x38;
	[tilespmem:$0x8500] =	vst v63  }
0x178: {  	s8 =	sadd.s32 $0x50, s1;
	s15 =	simm.s32 $0x4F28  }
0x179: {  	[hbm4b:s8+s3] =	stream.linear.scatter [tilespmem:s15], [sflag:$0x5], $0x80, $0x38;
	[tilespmem:$0x8500] =	vst v63  }
0x17a: {  	s8 =	sadd.s32 $0x60, s1;
	s15 =	simm.s32 $0x5130  }
0x17b: {  	[hbm4b:s8+s3] =	stream.linear.scatter [tilespmem:s15], [sflag:$0x5], $0x80, $0x38;
	[tilespmem:$0x8500] =	vst v63  }
0x17c: {  	s1 =	sadd.s32 $0x70, s1;
	s15 =	simm.s32 $0x5338  }
0x17d: {  	[hbm4b:s1+s3] =	stream.linear.scatter [tilespmem:s15], [sflag:$0x5], $0x80, $0x38;
	[tilespmem:$0x8500] =	vst v63  }
0x17e: {  	s1 =	sadd.s32 s13, s0;
	s15 =	simm.s32 $0x4580  }
0x17f: {  	[hbm4b:s1+s3] =	stream.linear.scatter [tilespmem:s15], [sflag:$0x5], $0x80, $0x38;
	[tilespmem:$0x8500] =	vst v63  }
0x180: {  	s8 =	sadd.s32 $0x10, s1;
	s15 =	simm.s32 $0x4788  }
0x181: {  	[hbm4b:s8+s3] =	stream.linear.scatter [tilespmem:s15], [sflag:$0x5], $0x80, $0x38;
	[tilespmem:$0x8500] =	vst v63  }
0x182: {  	s8 =	sadd.s32 $0x20, s1;
	s15 =	simm.s32 $0x4990  }
0x183: {  	[hbm4b:s8+s3] =	stream.linear.scatter [tilespmem:s15], [sflag:$0x5], $0x80, $0x38;
	[tilespmem:$0x8500] =	vst v63  }
0x184: {  	s8 =	sadd.s32 $0x30, s1;
	s15 =	simm.s32 $0x4B98  }
0x185: {  	[hbm4b:s8+s3] =	stream.linear.scatter [tilespmem:s15], [sflag:$0x5], $0x80, $0x38;
	[tilespmem:$0x8500] =	vst v63  }
0x186: {  	s8 =	sadd.s32 $0x40, s1;
	s15 =	simm.s32 $0x4DA0  }
0x187: {  	[hbm4b:s8+s3] =	stream.linear.scatter [tilespmem:s15], [sflag:$0x5], $0x80, $0x38;
	[tilespmem:$0x8500] =	vst v63  }
0x188: {  	s8 =	sadd.s32 $0x50, s1;
	s15 =	simm.s32 $0x4FA8  }
0x189: {  	[hbm4b:s8+s3] =	stream.linear.scatter [tilespmem:s15], [sflag:$0x5], $0x80, $0x38;
	[tilespmem:$0x8500] =	vst v63  }
0x18a: {  	s8 =	sadd.s32 $0x60, s1;
	s15 =	simm.s32 $0x51B0  }
0x18b: {  	[hbm4b:s8+s3] =	stream.linear.scatter [tilespmem:s15], [sflag:$0x5], $0x80, $0x38;
	[tilespmem:$0x8500] =	vst v63  }
0x18c: {  	s0 =	sadd.s32 $0x4000, s0;
	s1 =	sadd.s32 $0x70, s1;
	s15 =	simm.s32 $0x53B8  }
0x18d: {  	[hbm4b:s1+s3] =	stream.linear.scatter [tilespmem:s15], [sflag:$0x5], $0x80, $0x38;
	[tilespmem:$0x8500] =	vst v63  }
0x18e: {  	s1 =	sadd.s32 s4, s0;
	s15 =	simm.s32 $0x5440  }
0x18f: {  	[hbm4b:s1+s3] =	stream.linear.scatter [tilespmem:s15], [sflag:$0x5], $0x80, $0x38;
	[tilespmem:$0x8500] =	vst v63  }
0x190: {  	s8 =	sadd.s32 $0x10, s1;
	s15 =	simm.s32 $0x5648  }
0x191: {  	[hbm4b:s8+s3] =	stream.linear.scatter [tilespmem:s15], [sflag:$0x5], $0x80, $0x38;
	[tilespmem:$0x8500] =	vst v63  }
0x192: {  	s8 =	sadd.s32 $0x20, s1;
	s15 =	simm.s32 $0x5850  }
0x193: {  	[hbm4b:s8+s3] =	stream.linear.scatter [tilespmem:s15], [sflag:$0x5], $0x80, $0x38;
	[tilespmem:$0x8500] =	vst v63  }
0x194: {  	s8 =	sadd.s32 $0x30, s1;
	s15 =	simm.s32 $0x5A58  }
0x195: {  	[hbm4b:s8+s3] =	stream.linear.scatter [tilespmem:s15], [sflag:$0x5], $0x80, $0x38;
	[tilespmem:$0x8500] =	vst v63  }
0x196: {  	s8 =	sadd.s32 $0x40, s1;
	s15 =	simm.s32 $0x5C60  }
0x197: {  	[hbm4b:s8+s3] =	stream.linear.scatter [tilespmem:s15], [sflag:$0x5], $0x80, $0x38;
	[tilespmem:$0x8500] =	vst v63  }
0x198: {  	s8 =	sadd.s32 $0x50, s1;
	s15 =	simm.s32 $0x5E68  }
0x199: {  	[hbm4b:s8+s3] =	stream.linear.scatter [tilespmem:s15], [sflag:$0x5], $0x80, $0x38;
	[tilespmem:$0x8500] =	vst v63  }
0x19a: {  	s8 =	sadd.s32 $0x60, s1;
	s15 =	simm.s32 $0x6070  }
0x19b: {  	[hbm4b:s8+s3] =	stream.linear.scatter [tilespmem:s15], [sflag:$0x5], $0x80, $0x38;
	[tilespmem:$0x8500] =	vst v63  }
0x19c: {  	s1 =	sadd.s32 $0x70, s1;
	s15 =	simm.s32 $0x6278  }
0x19d: {  	[hbm4b:s1+s3] =	stream.linear.scatter [tilespmem:s15], [sflag:$0x5], $0x80, $0x38;
	[tilespmem:$0x8500] =	vst v63  }
0x19e: {  	s1 =	sadd.s32 s11, s0;
	s15 =	simm.s32 $0x54C0  }
0x19f: {  	[hbm4b:s1+s3] =	stream.linear.scatter [tilespmem:s15], [sflag:$0x5], $0x80, $0x38;
	[tilespmem:$0x8500] =	vst v63  }
0x1a0: {  	s8 =	sadd.s32 $0x10, s1;
	s15 =	simm.s32 $0x56C8  }
0x1a1: {  	[hbm4b:s8+s3] =	stream.linear.scatter [tilespmem:s15], [sflag:$0x5], $0x80, $0x38;
	[tilespmem:$0x8500] =	vst v63  }
0x1a2: {  	s8 =	sadd.s32 $0x20, s1;
	s15 =	simm.s32 $0x58D0  }
0x1a3: {  	[hbm4b:s8+s3] =	stream.linear.scatter [tilespmem:s15], [sflag:$0x5], $0x80, $0x38;
	[tilespmem:$0x8500] =	vst v63  }
0x1a4: {  	s8 =	sadd.s32 $0x30, s1;
	s15 =	simm.s32 $0x5AD8  }
0x1a5: {  	[hbm4b:s8+s3] =	stream.linear.scatter [tilespmem:s15], [sflag:$0x5], $0x80, $0x38;
	[tilespmem:$0x8500] =	vst v63  }
0x1a6: {  	s8 =	sadd.s32 $0x40, s1;
	s15 =	simm.s32 $0x5CE0  }
0x1a7: {  	[hbm4b:s8+s3] =	stream.linear.scatter [tilespmem:s15], [sflag:$0x5], $0x80, $0x38;
	[tilespmem:$0x8500] =	vst v63  }
0x1a8: {  	s8 =	sadd.s32 $0x50, s1;
	s15 =	simm.s32 $0x5EE8  }
0x1a9: {  	[hbm4b:s8+s3] =	stream.linear.scatter [tilespmem:s15], [sflag:$0x5], $0x80, $0x38;
	[tilespmem:$0x8500] =	vst v63  }
0x1aa: {  	s8 =	sadd.s32 $0x60, s1;
	s15 =	simm.s32 $0x60F0  }
0x1ab: {  	[hbm4b:s8+s3] =	stream.linear.scatter [tilespmem:s15], [sflag:$0x5], $0x80, $0x38;
	[tilespmem:$0x8500] =	vst v63  }
0x1ac: {  	s1 =	sadd.s32 $0x70, s1;
	s15 =	simm.s32 $0x62F8  }
0x1ad: {  	[hbm4b:s1+s3] =	stream.linear.scatter [tilespmem:s15], [sflag:$0x5], $0x80, $0x38;
	[tilespmem:$0x8500] =	vst v63  }
0x1ae: {  	s1 =	sadd.s32 s12, s0;
	s15 =	simm.s32 $0x5540  }
0x1af: {  	[hbm4b:s1+s3] =	stream.linear.scatter [tilespmem:s15], [sflag:$0x5], $0x80, $0x38;
	[tilespmem:$0x8500] =	vst v63  }
0x1b0: {  	s8 =	sadd.s32 $0x10, s1;
	s15 =	simm.s32 $0x5748  }
0x1b1: {  	[hbm4b:s8+s3] =	stream.linear.scatter [tilespmem:s15], [sflag:$0x5], $0x80, $0x38;
	[tilespmem:$0x8500] =	vst v63  }
0x1b2: {  	s8 =	sadd.s32 $0x20, s1;
	s15 =	simm.s32 $0x5950  }
0x1b3: {  	[hbm4b:s8+s3] =	stream.linear.scatter [tilespmem:s15], [sflag:$0x5], $0x80, $0x38;
	[tilespmem:$0x8500] =	vst v63  }
0x1b4: {  	s8 =	sadd.s32 $0x30, s1;
	s15 =	simm.s32 $0x5B58  }
0x1b5: {  	[hbm4b:s8+s3] =	stream.linear.scatter [tilespmem:s15], [sflag:$0x5], $0x80, $0x38;
	[tilespmem:$0x8500] =	vst v63  }
0x1b6: {  	s8 =	sadd.s32 $0x40, s1;
	s15 =	simm.s32 $0x5D60  }
0x1b7: {  	[hbm4b:s8+s3] =	stream.linear.scatter [tilespmem:s15], [sflag:$0x5], $0x80, $0x38;
	[tilespmem:$0x8500] =	vst v63  }
0x1b8: {  	s8 =	sadd.s32 $0x50, s1;
	s15 =	simm.s32 $0x5F68  }
0x1b9: {  	[hbm4b:s8+s3] =	stream.linear.scatter [tilespmem:s15], [sflag:$0x5], $0x80, $0x38;
	[tilespmem:$0x8500] =	vst v63  }
0x1ba: {  	s8 =	sadd.s32 $0x60, s1;
	s15 =	simm.s32 $0x6170  }
0x1bb: {  	[hbm4b:s8+s3] =	stream.linear.scatter [tilespmem:s15], [sflag:$0x5], $0x80, $0x38;
	[tilespmem:$0x8500] =	vst v63  }
0x1bc: {  	s1 =	sadd.s32 $0x70, s1;
	s15 =	simm.s32 $0x6378  }
0x1bd: {  	[hbm4b:s1+s3] =	stream.linear.scatter [tilespmem:s15], [sflag:$0x5], $0x80, $0x38;
	[tilespmem:$0x8500] =	vst v63  }
0x1be: {  	s0 =	sadd.s32 s13, s0;
	s15 =	simm.s32 $0x55C0  }
0x1bf: {  	[hbm4b:s0+s3] =	stream.linear.scatter [tilespmem:s15], [sflag:$0x5], $0x80, $0x38;
	[tilespmem:$0x8500] =	vst v63  }
0x1c0: {  	s8 =	sadd.s32 $0x10, s0;
	s15 =	simm.s32 $0x57C8  }
0x1c1: {  	[hbm4b:s8+s3] =	stream.linear.scatter [tilespmem:s15], [sflag:$0x5], $0x80, $0x38;
	[tilespmem:$0x8500] =	vst v63  }
0x1c2: {  	s8 =	sadd.s32 $0x20, s0;
	s15 =	simm.s32 $0x59D0  }
0x1c3: {  	[hbm4b:s8+s3] =	stream.linear.scatter [tilespmem:s15], [sflag:$0x5], $0x80, $0x38;
	[tilespmem:$0x8500] =	vst v63  }
0x1c4: {  	s8 =	sadd.s32 $0x30, s0;
	s15 =	simm.s32 $0x5BD8  }
0x1c5: {  	[hbm4b:s8+s3] =	stream.linear.scatter [tilespmem:s15], [sflag:$0x5], $0x80, $0x38;
	[tilespmem:$0x8500] =	vst v63  }
0x1c6: {  	s8 =	sadd.s32 $0x40, s0;
	s15 =	simm.s32 $0x5DE0  }
0x1c7: {  	[hbm4b:s8+s3] =	stream.linear.scatter [tilespmem:s15], [sflag:$0x5], $0x80, $0x38;
	[tilespmem:$0x8500] =	vst v63  }
0x1c8: {  	p1 =	sne.s32 s29, $0x63;
	s8 =	sadd.s32 $0x50, s0;
	s15 =	simm.s32 $0x5FE8  }
0x1c9: {  	[hbm4b:s8+s3] =	stream.linear.scatter [tilespmem:s15], [sflag:$0x5], $0x80, $0x38;
	[tilespmem:$0x8500] =	vst v63  }
.Ltmp3:
0x1ca: {  	_ = 	snop;
	(pc) =	sbr.rel @p1 .LBB2_6-.Ltmp3, $4  }
0x1cb: {  	s8 =	sadd.s32 $0x60, s0;
	s15 =	simm.s32 $0x61F0  }
0x1cc: {  	[hbm4b:s8+s3] =	stream.linear.scatter [tilespmem:s15], [sflag:$0x5], $0x80, $0x38;
	[tilespmem:$0x8500] =	vst v63  }
0x1cd: {  	s0 =	sadd.s32 $0x70, s0;
	s15 =	simm.s32 $0x63F8  }
0x1ce: {  	[hbm4b:s0+s3] =	stream.linear.scatter [tilespmem:s15], [sflag:$0x5], $0x80, $0x38;
	[tilespmem:$0x8500] =	vst v63  }
.Ltmp4:
0x1cf: {  	(pc) =	sbr.rel .LBB2_7-.Ltmp4, $4  }
0x1d0: {  	_ = 	snop  }
0x1d1: {  	_ =	swait.ge [sflag:s7], $0x2000  }
0x1d2: {  	[sflag:s7] =	ssyncset.done $0x0  }
0x1d3: {  	[sflag:s7] =	ssyncadd.s32 $0xFFFFE000  }
.LBB2_6:
0x1d4: {  	s0 =	rddreg [dreg:$0x5]  }
0x1d5: {  	s0 =	sadd.s32 s0, s30  }
0x1d6: {  	s0 =	sshrl.u32 s0, $0x3  }
0x1d7: {  	s0 =	sadd.s32 s5, s0  }
0x1d8: {  	[tilespmem:s3], [sflag:$0x1] =	stream.linear.gather [hbm4b:s0+s3], $0x200, $0x38;
	[tilespmem:$0x8500] =	vst v63  }
0x1d9: {  	_ =	swait.ge [sflag:s17], $0x200  }
0x1da: {  	[sflag:s17] =	ssyncset.done $0x0  }
.Ltmp5:
0x1db: {  	s15 =	simm.s32 $0x400;
	[sflag:s17] =	ssyncadd.s32 $0xFFFFFE00;
	(pc) =	sbr.rel @p0 .LBB2_8-.Ltmp5, $4  }
0x1dc: {  	[tilespmem:s15], [sflag:$0x3] =	stream.indirect.gather [hbm4b:s6+s16], $0x10, s3, s16, $0xb8;
	[tilespmem:$0x8500] =	vst v63  }
0x1dd: {  	_ =	swait.ge [sflag:s7], $0x2000  }
0x1de: {  	[sflag:s7] =	ssyncset.done $0x0  }
0x1df: {  	[sflag:s7] =	ssyncadd.s32 $0xFFFFE000  }
.LBB2_7:
0x1e0: {  	_ =	swait.ge [sflag:s18], $0x2000  }
0x1e1: {  	[sflag:s18] =	ssyncset.done $0x0  }
0x1e2: {  	[sflag:s18] =	ssyncadd.s32 $0xFFFFE000  }
.LBB2_8:
0x1e3: {  	s0 =	simm.s32 $0x0  }
0x1e4: {  	v9 =	vmov s0  }
0x1e5: {  	v9 =	vshrl.u32 v9, $0x3  }
0x1e6: {  	v9 =	vshll.u32 v9, v1  }
0x1e7: {  	v9 =	vbroadcast v9, $0x0  }
0x1e8: {  	s0 =	simm.s32 $0x24F0  }
0x1e9: {  	s1 =	simm.s32 $0x1;
	v10 =	vld [tilespmem:s0+$0xFFFFFF10];
	v9 =	vadd.s32 v0, v9  }
0x1ea: {  	v11 =	vmov s1  }
0x1eb: {  	v11 =	vshrl.u32 v11, $0x3  }
0x1ec: {  	v11 =	vshll.u32 v11, v1  }
0x1ed: {  	v11 =	vbroadcast v11, $0x0  }
0x1ee: {  	[tilespmem:v9+s2+$0x0] =	vst.idx.msk $0xffff, v10  }
0x1ef: {  	s8 =	simm.s32 $0x2;
	v10 =	vadd.s32 v2, v11;
	v9 =	vld [tilespmem:s0+$0xFFFFFF20]  }
0x1f0: {  	v11 =	vmov s8  }
0x1f1: {  	v11 =	vshrl.u32 v11, $0x3  }
0x1f2: {  	v11 =	vshll.u32 v11, v1  }
0x1f3: {  	v11 =	vbroadcast v11, $0x0  }
0x1f4: {  	[tilespmem:v10+s2+$0x0] =	vst.idx.msk $0xffff, v9  }
0x1f5: {  	s15 =	simm.s32 $0x3;
	v10 =	vadd.s32 v3, v11;
	v9 =	vld [tilespmem:s0+$0xFFFFFF30]  }
0x1f6: {  	v11 =	vmov s15  }
0x1f7: {  	v11 =	vshrl.u32 v11, $0x3  }
0x1f8: {  	v11 =	vshll.u32 v11, v1  }
0x1f9: {  	v11 =	vbroadcast v11, $0x0  }
0x1fa: {  	[tilespmem:v10+s2+$0x0] =	vst.idx.msk $0xffff, v9  }
0x1fb: {  	s8 =	simm.s32 $0x4;
	v10 =	vadd.s32 v4, v11;
	v9 =	vld [tilespmem:s0+$0xFFFFFF40]  }
0x1fc: {  	v11 =	vmov s8  }
0x1fd: {  	v11 =	vshrl.u32 v11, $0x3  }
0x1fe: {  	v11 =	vshll.u32 v11, v1  }
0x1ff: {  	v11 =	vbroadcast v11, $0x0  }
0x200: {  	[tilespmem:v10+s2+$0x0] =	vst.idx.msk $0xffff, v9  }
0x201: {  	s15 =	simm.s32 $0x5;
	v10 =	vadd.s32 v5, v11;
	v9 =	vld [tilespmem:s0+$0xFFFFFF50]  }
0x202: {  	v11 =	vmov s15  }
0x203: {  	v11 =	vshrl.u32 v11, $0x3  }
0x204: {  	v11 =	vshll.u32 v11, v1  }
0x205: {  	v11 =	vbroadcast v11, $0x0  }
0x206: {  	[tilespmem:v10+s2+$0x0] =	vst.idx.msk $0xffff, v9  }
0x207: {  	s8 =	simm.s32 $0x6;
	v10 =	vadd.s32 v6, v11;
	v9 =	vld [tilespmem:s0+$0xFFFFFF60]  }
0x208: {  	v11 =	vmov s8  }
0x209: {  	v11 =	vshrl.u32 v11, $0x3  }
0x20a: {  	v11 =	vshll.u32 v11, v1  }
0x20b: {  	v11 =	vbroadcast v11, $0x0  }
0x20c: {  	[tilespmem:v10+s2+$0x0] =	vst.idx.msk $0xffff, v9  }
0x20d: {  	s15 =	simm.s32 $0x7;
	v10 =	vadd.s32 v7, v11;
	v9 =	vld [tilespmem:s0+$0xFFFFFF70]  }
0x20e: {  	v11 =	vmov s15  }
0x20f: {  	v11 =	vshrl.u32 v11, $0x3  }
0x210: {  	v11 =	vshll.u32 v11, v1  }
0x211: {  	v11 =	vbroadcast v11, $0x0  }
0x212: {  	[tilespmem:v10+s2+$0x0] =	vst.idx.msk $0xffff, v9  }
0x213: {  	s8 =	simm.s32 $0x8;
	v10 =	vadd.s32 v8, v11;
	v9 =	vld [tilespmem:s0+$0xFFFFFF80]  }
0x214: {  	v11 =	vmov s8  }
0x215: {  	v11 =	vshrl.u32 v11, $0x3  }
0x216: {  	v11 =	vshll.u32 v11, v1  }
0x217: {  	v11 =	vbroadcast v11, $0x0  }
0x218: {  	[tilespmem:v10+s2+$0x0] =	vst.idx.msk $0xffff, v9  }
0x219: {  	s15 =	simm.s32 $0x9;
	v10 =	vadd.s32 v0, v11;
	v9 =	vld [tilespmem:s0+$0xFFFFFF90]  }
0x21a: {  	v11 =	vmov s15  }
0x21b: {  	v11 =	vshrl.u32 v11, $0x3  }
0x21c: {  	v11 =	vshll.u32 v11, v1  }
0x21d: {  	v11 =	vbroadcast v11, $0x0  }
0x21e: {  	[tilespmem:v10+s2+$0x0] =	vst.idx.msk $0xffff, v9  }
0x21f: {  	s8 =	simm.s32 $0xA;
	v10 =	vadd.s32 v2, v11;
	v9 =	vld [tilespmem:s0+$0xFFFFFFA0]  }
0x220: {  	v11 =	vmov s8  }
0x221: {  	v11 =	vshrl.u32 v11, $0x3  }
0x222: {  	v11 =	vshll.u32 v11, v1  }
0x223: {  	v11 =	vbroadcast v11, $0x0  }
0x224: {  	[tilespmem:v10+s2+$0x0] =	vst.idx.msk $0xffff, v9  }
0x225: {  	s15 =	simm.s32 $0xB;
	v10 =	vadd.s32 v3, v11;
	v9 =	vld [tilespmem:s0+$0xFFFFFFB0]  }
0x226: {  	v11 =	vmov s15  }
0x227: {  	v11 =	vshrl.u32 v11, $0x3  }
0x228: {  	v11 =	vshll.u32 v11, v1  }
0x229: {  	v11 =	vbroadcast v11, $0x0  }
0x22a: {  	[tilespmem:v10+s2+$0x0] =	vst.idx.msk $0xffff, v9  }
0x22b: {  	s8 =	simm.s32 $0xC;
	v10 =	vadd.s32 v4, v11;
	v9 =	vld [tilespmem:s0+$0xFFFFFFC0]  }
0x22c: {  	v11 =	vmov s8  }
0x22d: {  	v11 =	vshrl.u32 v11, $0x3  }
0x22e: {  	v11 =	vshll.u32 v11, v1  }
0x22f: {  	v11 =	vbroadcast v11, $0x0  }
0x230: {  	[tilespmem:v10+s2+$0x0] =	vst.idx.msk $0xffff, v9  }
0x231: {  	s15 =	simm.s32 $0xD;
	v10 =	vadd.s32 v5, v11;
	v9 =	vld [tilespmem:s0+$0xFFFFFFD0]  }
0x232: {  	v11 =	vmov s15  }
0x233: {  	v11 =	vshrl.u32 v11, $0x3  }
0x234: {  	v11 =	vshll.u32 v11, v1  }
0x235: {  	v11 =	vbroadcast v11, $0x0  }
0x236: {  	[tilespmem:v10+s2+$0x0] =	vst.idx.msk $0xffff, v9  }
0x237: {  	s8 =	simm.s32 $0xE;
	v10 =	vadd.s32 v6, v11;
	v9 =	vld [tilespmem:s0+$0xFFFFFFE0]  }
0x238: {  	v11 =	vmov s8  }
0x239: {  	v11 =	vshrl.u32 v11, $0x3  }
0x23a: {  	v11 =	vshll.u32 v11, v1  }
0x23b: {  	v11 =	vbroadcast v11, $0x0  }
0x23c: {  	[tilespmem:v10+s2+$0x0] =	vst.idx.msk $0xffff, v9  }
0x23d: {  	s15 =	simm.s32 $0xF;
	v10 =	vadd.s32 v7, v11;
	v9 =	vld [tilespmem:s0+$0xFFFFFFF0]  }
0x23e: {  	v11 =	vmov s15  }
0x23f: {  	v11 =	vshrl.u32 v11, $0x3  }
0x240: {  	v11 =	vshll.u32 v11, v1  }
0x241: {  	v11 =	vbroadcast v11, $0x0  }
0x242: {  	[tilespmem:v10+s2+$0x0] =	vst.idx.msk $0xffff, v9  }
0x243: {  	s1 =	simm.s32 $0x1F;
	s8 =	simm.s32 $0x2F;
	s15 =	simm.s32 $0x10;
	v10 =	vadd.s32 v8, v11;
	v9 =	vld [tilespmem:s0+$0x0]  }
.LBB2_9:
0x244: {  	p0 =	sne.s32 s8, $0x1FF;
	v11 =	vmov s15  }
0x245: {  	v11 =	vshrl.u32 v11, $0x3  }
0x246: {  	v11 =	vshll.u32 v11, v1  }
0x247: {  	v11 =	vbroadcast v11, $0x0  }
0x248: {  	s0 =	sadd.s32 $0x100, s0;
	[tilespmem:v10+s2+$0x0] =	vst.idx.msk $0xffff, v9  }
0x249: {  	s15 =	sadd.s32 $0xFFFFFFF2, s1;
	v9 =	vld [tilespmem:s0+$0xFFFFFF10];
	v10 =	vadd.s32 v0, v11  }
0x24a: {  	v11 =	vmov s15  }
0x24b: {  	v11 =	vshrl.u32 v11, $0x3  }
0x24c: {  	v11 =	vshll.u32 v11, v1  }
0x24d: {  	v11 =	vbroadcast v11, $0x0  }
0x24e: {  	[tilespmem:v10+s2+$0x0] =	vst.idx.msk $0xffff, v9  }
0x24f: {  	s15 =	sadd.s32 $0xFFFFFFF3, s1;
	v10 =	vadd.s32 v2, v11;
	v9 =	vld [tilespmem:s0+$0xFFFFFF20]  }
0x250: {  	v11 =	vmov s15  }
0x251: {  	v11 =	vshrl.u32 v11, $0x3  }
0x252: {  	v11 =	vshll.u32 v11, v1  }
0x253: {  	v11 =	vbroadcast v11, $0x0  }
0x254: {  	[tilespmem:v10+s2+$0x0] =	vst.idx.msk $0xffff, v9  }
0x255: {  	s15 =	sadd.s32 $0xFFFFFFF4, s1;
	v10 =	vadd.s32 v3, v11;
	v9 =	vld [tilespmem:s0+$0xFFFFFF30]  }
0x256: {  	v11 =	vmov s15  }
0x257: {  	v11 =	vshrl.u32 v11, $0x3  }
0x258: {  	v11 =	vshll.u32 v11, v1  }
0x259: {  	v11 =	vbroadcast v11, $0x0  }
0x25a: {  	[tilespmem:v10+s2+$0x0] =	vst.idx.msk $0xffff, v9  }
0x25b: {  	s15 =	sadd.s32 $0xFFFFFFF5, s1;
	v10 =	vadd.s32 v4, v11;
	v9 =	vld [tilespmem:s0+$0xFFFFFF40]  }
0x25c: {  	v11 =	vmov s15  }
0x25d: {  	v11 =	vshrl.u32 v11, $0x3  }
0x25e: {  	v11 =	vshll.u32 v11, v1  }
0x25f: {  	v11 =	vbroadcast v11, $0x0  }
0x260: {  	[tilespmem:v10+s2+$0x0] =	vst.idx.msk $0xffff, v9  }
0x261: {  	s15 =	sadd.s32 $0xFFFFFFF6, s1;
	v10 =	vadd.s32 v5, v11;
	v9 =	vld [tilespmem:s0+$0xFFFFFF50]  }
0x262: {  	v11 =	vmov s15  }
0x263: {  	v11 =	vshrl.u32 v11, $0x3  }
0x264: {  	v11 =	vshll.u32 v11, v1  }
0x265: {  	v11 =	vbroadcast v11, $0x0  }
0x266: {  	[tilespmem:v10+s2+$0x0] =	vst.idx.msk $0xffff, v9  }
0x267: {  	s15 =	sadd.s32 $0xFFFFFFF7, s1;
	v10 =	vadd.s32 v6, v11;
	v9 =	vld [tilespmem:s0+$0xFFFFFF60]  }
0x268: {  	v11 =	vmov s15  }
0x269: {  	v11 =	vshrl.u32 v11, $0x3  }
0x26a: {  	v11 =	vshll.u32 v11, v1  }
0x26b: {  	v11 =	vbroadcast v11, $0x0  }
0x26c: {  	[tilespmem:v10+s2+$0x0] =	vst.idx.msk $0xffff, v9  }
0x26d: {  	s15 =	sadd.s32 $0xFFFFFFF8, s1;
	v10 =	vadd.s32 v7, v11;
	v9 =	vld [tilespmem:s0+$0xFFFFFF70]  }
0x26e: {  	v11 =	vmov s15  }
0x26f: {  	v11 =	vshrl.u32 v11, $0x3  }
0x270: {  	v11 =	vshll.u32 v11, v1  }
0x271: {  	v11 =	vbroadcast v11, $0x0  }
0x272: {  	[tilespmem:v10+s2+$0x0] =	vst.idx.msk $0xffff, v9  }
0x273: {  	s15 =	sadd.s32 $0xFFFFFFF9, s1;
	v10 =	vadd.s32 v8, v11;
	v9 =	vld [tilespmem:s0+$0xFFFFFF80]  }
0x274: {  	v11 =	vmov s15  }
0x275: {  	v11 =	vshrl.u32 v11, $0x3  }
0x276: {  	v11 =	vshll.u32 v11, v1  }
0x277: {  	v11 =	vbroadcast v11, $0x0  }
0x278: {  	[tilespmem:v10+s2+$0x0] =	vst.idx.msk $0xffff, v9  }
0x279: {  	s15 =	sadd.s32 $0xFFFFFFFA, s1;
	v10 =	vadd.s32 v0, v11;
	v9 =	vld [tilespmem:s0+$0xFFFFFF90]  }
0x27a: {  	v11 =	vmov s15  }
0x27b: {  	v11 =	vshrl.u32 v11, $0x3  }
0x27c: {  	v11 =	vshll.u32 v11, v1  }
0x27d: {  	v11 =	vbroadcast v11, $0x0  }
0x27e: {  	[tilespmem:v10+s2+$0x0] =	vst.idx.msk $0xffff, v9  }
0x27f: {  	s15 =	sadd.s32 $0xFFFFFFFB, s1;
	v10 =	vadd.s32 v2, v11;
	v9 =	vld [tilespmem:s0+$0xFFFFFFA0]  }
0x280: {  	v11 =	vmov s15  }
0x281: {  	v11 =	vshrl.u32 v11, $0x3  }
0x282: {  	v11 =	vshll.u32 v11, v1  }
0x283: {  	v11 =	vbroadcast v11, $0x0  }
0x284: {  	[tilespmem:v10+s2+$0x0] =	vst.idx.msk $0xffff, v9  }
0x285: {  	s15 =	sadd.s32 $0xFFFFFFFC, s1;
	v10 =	vadd.s32 v3, v11;
	v9 =	vld [tilespmem:s0+$0xFFFFFFB0]  }
0x286: {  	v11 =	vmov s15  }
0x287: {  	v11 =	vshrl.u32 v11, $0x3  }
0x288: {  	v11 =	vshll.u32 v11, v1  }
0x289: {  	v11 =	vbroadcast v11, $0x0  }
0x28a: {  	[tilespmem:v10+s2+$0x0] =	vst.idx.msk $0xffff, v9  }
0x28b: {  	s15 =	sadd.s32 $0xFFFFFFFD, s1;
	v10 =	vadd.s32 v4, v11;
	v9 =	vld [tilespmem:s0+$0xFFFFFFC0]  }
0x28c: {  	v11 =	vmov s15  }
0x28d: {  	v11 =	vshrl.u32 v11, $0x3  }
0x28e: {  	v11 =	vshll.u32 v11, v1  }
0x28f: {  	v11 =	vbroadcast v11, $0x0  }
0x290: {  	[tilespmem:v10+s2+$0x0] =	vst.idx.msk $0xffff, v9  }
0x291: {  	s15 =	sadd.s32 $0xFFFFFFFE, s1;
	v10 =	vadd.s32 v5, v11;
	v9 =	vld [tilespmem:s0+$0xFFFFFFD0]  }
0x292: {  	v11 =	vmov s15  }
0x293: {  	v11 =	vshrl.u32 v11, $0x3  }
0x294: {  	v11 =	vshll.u32 v11, v1  }
0x295: {  	v11 =	vbroadcast v11, $0x0  }
0x296: {  	[tilespmem:v10+s2+$0x0] =	vst.idx.msk $0xffff, v9  }
0x297: {  	s15 =	sadd.s32 $0xFFFFFFFF, s1;
	v10 =	vadd.s32 v6, v11;
	v9 =	vld [tilespmem:s0+$0xFFFFFFE0]  }
0x298: {  	v11 =	vmov s15  }
0x299: {  	v11 =	vshrl.u32 v11, $0x3  }
0x29a: {  	v11 =	vshll.u32 v11, v1  }
0x29b: {  	v11 =	vbroadcast v11, $0x0  }
0x29c: {  	[tilespmem:v10+s2+$0x0] =	vst.idx.msk $0xffff, v9  }
0x29d: {  	v10 =	vadd.s32 v7, v11;
	v9 =	vld [tilespmem:s0+$0xFFFFFFF0]  }
0x29e: {  	v11 =	vmov s1;
	s1 =	smov.u32 s8  }
.Ltmp6:
0x29f: {  	v11 =	vshrl.u32 v11, $0x3;
	(pc) =	sbr.rel @p0 .LBB2_9-.Ltmp6, $4  }
0x2a0: {  	v11 =	vshll.u32 v11, v1  }
0x2a1: {  	v11 =	vbroadcast v11, $0x0  }
0x2a2: {  	[tilespmem:v10+s2+$0x0] =	vst.idx.msk $0xffff, v9  }
0x2a3: {  	s8 =	sadd.s32 $0x10, s8;
	s15 =	sadd.s32 $0xFFFFFFF1, s1;
	v10 =	vadd.s32 v8, v11;
	v9 =	vld [tilespmem:s0+$0x0]  }
0x2a4: {  	v11 =	vmov s15  }
0x2a5: {  	v11 =	vshrl.u32 v11, $0x3  }
0x2a6: {  	v11 =	vshll.u32 v11, v1  }
0x2a7: {  	v11 =	vbroadcast v11, $0x0  }
0x2a8: {  	s0 =	sadd.s32 $0x100, s0;
	[tilespmem:v10+s2+$0x0] =	vst.idx.msk $0xffff, v9  }
0x2a9: {  	s8 =	sadd.s32 $0xFFFFFFF2, s1;
	v9 =	vld [tilespmem:s0+$0xFFFFFF10];
	v10 =	vadd.s32 v0, v11  }
0x2aa: {  	v11 =	vmov s8  }
0x2ab: {  	v11 =	vshrl.u32 v11, $0x3  }
0x2ac: {  	v11 =	vshll.u32 v11, v1  }
0x2ad: {  	v11 =	vbroadcast v11, $0x0  }
0x2ae: {  	[tilespmem:v10+s2+$0x0] =	vst.idx.msk $0xffff, v9  }
0x2af: {  	s15 =	sadd.s32 $0xFFFFFFF3, s1;
	v10 =	vadd.s32 v2, v11;
	v9 =	vld [tilespmem:s0+$0xFFFFFF20]  }
0x2b0: {  	v11 =	vmov s15  }
0x2b1: {  	v11 =	vshrl.u32 v11, $0x3  }
0x2b2: {  	v11 =	vshll.u32 v11, v1  }
0x2b3: {  	v11 =	vbroadcast v11, $0x0  }
0x2b4: {  	[tilespmem:v10+s2+$0x0] =	vst.idx.msk $0xffff, v9  }
0x2b5: {  	s15 =	sadd.s32 $0xFFFFFFF4, s1;
	v10 =	vadd.s32 v3, v11;
	v9 =	vld [tilespmem:s0+$0xFFFFFF30]  }
0x2b6: {  	v11 =	vmov s15  }
0x2b7: {  	v11 =	vshrl.u32 v11, $0x3  }
0x2b8: {  	v11 =	vshll.u32 v11, v1  }
0x2b9: {  	v11 =	vbroadcast v11, $0x0  }
0x2ba: {  	[tilespmem:v10+s2+$0x0] =	vst.idx.msk $0xffff, v9  }
0x2bb: {  	s15 =	sadd.s32 $0xFFFFFFF5, s1;
	v10 =	vadd.s32 v4, v11;
	v9 =	vld [tilespmem:s0+$0xFFFFFF40]  }
0x2bc: {  	v11 =	vmov s15  }
0x2bd: {  	v11 =	vshrl.u32 v11, $0x3  }
0x2be: {  	v11 =	vshll.u32 v11, v1  }
0x2bf: {  	v11 =	vbroadcast v11, $0x0  }
0x2c0: {  	[tilespmem:v10+s2+$0x0] =	vst.idx.msk $0xffff, v9  }
0x2c1: {  	s15 =	sadd.s32 $0xFFFFFFF6, s1;
	v10 =	vadd.s32 v5, v11;
	v9 =	vld [tilespmem:s0+$0xFFFFFF50]  }
0x2c2: {  	v11 =	vmov s15  }
0x2c3: {  	v11 =	vshrl.u32 v11, $0x3  }
0x2c4: {  	v11 =	vshll.u32 v11, v1  }
0x2c5: {  	v11 =	vbroadcast v11, $0x0  }
0x2c6: {  	[tilespmem:v10+s2+$0x0] =	vst.idx.msk $0xffff, v9  }
0x2c7: {  	s15 =	sadd.s32 $0xFFFFFFF7, s1;
	v10 =	vadd.s32 v6, v11;
	v9 =	vld [tilespmem:s0+$0xFFFFFF60]  }
0x2c8: {  	v11 =	vmov s15  }
0x2c9: {  	v11 =	vshrl.u32 v11, $0x3  }
0x2ca: {  	v11 =	vshll.u32 v11, v1  }
0x2cb: {  	v11 =	vbroadcast v11, $0x0  }
0x2cc: {  	[tilespmem:v10+s2+$0x0] =	vst.idx.msk $0xffff, v9  }
0x2cd: {  	s15 =	sadd.s32 $0xFFFFFFF8, s1;
	v10 =	vadd.s32 v7, v11;
	v9 =	vld [tilespmem:s0+$0xFFFFFF70]  }
0x2ce: {  	v11 =	vmov s15  }
0x2cf: {  	v11 =	vshrl.u32 v11, $0x3  }
0x2d0: {  	v11 =	vshll.u32 v11, v1  }
0x2d1: {  	v11 =	vbroadcast v11, $0x0  }
0x2d2: {  	[tilespmem:v10+s2+$0x0] =	vst.idx.msk $0xffff, v9  }
0x2d3: {  	s15 =	sadd.s32 $0xFFFFFFF9, s1;
	v10 =	vadd.s32 v8, v11;
	v9 =	vld [tilespmem:s0+$0xFFFFFF80]  }
0x2d4: {  	v11 =	vmov s15  }
0x2d5: {  	v11 =	vshrl.u32 v11, $0x3  }
0x2d6: {  	v11 =	vshll.u32 v11, v1  }
0x2d7: {  	v11 =	vbroadcast v11, $0x0  }
0x2d8: {  	[tilespmem:v10+s2+$0x0] =	vst.idx.msk $0xffff, v9  }
0x2d9: {  	s15 =	sadd.s32 $0xFFFFFFFA, s1;
	v10 =	vadd.s32 v0, v11;
	v9 =	vld [tilespmem:s0+$0xFFFFFF90]  }
0x2da: {  	v11 =	vmov s15  }
0x2db: {  	v11 =	vshrl.u32 v11, $0x3  }
0x2dc: {  	v11 =	vshll.u32 v11, v1  }
0x2dd: {  	v11 =	vbroadcast v11, $0x0  }
0x2de: {  	[tilespmem:v10+s2+$0x0] =	vst.idx.msk $0xffff, v9  }
0x2df: {  	s15 =	sadd.s32 $0xFFFFFFFB, s1;
	v10 =	vadd.s32 v2, v11;
	v9 =	vld [tilespmem:s0+$0xFFFFFFA0]  }
0x2e0: {  	v11 =	vmov s15  }
0x2e1: {  	v11 =	vshrl.u32 v11, $0x3  }
0x2e2: {  	v11 =	vshll.u32 v11, v1  }
0x2e3: {  	v11 =	vbroadcast v11, $0x0  }
0x2e4: {  	[tilespmem:v10+s2+$0x0] =	vst.idx.msk $0xffff, v9  }
0x2e5: {  	s15 =	sadd.s32 $0xFFFFFFFC, s1;
	v10 =	vadd.s32 v3, v11;
	v9 =	vld [tilespmem:s0+$0xFFFFFFB0]  }
0x2e6: {  	v11 =	vmov s15  }
0x2e7: {  	v11 =	vshrl.u32 v11, $0x3  }
0x2e8: {  	v11 =	vshll.u32 v11, v1  }
0x2e9: {  	v11 =	vbroadcast v11, $0x0  }
0x2ea: {  	[tilespmem:v10+s2+$0x0] =	vst.idx.msk $0xffff, v9  }
0x2eb: {  	s15 =	sadd.s32 $0xFFFFFFFD, s1;
	v10 =	vadd.s32 v4, v11;
	v9 =	vld [tilespmem:s0+$0xFFFFFFC0]  }
0x2ec: {  	v11 =	vmov s15  }
0x2ed: {  	v11 =	vshrl.u32 v11, $0x3  }
0x2ee: {  	v11 =	vshll.u32 v11, v1  }
0x2ef: {  	v11 =	vbroadcast v11, $0x0  }
0x2f0: {  	[tilespmem:v10+s2+$0x0] =	vst.idx.msk $0xffff, v9  }
0x2f1: {  	s15 =	sadd.s32 $0xFFFFFFFE, s1;
	v10 =	vadd.s32 v5, v11;
	v9 =	vld [tilespmem:s0+$0xFFFFFFD0]  }
0x2f2: {  	v11 =	vmov s15  }
0x2f3: {  	v11 =	vshrl.u32 v11, $0x3  }
0x2f4: {  	v11 =	vshll.u32 v11, v1  }
0x2f5: {  	v11 =	vbroadcast v11, $0x0  }
0x2f6: {  	[tilespmem:v10+s2+$0x0] =	vst.idx.msk $0xffff, v9  }
0x2f7: {  	s15 =	sadd.s32 $0xFFFFFFFF, s1;
	v10 =	vadd.s32 v6, v11;
	v9 =	vld [tilespmem:s0+$0xFFFFFFE0]  }
0x2f8: {  	v11 =	vmov s15  }
0x2f9: {  	v11 =	vshrl.u32 v11, $0x3  }
0x2fa: {  	v11 =	vshll.u32 v11, v1  }
0x2fb: {  	v11 =	vbroadcast v11, $0x0  }
0x2fc: {  	[tilespmem:v10+s2+$0x0] =	vst.idx.msk $0xffff, v9  }
0x2fd: {  	v10 =	vadd.s32 v7, v11;
	v9 =	vld [tilespmem:s0+$0xFFFFFFF0]  }
0x2fe: {  	v11 =	vmov s1  }
0x2ff: {  	v11 =	vshrl.u32 v11, $0x3  }
0x300: {  	v11 =	vshll.u32 v11, v1  }
0x301: {  	v11 =	vbroadcast v11, $0x0  }
0x302: {  	[tilespmem:v10+s2+$0x0] =	vst.idx.msk $0xffff, v9  }
0x303: {  	v10 =	vadd.s32 v8, v11;
	v9 =	vld [tilespmem:s0+$0x0];
	_ =	sdelay $0x3  }
0x304: {  	s0 =	sadd.s32 s31, s14  }
0x305: {  	s1 =	sadd.s32 s4, s0;
	[tilespmem:v10+s2+$0x0] =	vst.idx.msk $0xffff, v9  }
0x306: {  	[hbm4b:s1+s3] =	stream.linear.scatter [tilespmem:s2], [sflag:$0x6], $0x80, $0x38;
	[tilespmem:$0x8500] =	vst v63  }
0x307: {  	s31 =	simm.s32 $0x6688;
	s15 =	sadd.s32 $0x10, s1  }
0x308: {  	[hbm4b:s15+s3] =	stream.linear.scatter [tilespmem:s31], [sflag:$0x6], $0x80, $0x38;
	[tilespmem:$0x8500] =	vst v63  }
0x309: {  	s15 =	sadd.s32 $0x20, s1;
	s31 =	simm.s32 $0x6890  }
0x30a: {  	[hbm4b:s15+s3] =	stream.linear.scatter [tilespmem:s31], [sflag:$0x6], $0x80, $0x38;
	[tilespmem:$0x8500] =	vst v63  }
0x30b: {  	s15 =	sadd.s32 $0x30, s1;
	s31 =	simm.s32 $0x6A98  }
0x30c: {  	[hbm4b:s15+s3] =	stream.linear.scatter [tilespmem:s31], [sflag:$0x6], $0x80, $0x38;
	[tilespmem:$0x8500] =	vst v63  }
0x30d: {  	s15 =	sadd.s32 $0x40, s1;
	s31 =	simm.s32 $0x6CA0  }
0x30e: {  	[hbm4b:s15+s3] =	stream.linear.scatter [tilespmem:s31], [sflag:$0x6], $0x80, $0x38;
	[tilespmem:$0x8500] =	vst v63  }
0x30f: {  	s15 =	sadd.s32 $0x50, s1;
	s31 =	simm.s32 $0x6EA8  }
0x310: {  	[hbm4b:s15+s3] =	stream.linear.scatter [tilespmem:s31], [sflag:$0x6], $0x80, $0x38;
	[tilespmem:$0x8500] =	vst v63  }
0x311: {  	s15 =	sadd.s32 $0x60, s1;
	s31 =	simm.s32 $0x70B0  }
0x312: {  	[hbm4b:s15+s3] =	stream.linear.scatter [tilespmem:s31], [sflag:$0x6], $0x80, $0x38;
	[tilespmem:$0x8500] =	vst v63  }
0x313: {  	s1 =	sadd.s32 $0x70, s1;
	s15 =	simm.s32 $0x72B8  }
0x314: {  	[hbm4b:s1+s3] =	stream.linear.scatter [tilespmem:s15], [sflag:$0x6], $0x80, $0x38;
	[tilespmem:$0x8500] =	vst v63  }
0x315: {  	s31 =	simm.s32 $0x6500;
	s1 =	sadd.s32 s11, s0  }
0x316: {  	[hbm4b:s1+s3] =	stream.linear.scatter [tilespmem:s31], [sflag:$0x6], $0x80, $0x38;
	[tilespmem:$0x8500] =	vst v63  }
0x317: {  	s15 =	sadd.s32 $0x10, s1;
	s31 =	simm.s32 $0x6708  }
0x318: {  	[hbm4b:s15+s3] =	stream.linear.scatter [tilespmem:s31], [sflag:$0x6], $0x80, $0x38;
	[tilespmem:$0x8500] =	vst v63  }
0x319: {  	s15 =	sadd.s32 $0x20, s1;
	s31 =	simm.s32 $0x6910  }
0x31a: {  	[hbm4b:s15+s3] =	stream.linear.scatter [tilespmem:s31], [sflag:$0x6], $0x80, $0x38;
	[tilespmem:$0x8500] =	vst v63  }
0x31b: {  	s15 =	sadd.s32 $0x30, s1;
	s31 =	simm.s32 $0x6B18  }
0x31c: {  	[hbm4b:s15+s3] =	stream.linear.scatter [tilespmem:s31], [sflag:$0x6], $0x80, $0x38;
	[tilespmem:$0x8500] =	vst v63  }
0x31d: {  	s15 =	sadd.s32 $0x40, s1;
	s31 =	simm.s32 $0x6D20  }
0x31e: {  	[hbm4b:s15+s3] =	stream.linear.scatter [tilespmem:s31], [sflag:$0x6], $0x80, $0x38;
	[tilespmem:$0x8500] =	vst v63  }
0x31f: {  	s15 =	sadd.s32 $0x50, s1;
	s31 =	simm.s32 $0x6F28  }
0x320: {  	[hbm4b:s15+s3] =	stream.linear.scatter [tilespmem:s31], [sflag:$0x6], $0x80, $0x38;
	[tilespmem:$0x8500] =	vst v63  }
0x321: {  	s15 =	sadd.s32 $0x60, s1;
	s31 =	simm.s32 $0x7130  }
0x322: {  	[hbm4b:s15+s3] =	stream.linear.scatter [tilespmem:s31], [sflag:$0x6], $0x80, $0x38;
	[tilespmem:$0x8500] =	vst v63  }
0x323: {  	s1 =	sadd.s32 $0x70, s1;
	s15 =	simm.s32 $0x7338  }
0x324: {  	[hbm4b:s1+s3] =	stream.linear.scatter [tilespmem:s15], [sflag:$0x6], $0x80, $0x38;
	[tilespmem:$0x8500] =	vst v63  }
0x325: {  	s31 =	simm.s32 $0x6580;
	s1 =	sadd.s32 s12, s0  }
0x326: {  	[hbm4b:s1+s3] =	stream.linear.scatter [tilespmem:s31], [sflag:$0x6], $0x80, $0x38;
	[tilespmem:$0x8500] =	vst v63  }
0x327: {  	s15 =	sadd.s32 $0x10, s1;
	s31 =	simm.s32 $0x6788  }
0x328: {  	[hbm4b:s15+s3] =	stream.linear.scatter [tilespmem:s31], [sflag:$0x6], $0x80, $0x38;
	[tilespmem:$0x8500] =	vst v63  }
0x329: {  	s15 =	sadd.s32 $0x20, s1;
	s31 =	simm.s32 $0x6990  }
0x32a: {  	[hbm4b:s15+s3] =	stream.linear.scatter [tilespmem:s31], [sflag:$0x6], $0x80, $0x38;
	[tilespmem:$0x8500] =	vst v63  }
0x32b: {  	s15 =	sadd.s32 $0x30, s1;
	s31 =	simm.s32 $0x6B98  }
0x32c: {  	[hbm4b:s15+s3] =	stream.linear.scatter [tilespmem:s31], [sflag:$0x6], $0x80, $0x38;
	[tilespmem:$0x8500] =	vst v63  }
0x32d: {  	s15 =	sadd.s32 $0x40, s1;
	s31 =	simm.s32 $0x6DA0  }
0x32e: {  	[hbm4b:s15+s3] =	stream.linear.scatter [tilespmem:s31], [sflag:$0x6], $0x80, $0x38;
	[tilespmem:$0x8500] =	vst v63  }
0x32f: {  	s15 =	sadd.s32 $0x50, s1;
	s31 =	simm.s32 $0x6FA8  }
0x330: {  	[hbm4b:s15+s3] =	stream.linear.scatter [tilespmem:s31], [sflag:$0x6], $0x80, $0x38;
	[tilespmem:$0x8500] =	vst v63  }
0x331: {  	s15 =	sadd.s32 $0x60, s1;
	s31 =	simm.s32 $0x71B0  }
0x332: {  	[hbm4b:s15+s3] =	stream.linear.scatter [tilespmem:s31], [sflag:$0x6], $0x80, $0x38;
	[tilespmem:$0x8500] =	vst v63  }
0x333: {  	s1 =	sadd.s32 $0x70, s1;
	s15 =	simm.s32 $0x73B8  }
0x334: {  	[hbm4b:s1+s3] =	stream.linear.scatter [tilespmem:s15], [sflag:$0x6], $0x80, $0x38;
	[tilespmem:$0x8500] =	vst v63  }
0x335: {  	s31 =	simm.s32 $0x6600;
	s1 =	sadd.s32 s13, s0  }
0x336: {  	[hbm4b:s1+s3] =	stream.linear.scatter [tilespmem:s31], [sflag:$0x6], $0x80, $0x38;
	[tilespmem:$0x8500] =	vst v63  }
0x337: {  	s15 =	sadd.s32 $0x10, s1;
	s31 =	simm.s32 $0x6808  }
0x338: {  	[hbm4b:s15+s3] =	stream.linear.scatter [tilespmem:s31], [sflag:$0x6], $0x80, $0x38;
	[tilespmem:$0x8500] =	vst v63  }
0x339: {  	s15 =	sadd.s32 $0x20, s1;
	s31 =	simm.s32 $0x6A10  }
0x33a: {  	[hbm4b:s15+s3] =	stream.linear.scatter [tilespmem:s31], [sflag:$0x6], $0x80, $0x38;
	[tilespmem:$0x8500] =	vst v63  }
0x33b: {  	s15 =	sadd.s32 $0x30, s1;
	s31 =	simm.s32 $0x6C18  }
0x33c: {  	[hbm4b:s15+s3] =	stream.linear.scatter [tilespmem:s31], [sflag:$0x6], $0x80, $0x38;
	[tilespmem:$0x8500] =	vst v63  }
0x33d: {  	s15 =	sadd.s32 $0x40, s1;
	s31 =	simm.s32 $0x6E20  }
0x33e: {  	[hbm4b:s15+s3] =	stream.linear.scatter [tilespmem:s31], [sflag:$0x6], $0x80, $0x38;
	[tilespmem:$0x8500] =	vst v63  }
0x33f: {  	s15 =	sadd.s32 $0x50, s1;
	s31 =	simm.s32 $0x7028  }
0x340: {  	[hbm4b:s15+s3] =	stream.linear.scatter [tilespmem:s31], [sflag:$0x6], $0x80, $0x38;
	[tilespmem:$0x8500] =	vst v63  }
0x341: {  	s15 =	sadd.s32 $0x60, s1;
	s31 =	simm.s32 $0x7230  }
0x342: {  	[hbm4b:s15+s3] =	stream.linear.scatter [tilespmem:s31], [sflag:$0x6], $0x80, $0x38;
	[tilespmem:$0x8500] =	vst v63  }
0x343: {  	s0 =	sadd.s32 $0x4000, s0;
	s1 =	sadd.s32 $0x70, s1;
	s15 =	simm.s32 $0x7438  }
0x344: {  	[hbm4b:s1+s3] =	stream.linear.scatter [tilespmem:s15], [sflag:$0x6], $0x80, $0x38;
	[tilespmem:$0x8500] =	vst v63  }
0x345: {  	s31 =	simm.s32 $0x74C0;
	s1 =	sadd.s32 s4, s0  }
0x346: {  	[hbm4b:s1+s3] =	stream.linear.scatter [tilespmem:s31], [sflag:$0x6], $0x80, $0x38;
	[tilespmem:$0x8500] =	vst v63  }
0x347: {  	s15 =	sadd.s32 $0x10, s1;
	s31 =	simm.s32 $0x76C8  }
0x348: {  	[hbm4b:s15+s3] =	stream.linear.scatter [tilespmem:s31], [sflag:$0x6], $0x80, $0x38;
	[tilespmem:$0x8500] =	vst v63  }
0x349: {  	s15 =	sadd.s32 $0x20, s1;
	s31 =	simm.s32 $0x78D0  }
0x34a: {  	[hbm4b:s15+s3] =	stream.linear.scatter [tilespmem:s31], [sflag:$0x6], $0x80, $0x38;
	[tilespmem:$0x8500] =	vst v63  }
0x34b: {  	s15 =	sadd.s32 $0x30, s1;
	s31 =	simm.s32 $0x7AD8  }
0x34c: {  	[hbm4b:s15+s3] =	stream.linear.scatter [tilespmem:s31], [sflag:$0x6], $0x80, $0x38;
	[tilespmem:$0x8500] =	vst v63  }
0x34d: {  	s15 =	sadd.s32 $0x40, s1;
	s31 =	simm.s32 $0x7CE0  }
0x34e: {  	[hbm4b:s15+s3] =	stream.linear.scatter [tilespmem:s31], [sflag:$0x6], $0x80, $0x38;
	[tilespmem:$0x8500] =	vst v63  }
0x34f: {  	s15 =	sadd.s32 $0x50, s1;
	s31 =	simm.s32 $0x7EE8  }
0x350: {  	[hbm4b:s15+s3] =	stream.linear.scatter [tilespmem:s31], [sflag:$0x6], $0x80, $0x38;
	[tilespmem:$0x8500] =	vst v63  }
0x351: {  	s15 =	sadd.s32 $0x60, s1;
	s31 =	simm.s32 $0x80F0  }
0x352: {  	[hbm4b:s15+s3] =	stream.linear.scatter [tilespmem:s31], [sflag:$0x6], $0x80, $0x38;
	[tilespmem:$0x8500] =	vst v63  }
0x353: {  	s1 =	sadd.s32 $0x70, s1;
	s15 =	simm.s32 $0x82F8  }
0x354: {  	[hbm4b:s1+s3] =	stream.linear.scatter [tilespmem:s15], [sflag:$0x6], $0x80, $0x38;
	[tilespmem:$0x8500] =	vst v63  }
0x355: {  	s31 =	simm.s32 $0x7540;
	s1 =	sadd.s32 s11, s0  }
0x356: {  	[hbm4b:s1+s3] =	stream.linear.scatter [tilespmem:s31], [sflag:$0x6], $0x80, $0x38;
	[tilespmem:$0x8500] =	vst v63  }
0x357: {  	s15 =	sadd.s32 $0x10, s1;
	s31 =	simm.s32 $0x7748  }
0x358: {  	[hbm4b:s15+s3] =	stream.linear.scatter [tilespmem:s31], [sflag:$0x6], $0x80, $0x38;
	[tilespmem:$0x8500] =	vst v63  }
0x359: {  	s15 =	sadd.s32 $0x20, s1;
	s31 =	simm.s32 $0x7950  }
0x35a: {  	[hbm4b:s15+s3] =	stream.linear.scatter [tilespmem:s31], [sflag:$0x6], $0x80, $0x38;
	[tilespmem:$0x8500] =	vst v63  }
0x35b: {  	s15 =	sadd.s32 $0x30, s1;
	s31 =	simm.s32 $0x7B58  }
0x35c: {  	[hbm4b:s15+s3] =	stream.linear.scatter [tilespmem:s31], [sflag:$0x6], $0x80, $0x38;
	[tilespmem:$0x8500] =	vst v63  }
0x35d: {  	s15 =	sadd.s32 $0x40, s1;
	s31 =	simm.s32 $0x7D60  }
0x35e: {  	[hbm4b:s15+s3] =	stream.linear.scatter [tilespmem:s31], [sflag:$0x6], $0x80, $0x38;
	[tilespmem:$0x8500] =	vst v63  }
0x35f: {  	s15 =	sadd.s32 $0x50, s1;
	s31 =	simm.s32 $0x7F68  }
0x360: {  	[hbm4b:s15+s3] =	stream.linear.scatter [tilespmem:s31], [sflag:$0x6], $0x80, $0x38;
	[tilespmem:$0x8500] =	vst v63  }
0x361: {  	s15 =	sadd.s32 $0x60, s1;
	s31 =	simm.s32 $0x8170  }
0x362: {  	[hbm4b:s15+s3] =	stream.linear.scatter [tilespmem:s31], [sflag:$0x6], $0x80, $0x38;
	[tilespmem:$0x8500] =	vst v63  }
0x363: {  	s1 =	sadd.s32 $0x70, s1;
	s15 =	simm.s32 $0x8378  }
0x364: {  	[hbm4b:s1+s3] =	stream.linear.scatter [tilespmem:s15], [sflag:$0x6], $0x80, $0x38;
	[tilespmem:$0x8500] =	vst v63  }
0x365: {  	s31 =	simm.s32 $0x75C0;
	s1 =	sadd.s32 s12, s0  }
0x366: {  	[hbm4b:s1+s3] =	stream.linear.scatter [tilespmem:s31], [sflag:$0x6], $0x80, $0x38;
	[tilespmem:$0x8500] =	vst v63  }
0x367: {  	s15 =	sadd.s32 $0x10, s1;
	s31 =	simm.s32 $0x77C8  }
0x368: {  	[hbm4b:s15+s3] =	stream.linear.scatter [tilespmem:s31], [sflag:$0x6], $0x80, $0x38;
	[tilespmem:$0x8500] =	vst v63  }
0x369: {  	s15 =	sadd.s32 $0x20, s1;
	s31 =	simm.s32 $0x79D0  }
0x36a: {  	[hbm4b:s15+s3] =	stream.linear.scatter [tilespmem:s31], [sflag:$0x6], $0x80, $0x38;
	[tilespmem:$0x8500] =	vst v63  }
0x36b: {  	s15 =	sadd.s32 $0x30, s1;
	s31 =	simm.s32 $0x7BD8  }
0x36c: {  	[hbm4b:s15+s3] =	stream.linear.scatter [tilespmem:s31], [sflag:$0x6], $0x80, $0x38;
	[tilespmem:$0x8500] =	vst v63  }
0x36d: {  	s15 =	sadd.s32 $0x40, s1;
	s31 =	simm.s32 $0x7DE0  }
0x36e: {  	[hbm4b:s15+s3] =	stream.linear.scatter [tilespmem:s31], [sflag:$0x6], $0x80, $0x38;
	[tilespmem:$0x8500] =	vst v63  }
0x36f: {  	s15 =	sadd.s32 $0x50, s1;
	s31 =	simm.s32 $0x7FE8  }
0x370: {  	[hbm4b:s15+s3] =	stream.linear.scatter [tilespmem:s31], [sflag:$0x6], $0x80, $0x38;
	[tilespmem:$0x8500] =	vst v63  }
0x371: {  	s15 =	sadd.s32 $0x60, s1;
	s31 =	simm.s32 $0x81F0  }
0x372: {  	[hbm4b:s15+s3] =	stream.linear.scatter [tilespmem:s31], [sflag:$0x6], $0x80, $0x38;
	[tilespmem:$0x8500] =	vst v63  }
0x373: {  	s1 =	sadd.s32 $0x70, s1;
	s15 =	simm.s32 $0x83F8  }
0x374: {  	[hbm4b:s1+s3] =	stream.linear.scatter [tilespmem:s15], [sflag:$0x6], $0x80, $0x38;
	[tilespmem:$0x8500] =	vst v63  }
0x375: {  	s0 =	sadd.s32 s13, s0;
	s31 =	simm.s32 $0x7640  }
0x376: {  	[hbm4b:s0+s3] =	stream.linear.scatter [tilespmem:s31], [sflag:$0x6], $0x80, $0x38;
	[tilespmem:$0x8500] =	vst v63  }
0x377: {  	s8 =	sadd.s32 $0x10, s0  }
0x378: {  	[hbm4b:s8+s3] =	stream.linear.scatter [tilespmem:s9], [sflag:$0x6], $0x80, $0x38;
	[tilespmem:$0x8500] =	vst v63  }
0x379: {  	s15 =	sadd.s32 $0x20, s0  }
0x37a: {  	[hbm4b:s15+s3] =	stream.linear.scatter [tilespmem:s20], [sflag:$0x6], $0x80, $0x38;
	[tilespmem:$0x8500] =	vst v63  }
0x37b: {  	s31 =	sadd.s32 $0x30, s0  }
0x37c: {  	[hbm4b:s31+s3] =	stream.linear.scatter [tilespmem:s23], [sflag:$0x6], $0x80, $0x38;
	[tilespmem:$0x8500] =	vst v63  }
0x37d: {  	s8 =	sadd.s32 $0x40, s0  }
0x37e: {  	[hbm4b:s8+s3] =	stream.linear.scatter [tilespmem:s24], [sflag:$0x6], $0x80, $0x38;
	[tilespmem:$0x8500] =	vst v63  }
0x37f: {  	p0 =	seq.s32 s29, $0x63;
	s15 =	sadd.s32 $0x50, s0  }
0x380: {  	[hbm4b:s15+s3] =	stream.linear.scatter [tilespmem:s25], [sflag:$0x6], $0x80, $0x38;
	[tilespmem:$0x8500] =	vst v63  }
.Ltmp7:
0x381: {  	_ = 	snop;
	(pc) =	sbr.rel @p0 .LBB2_12-.Ltmp7, $4  }
0x382: {  	s31 =	sadd.s32 $0x60, s0  }
0x383: {  	[hbm4b:s31+s3] =	stream.linear.scatter [tilespmem:s26], [sflag:$0x6], $0x80, $0x38;
	[tilespmem:$0x8500] =	vst v63  }
0x384: {  	s0 =	sadd.s32 $0x70, s0  }
0x385: {  	[hbm4b:s0+s3] =	stream.linear.scatter [tilespmem:s28], [sflag:$0x6], $0x80, $0x38;
	[tilespmem:$0x8500] =	vst v63  }
.Ltmp8:
0x386: {  	(pc) =	sbr.rel .LBB2_2-.Ltmp8, $4  }
0x387: {  	s0 =	sadd.s32 s10, s30  }
0x388: {  	s0 =	sshrl.u32 s0, $0x3  }
0x389: {  	s29 =	sadd.s32 $0x1, s29;
	s0 =	sadd.s32 s5, s0  }
0x38a: {  	[tilespmem:s16], [sflag:$0x2] =	stream.linear.gather [hbm4b:s0+s3], $0x200, $0x38;
	[tilespmem:$0x8500] =	vst v63  }
.LBB2_13:
0x38b: {  	_ =	sfence.sel $0x180000  }
0x38c: {  	[bflag:$0x0] =	sbarrier.arrive $0xFFFF  }
0x38d: {  	_ =	strace $0x90000047  }
0x38e: {  	s0 =	stileid.u32;
	[bflag:$0x2] =	sbarrier.arrive $0xFFFF  }
0x38f: {  	p0 =	sne.s32 s0, $0x0;
	s0 =	rddreg [dreg:$0x2]  }
0x390: {  	s0 =	sadd.s32 @!p0 $0x100000, s0  }
0x391: {  	[sflag:s0] =	ssyncadd.tile.s32 @!p0 $0x1;
	_ =	shalt  }
.Lfunc_end2:
_tile_overlayer_lowered:
.L_overlay_start_2:
0x392: {  	(tag) =	ssettag $0x2  }
0x393: {  	s0 =	rddreg [dreg:$0x0];
	s2 =	stileid.u32  }
0x394: {  	s1 =	rddreg [dreg:$0x1];
	p0 =	sne.s32 s2, $0x0  }
0x395: {  	s3 =	rddreg [dreg:$0x2];
	[bflag:$0x3] =	sbarrier.arrive $0xFFFF;
	s2 =	simm.s32 @!p0 $0x1C07  }
0x396: {  	[timem:s3], [sflag:s2] =	dma.local @!p0 [hbm:s0], s1  }
0x397: {  	s0 =	simm.s32 @!p0 $0x7  }
0x398: {  	_ =	swait.ge @!p0 [sflag:s0], s1  }
0x399: {  	s1 =	ssub.s32 @!p0 $0x0, s1;
	[sflag:s0] =	ssyncset.done @!p0 $0x0  }
0x39a: {  	[sflag:s0] =	ssyncadd.s32 @!p0 s1  }
0x39b: {  	[bflag:$0x3] =	sbarrier.arrive $0xFFFF  }
0x39c: {  	_ =	shalt  }

</sc_bundles>
